<compile_context>
chip_gen: v7x
topology: tpu7x:2x2x1
jax: 0.10.2.dev20260603
libtpu: 0.0.44.dev20260713+nightly
codegen_flags: <defaults>
</compile_context>

<pallas_src>
import jax
import jax.numpy as jnp
from jax import lax
from jax.experimental import pallas as pl
from jax.experimental.pallas import tpu as pltpu
from jax.experimental.pallas import tpu_sc as plsc

N_NODES = 10000
N_PAD = 10240
N_EDGES = 320000
E_PAD = 32 * 80 * 128
BLK = 128
NBLK = 80
STRIPE = N_PAD // 16
GK = 8

def _mesh():
    return plsc.VectorSubcoreMesh(core_axis_name="c", subcore_axis_name="s")



def _deg_body(dst_hbm, zeros_hbm, ones_hbm, out_hbm, idx_v, ones_v, acc_sh, sem):
    cid = lax.axis_index("c")
    sid = lax.axis_index("s")
    wid = cid * 16 + sid
    pltpu.sync_copy(zeros_hbm, acc_sh.at[pl.ds(sid * STRIPE, STRIPE)])
    pltpu.sync_copy(ones_hbm, ones_v)
    pltpu.sync_copy(dst_hbm.at[wid], idx_v)
    plsc.subcore_barrier()

    @pl.loop(0, NBLK // GK)
    def _(gg):
        base = gg * GK
        hs = [pltpu.async_copy(ones_v, acc_sh.at[idx_v.at[base + k]], sem,
                               add=True)
              for k in range(GK)]
        for h in hs:
            h.wait()

    plsc.subcore_barrier()
    pltpu.sync_copy(acc_sh.at[pl.ds(sid * STRIPE, STRIPE)],
                    out_hbm.at[cid, pl.ds(sid * STRIPE, STRIPE)])


def _nrsqrt(d):
    i = lax.shift_right_logical(lax.bitcast_convert_type(d, jnp.int32), 1)
    y = lax.bitcast_convert_type(jnp.int32(0x5F3759DF) - i, jnp.float32)
    for _ in range(3):
        y = y * (1.5 - 0.5 * d * y * y)
    return y


def _msg1_body(src_hbm, dst_hbm, m1_hbm, dp_hbm, zeros_hbm, out_hbm,
               idxs_v, idxd_v, rows_v, m1_v, d0_v, d1_v, table_sh, acc_sh,
               gsem, ssem):
    cid = lax.axis_index("c")
    sid = lax.axis_index("s")
    wid = cid * 16 + sid
    sl = pl.ds(sid * STRIPE, STRIPE)
    pltpu.sync_copy(zeros_hbm, acc_sh.at[sl])
    pltpu.sync_copy(m1_hbm.at[sl], m1_v)
    pltpu.sync_copy(dp_hbm.at[0, sl], d0_v)
    pltpu.sync_copy(dp_hbm.at[1, sl], d1_v)
    pltpu.sync_copy(src_hbm.at[wid], idxs_v)
    pltpu.sync_copy(dst_hbm.at[wid], idxd_v)

    @pl.loop(0, STRIPE // 16)
    def _(i):
        s16 = pl.ds(i * 16, 16)
        dv16 = _nrsqrt(d0_v[s16] + d1_v[s16] + 1.0)
        for r0 in range(16):
            r = i * 16 + r0
            m1_v[r] = m1_v[r] * dv16[r0]

    pltpu.sync_copy(m1_v, table_sh.at[sl])
    plsc.subcore_barrier()

    @pl.loop(0, NBLK // GK)
    def _(gg):
        base = gg * GK
        ghs = [pltpu.async_copy(table_sh.at[idxs_v.at[base + k]],
                                rows_v.at[pl.ds(k * BLK, BLK)], gsem)
               for k in range(GK)]
        for h in ghs:
            h.wait()
        shs = [pltpu.async_copy(rows_v.at[pl.ds(k * BLK, BLK)],
                                acc_sh.at[idxd_v.at[base + k]], ssem,
                                add=True)
               for k in range(GK)]
        for h in shs:
            h.wait()

    plsc.subcore_barrier()
    pltpu.sync_copy(acc_sh.at[sl], out_hbm.at[cid, sl])


def _sc_msg1(srcp, dstp, m1, dpart, zeros2):
    return pl.kernel(
        _msg1_body,
        out_type=jax.ShapeDtypeStruct((2, N_PAD, 16), jnp.float32),
        mesh=_mesh(),
        scratch_types=[
            pltpu.VMEM((NBLK, BLK), jnp.int32),
            pltpu.VMEM((NBLK, BLK), jnp.int32),
            pltpu.VMEM((GK * BLK, 16), jnp.float32),
            pltpu.VMEM((STRIPE, 16), jnp.float32),
            pltpu.VMEM((STRIPE,), jnp.float32),
            pltpu.VMEM((STRIPE,), jnp.float32),
            pltpu.VMEM_SHARED((N_PAD, 16), jnp.float32),
            pltpu.VMEM_SHARED((N_PAD, 16), jnp.float32),
            pltpu.SemaphoreType.DMA,
            pltpu.SemaphoreType.DMA,
        ],
        compiler_params=pltpu.CompilerParams(use_tc_tiling_on_sc=False),
    )(srcp, dstp, m1, dpart, zeros2)


def _msg_body(src_hbm, dst_hbm, table_hbm, zeros_hbm, out_hbm,
              idxs_v, idxd_v, rows_v, table_sh, acc_sh, gsem, ssem):
    cid = lax.axis_index("c")
    sid = lax.axis_index("s")
    wid = cid * 16 + sid
    pltpu.sync_copy(zeros_hbm, acc_sh.at[pl.ds(sid * STRIPE, STRIPE)])
    pltpu.sync_copy(table_hbm.at[pl.ds(sid * STRIPE, STRIPE)],
                    table_sh.at[pl.ds(sid * STRIPE, STRIPE)])
    pltpu.sync_copy(src_hbm.at[wid], idxs_v)
    pltpu.sync_copy(dst_hbm.at[wid], idxd_v)
    plsc.subcore_barrier()

    @pl.loop(0, NBLK // GK)
    def _(gg):
        base = gg * GK
        ghs = [pltpu.async_copy(table_sh.at[idxs_v.at[base + k]],
                                rows_v.at[pl.ds(k * BLK, BLK)], gsem)
               for k in range(GK)]
        for h in ghs:
            h.wait()
        shs = [pltpu.async_copy(rows_v.at[pl.ds(k * BLK, BLK)],
                                acc_sh.at[idxd_v.at[base + k]], ssem,
                                add=True)
               for k in range(GK)]
        for h in shs:
            h.wait()

    plsc.subcore_barrier()
    pltpu.sync_copy(acc_sh.at[pl.ds(sid * STRIPE, STRIPE)],
                    out_hbm.at[cid, pl.ds(sid * STRIPE, STRIPE)])


def _sc_degree(dstp, zeros1, ones128):
    return pl.kernel(
        _deg_body,
        out_type=jax.ShapeDtypeStruct((2, N_PAD), jnp.float32),
        mesh=_mesh(),
        scratch_types=[
            pltpu.VMEM((NBLK, BLK), jnp.int32),
            pltpu.VMEM((BLK,), jnp.float32),
            pltpu.VMEM_SHARED((N_PAD,), jnp.float32),
            pltpu.SemaphoreType.DMA,
        ],
    )(dstp, zeros1, ones128)


def _sc_message(srcp, dstp, table, zeros2):
    return pl.kernel(
        _msg_body,
        out_type=jax.ShapeDtypeStruct((2, N_PAD, 16), jnp.float32),
        mesh=_mesh(),
        scratch_types=[
            pltpu.VMEM((NBLK, BLK), jnp.int32),
            pltpu.VMEM((NBLK, BLK), jnp.int32),
            pltpu.VMEM((GK * BLK, 16), jnp.float32),
            pltpu.VMEM_SHARED((N_PAD, 16), jnp.float32),
            pltpu.VMEM_SHARED((N_PAD, 16), jnp.float32),
            pltpu.SemaphoreType.DMA,
            pltpu.SemaphoreType.DMA,
        ],
        compiler_params=pltpu.CompilerParams(use_tc_tiling_on_sc=False),
    )(srcp, dstp, table, zeros2)



def _mm1_body(x_ref, w_ref, o_ref):
    o_ref[...] = jnp.dot(x_ref[...], w_ref[...],
                         preferred_element_type=jnp.float32)


def _tc_mm1(xp, W1):
    return pl.pallas_call(
        _mm1_body,
        grid=(8,),
        in_specs=[
            pl.BlockSpec((N_PAD // 8, 128), lambda i: (i, 0)),
            pl.BlockSpec((128, 16), lambda i: (0, 0)),
        ],
        out_specs=pl.BlockSpec((N_PAD // 8, 16), lambda i: (i, 0)),
        out_shape=jax.ShapeDtypeStruct((N_PAD, 16), jnp.float32),
    )(xp, W1)


def _layer2_body(dp_ref, m_ref, p_ref, b1_ref, w2_ref, o_ref):
    dinv = lax.rsqrt(dp_ref[0] + dp_ref[1] + 1.0)
    dv = jnp.broadcast_to(dinv, (N_PAD, 16))
    g1 = m_ref[...] * dv
    s = p_ref[0] + p_ref[1] + g1
    t = jnp.maximum(s * dv + b1_ref[...], 0.0)
    m2 = jnp.dot(t, w2_ref[...], preferred_element_type=jnp.float32)
    g2 = m2 * dv[:, :8]
    o_ref[...] = jnp.concatenate(
        [g2, jnp.zeros((N_PAD, 8), jnp.float32)], axis=1)


def _tc_layer2(dpart3, m1, p, b1r, W2):
    return pl.pallas_call(
        _layer2_body,
        out_shape=jax.ShapeDtypeStruct((N_PAD, 16), jnp.float32),
    )(dpart3, m1, p, b1r, W2)


def _final_body(dp_ref, q_ref, g2_ref, b2_ref, wfc_ref, bfc_ref, o_ref):
    dinv = lax.rsqrt(dp_ref[0] + dp_ref[1] + 1.0)
    dv = jnp.broadcast_to(dinv, (N_PAD, 8))
    s = q_ref[0, :, :8] + q_ref[1, :, :8] + g2_ref[:, :8]
    h2 = jnp.maximum(s * dv + b2_ref[...], 0.0)
    logits = jnp.dot(h2, wfc_ref[...],
                     preferred_element_type=jnp.float32) + bfc_ref[...]
    m = jnp.max(logits, axis=1, keepdims=True)
    e = jnp.exp(logits - m)
    lse = jnp.log(jnp.sum(e, axis=1, keepdims=True)) + m
    o_ref[...] = logits - lse


def _tc_final(dpart3, q, g2p, b2r, Wfc, bfcr):
    return pl.pallas_call(
        _final_body,
        out_shape=jax.ShapeDtypeStruct((N_PAD, 2), jnp.float32),
    )(dpart3, q, g2p, b2r, Wfc, bfcr)



def kernel(x, edge_index, W1, b1, W2, b2, Wfc, bfc):
    ei = edge_index.astype(jnp.int32)
    npad = E_PAD - N_EDGES
    fill = jnp.arange(npad, dtype=jnp.int32) % 16
    srcp = jnp.concatenate([ei[0], fill]).reshape(32, NBLK, BLK)
    dstp = jnp.concatenate([ei[1], N_NODES + fill]).reshape(32, NBLK, BLK)

    xp = jnp.pad(x, ((0, N_PAD - N_NODES), (0, 0)))
    zeros1 = jnp.zeros((STRIPE,), jnp.float32)
    zeros2 = jnp.zeros((STRIPE, 16), jnp.float32)
    ones128 = jnp.ones((BLK,), jnp.float32)

    m1 = _tc_mm1(xp, W1)
    dpart = _sc_degree(dstp, zeros1, ones128)
    dpart3 = dpart.reshape(2, N_PAD, 1)

    p = _sc_msg1(srcp, dstp, m1, dpart, zeros2)
    g2p = _tc_layer2(dpart3, m1, p, b1.reshape(1, 16), W2)

    q = _sc_message(srcp, dstp, g2p, zeros2)
    out = _tc_final(dpart3, q, g2p, b2.reshape(1, 8), Wfc, bfc.reshape(1, 2))
    return out[:N_NODES]

# --- scband reference (transcript-rebuilt; emitter-appended) ---
"""Pipeline reference for scband-gnn-model-57629871178571 (READ-ONLY COPY).

The authoritative reference and input builder live on the scoring server;
editing this copy changes nothing except your own understanding.
"""

import jax, jax.numpy as jnp
import numpy as np

N_NODES = 10000
N_EDGES = 320000
D_IN = 128

def gcn_conv(x, edge_index, W, b):
    # GCNConv: add self-loops, symmetric normalization D^-1/2 (A+I) D^-1/2 X W + b
    N = x.shape[0]
    loop = jnp.arange(N, dtype=edge_index.dtype)
    src = jnp.concatenate([edge_index[0], loop])
    dst = jnp.concatenate([edge_index[1], loop])
    deg = jnp.zeros((N,), x.dtype).at[dst].add(jnp.ones((src.shape[0],), x.dtype))
    dinv = jax.lax.rsqrt(deg)
    norm = dinv[src] * dinv[dst]
    h = x @ W
    msg = jnp.take(h, src, axis=0) * norm[:, None]
    out = jnp.zeros((N, W.shape[1]), x.dtype).at[dst].add(msg)
    return out + b


def setup_inputs(seed: int = 0) -> dict:
    key = jax.random.key(seed)
    k_x, k_e, k1, k2, k3 = jax.random.split(key, 5)
    x = jax.random.normal(k_x, (N_NODES, D_IN), dtype=jnp.float32)
    edge_index = jax.random.randint(k_e, (2, N_EDGES), 0, N_NODES, dtype=jnp.int64)
    W1 = jax.random.normal(k1, (D_IN, 16), dtype=jnp.float32) * (1.0 / np.sqrt(D_IN))
    b1 = jnp.zeros((16,), jnp.float32)
    W2 = jax.random.normal(k2, (16, 8), dtype=jnp.float32) * (1.0 / np.sqrt(16))
    b2 = jnp.zeros((8,), jnp.float32)
    Wfc = jax.random.normal(k3, (8, 2), dtype=jnp.float32) * (1.0 / np.sqrt(8))
    bfc = jnp.zeros((2,), jnp.float32)
    return {"x": x, "edge_index": edge_index, "W1": W1, "b1": b1, "W2": W2, "b2": b2, "Wfc": Wfc, "bfc": bfc}


def reference(x, edge_index, W1, b1, W2, b2, Wfc, bfc):
    h = jax.nn.relu(gcn_conv(x, edge_index, W1, b1))
    # dropout p=0.1 is identity in eval mode (training=False)
    h = jax.nn.relu(gcn_conv(h, edge_index, W2, b2))
    logits = h @ Wfc + bfc
    return jax.nn.log_softmax(logits, axis=1)

if __name__ == "__main__":
    import jax
    _d = setup_inputs()
    print(jax.jit(kernel)(*tuple(_d.values())))

</pallas_src>

<mosaic_0001>
#map = affine_map<(d0, d1) -> (0, 0, 0)>
#map1 = affine_map<(d0, d1) -> (0, 0)>
module attributes {stable_mosaic.version = 14 : i64} {
  func.func @_msg1_body(%arg0: i32, %arg1: i32, %arg2: memref<32x80x128xi32, #tpu.memory_space<hbm>>, %arg3: memref<32x80x128xi32, #tpu.memory_space<hbm>>, %arg4: memref<10240x16xf32, #tpu.memory_space<hbm>>, %arg5: memref<2x10240xf32, #tpu.memory_space<hbm>>, %arg6: memref<640x16xf32, #tpu.memory_space<hbm>>, %arg7: memref<2x10240x16xf32, #tpu.memory_space<hbm>>, %arg8: memref<80x128xi32, #tpu.memory_space<vmem>>, %arg9: memref<80x128xi32, #tpu.memory_space<vmem>>, %arg10: memref<1024x16xf32, #tpu.memory_space<vmem>>, %arg11: memref<640x16xf32, #tpu.memory_space<vmem>>, %arg12: memref<640xf32, #tpu.memory_space<vmem>>, %arg13: memref<640xf32, #tpu.memory_space<vmem>>, %arg14: memref<10240x16xf32, #tpu.memory_space<vmem_shared>>, %arg15: memref<10240x16xf32, #tpu.memory_space<vmem_shared>>, %arg16: memref<!tpu.dma_semaphore, #tpu.memory_space<semaphore_mem>>, %arg17: memref<!tpu.dma_semaphore, #tpu.memory_space<semaphore_mem>>) attributes {dimension_semantics = [#tpu.dimension_semantics<core_parallel>, #tpu.dimension_semantics<subcore_parallel>], iteration_bounds = array<i64: 2, 16>, scalar_prefetch = 0 : i64, scratch_operands = 10 : i64, tpu.core_type = #tpu.core_type<sc_vector_subcore>, window_params = [{transform_indices = #map}, {transform_indices = #map}, {transform_indices = #map1}, {transform_indices = #map1}, {transform_indices = #map1}, {transform_indices = #map}]} {
    %mul3A = arith.constant 16 : i32
    %mul3A_0 = arith.muli %arg0, %mul3A : i32
    %add3A = arith.addi %mul3A_0, %arg1 : i32
    %mul3A_1 = arith.constant 640 : i32
    %mul3A_2 = arith.muli %arg1, %mul3A_1 : i32
    "tpu.region"() ({
      %run_scoped3A_14 = tpu.sem_alloc : memref<!tpu.dma_semaphore, #tpu.memory_space<semaphore_mem>>
      %dma_start3A = arith.constant 0 : i32
      %dma_start3A_15 = tpu.memref_slice %arg15[%mul3A_2, %dma_start3A] : memref<10240x16xf32, #tpu.memory_space<vmem_shared>> -> memref<640x16xf32, #tpu.memory_space<vmem_shared>>
      tpu.enqueue_dma source(%arg6 : memref<640x16xf32, #tpu.memory_space<hbm>>) target(%dma_start3A_15 : memref<640x16xf32, #tpu.memory_space<vmem_shared>>) target_semaphore(%run_scoped3A_14 : memref<!tpu.dma_semaphore, #tpu.memory_space<semaphore_mem>>)
      %dma_wait3A = arith.constant 0 : i32
      %dma_wait3A_16 = tpu.memref_slice %arg15[%mul3A_2, %dma_wait3A] : memref<10240x16xf32, #tpu.memory_space<vmem_shared>> -> memref<640x16xf32, #tpu.memory_space<vmem_shared>>
      tpu.wait_dma2 semaphore(%run_scoped3A_14 : memref<!tpu.dma_semaphore, #tpu.memory_space<semaphore_mem>>) src(%arg6 : memref<640x16xf32, #tpu.memory_space<hbm>>) dst(%dma_wait3A_16 : memref<640x16xf32, #tpu.memory_space<vmem_shared>>)
      tpu.yield
    }) : () -> ()
    "tpu.region"() ({
      %run_scoped3A_14 = tpu.sem_alloc : memref<!tpu.dma_semaphore, #tpu.memory_space<semaphore_mem>>
      %dma_start3A = arith.constant 0 : i32
      %dma_start3A_15 = tpu.memref_slice %arg4[%mul3A_2, %dma_start3A] : memref<10240x16xf32, #tpu.memory_space<hbm>> -> memref<640x16xf32, #tpu.memory_space<hbm>>
      %dma_start3A_16 = arith.constant 0 : i32
      %dma_start3A_17 = tpu.memref_slice %arg4[%mul3A_2, %dma_start3A_16] : memref<10240x16xf32, #tpu.memory_space<hbm>> -> memref<640x16xf32, #tpu.memory_space<hbm>>
      tpu.enqueue_dma source(%dma_start3A_17 : memref<640x16xf32, #tpu.memory_space<hbm>>) target(%arg11 : memref<640x16xf32, #tpu.memory_space<vmem>>) target_semaphore(%run_scoped3A_14 : memref<!tpu.dma_semaphore, #tpu.memory_space<semaphore_mem>>)
      %dma_wait3A = arith.constant 0 : i32
      %dma_wait3A_18 = tpu.memref_slice %arg4[%mul3A_2, %dma_wait3A] : memref<10240x16xf32, #tpu.memory_space<hbm>> -> memref<640x16xf32, #tpu.memory_space<hbm>>
      %dma_wait3A_19 = arith.constant 0 : i32
      %dma_wait3A_20 = tpu.memref_slice %arg4[%mul3A_2, %dma_wait3A_19] : memref<10240x16xf32, #tpu.memory_space<hbm>> -> memref<640x16xf32, #tpu.memory_space<hbm>>
      tpu.wait_dma2 semaphore(%run_scoped3A_14 : memref<!tpu.dma_semaphore, #tpu.memory_space<semaphore_mem>>) src(%dma_wait3A_20 : memref<640x16xf32, #tpu.memory_space<hbm>>) dst(%arg11 : memref<640x16xf32, #tpu.memory_space<vmem>>)
      tpu.yield
    }) : () -> ()
    %run_scoped3A = arith.constant 0 : i32
    "tpu.region"() ({
      %run_scoped3A_14 = tpu.sem_alloc : memref<!tpu.dma_semaphore, #tpu.memory_space<semaphore_mem>>
      %dma_start3A = tpu.memref_slice %arg5[%run_scoped3A, %mul3A_2] : memref<2x10240xf32, #tpu.memory_space<hbm>> -> memref<1x640xf32, #tpu.memory_space<hbm>>
      %dma_start3A_15 = tpu.memref_squeeze %dma_start3A : memref<1x640xf32, #tpu.memory_space<hbm>> -> memref<640xf32, #tpu.memory_space<hbm>>
      %dma_start3A_16 = tpu.memref_slice %arg5[%run_scoped3A, %mul3A_2] : memref<2x10240xf32, #tpu.memory_space<hbm>> -> memref<1x640xf32, #tpu.memory_space<hbm>>
      %dma_start3A_17 = tpu.memref_squeeze %dma_start3A_16 : memref<1x640xf32, #tpu.memory_space<hbm>> -> memref<640xf32, #tpu.memory_space<hbm>>
      tpu.enqueue_dma source(%dma_start3A_17 : memref<640xf32, #tpu.memory_space<hbm>>) target(%arg12 : memref<640xf32, #tpu.memory_space<vmem>>) target_semaphore(%run_scoped3A_14 : memref<!tpu.dma_semaphore, #tpu.memory_space<semaphore_mem>>)
      %dma_wait3A = tpu.memref_slice %arg5[%run_scoped3A, %mul3A_2] : memref<2x10240xf32, #tpu.memory_space<hbm>> -> memref<1x640xf32, #tpu.memory_space<hbm>>
      %dma_wait3A_18 = tpu.memref_squeeze %dma_wait3A : memref<1x640xf32, #tpu.memory_space<hbm>> -> memref<640xf32, #tpu.memory_space<hbm>>
      %dma_wait3A_19 = tpu.memref_slice %arg5[%run_scoped3A, %mul3A_2] : memref<2x10240xf32, #tpu.memory_space<hbm>> -> memref<1x640xf32, #tpu.memory_space<hbm>>
      %dma_wait3A_20 = tpu.memref_squeeze %dma_wait3A_19 : memref<1x640xf32, #tpu.memory_space<hbm>> -> memref<640xf32, #tpu.memory_space<hbm>>
      tpu.wait_dma2 semaphore(%run_scoped3A_14 : memref<!tpu.dma_semaphore, #tpu.memory_space<semaphore_mem>>) src(%dma_wait3A_20 : memref<640xf32, #tpu.memory_space<hbm>>) dst(%arg12 : memref<640xf32, #tpu.memory_space<vmem>>)
      tpu.yield
    }) : () -> ()
    %run_scoped3A_3 = arith.constant 1 : i32
    "tpu.region"() ({
      %run_scoped3A_14 = tpu.sem_alloc : memref<!tpu.dma_semaphore, #tpu.memory_space<semaphore_mem>>
      %dma_start3A = tpu.memref_slice %arg5[%run_scoped3A_3, %mul3A_2] : memref<2x10240xf32, #tpu.memory_space<hbm>> -> memref<1x640xf32, #tpu.memory_space<hbm>>
      %dma_start3A_15 = tpu.memref_squeeze %dma_start3A : memref<1x640xf32, #tpu.memory_space<hbm>> -> memref<640xf32, #tpu.memory_space<hbm>>
      %dma_start3A_16 = tpu.memref_slice %arg5[%run_scoped3A_3, %mul3A_2] : memref<2x10240xf32, #tpu.memory_space<hbm>> -> memref<1x640xf32, #tpu.memory_space<hbm>>
      %dma_start3A_17 = tpu.memref_squeeze %dma_start3A_16 : memref<1x640xf32, #tpu.memory_space<hbm>> -> memref<640xf32, #tpu.memory_space<hbm>>
      tpu.enqueue_dma source(%dma_start3A_17 : memref<640xf32, #tpu.memory_space<hbm>>) target(%arg13 : memref<640xf32, #tpu.memory_space<vmem>>) target_semaphore(%run_scoped3A_14 : memref<!tpu.dma_semaphore, #tpu.memory_space<semaphore_mem>>)
      %dma_wait3A = tpu.memref_slice %arg5[%run_scoped3A_3, %mul3A_2] : memref<2x10240xf32, #tpu.memory_space<hbm>> -> memref<1x640xf32, #tpu.memory_space<hbm>>
      %dma_wait3A_18 = tpu.memref_squeeze %dma_wait3A : memref<1x640xf32, #tpu.memory_space<hbm>> -> memref<640xf32, #tpu.memory_space<hbm>>
      %dma_wait3A_19 = tpu.memref_slice %arg5[%run_scoped3A_3, %mul3A_2] : memref<2x10240xf32, #tpu.memory_space<hbm>> -> memref<1x640xf32, #tpu.memory_space<hbm>>
      %dma_wait3A_20 = tpu.memref_squeeze %dma_wait3A_19 : memref<1x640xf32, #tpu.memory_space<hbm>> -> memref<640xf32, #tpu.memory_space<hbm>>
      tpu.wait_dma2 semaphore(%run_scoped3A_14 : memref<!tpu.dma_semaphore, #tpu.memory_space<semaphore_mem>>) src(%dma_wait3A_20 : memref<640xf32, #tpu.memory_space<hbm>>) dst(%arg13 : memref<640xf32, #tpu.memory_space<vmem>>)
      tpu.yield
    }) : () -> ()
    "tpu.region"() ({
      %run_scoped3A_14 = tpu.sem_alloc : memref<!tpu.dma_semaphore, #tpu.memory_space<semaphore_mem>>
      %dma_start3A = arith.constant 0 : i32
      %dma_start3A_15 = arith.constant 0 : i32
      %dma_start3A_16 = tpu.memref_slice %arg2[%add3A, %dma_start3A, %dma_start3A_15] : memref<32x80x128xi32, #tpu.memory_space<hbm>> -> memref<1x80x128xi32, #tpu.memory_space<hbm>>
      %dma_start3A_17 = tpu.memref_squeeze %dma_start3A_16 : memref<1x80x128xi32, #tpu.memory_space<hbm>> -> memref<80x128xi32, #tpu.memory_space<hbm>>
      %dma_start3A_18 = arith.constant 0 : i32
      %dma_start3A_19 = arith.constant 0 : i32
      %dma_start3A_20 = tpu.memref_slice %arg2[%add3A, %dma_start3A_18, %dma_start3A_19] : memref<32x80x128xi32, #tpu.memory_space<hbm>> -> memref<1x80x128xi32, #tpu.memory_space<hbm>>
      %dma_start3A_21 = tpu.memref_squeeze %dma_start3A_20 : memref<1x80x128xi32, #tpu.memory_space<hbm>> -> memref<80x128xi32, #tpu.memory_space<hbm>>
      tpu.enqueue_dma source(%dma_start3A_21 : memref<80x128xi32, #tpu.memory_space<hbm>>) target(%arg8 : memref<80x128xi32, #tpu.memory_space<vmem>>) target_semaphore(%run_scoped3A_14 : memref<!tpu.dma_semaphore, #tpu.memory_space<semaphore_mem>>)
      %dma_wait3A = arith.constant 0 : i32
      %dma_wait3A_22 = arith.constant 0 : i32
      %dma_wait3A_23 = tpu.memref_slice %arg2[%add3A, %dma_wait3A, %dma_wait3A_22] : memref<32x80x128xi32, #tpu.memory_space<hbm>> -> memref<1x80x128xi32, #tpu.memory_space<hbm>>
      %dma_wait3A_24 = tpu.memref_squeeze %dma_wait3A_23 : memref<1x80x128xi32, #tpu.memory_space<hbm>> -> memref<80x128xi32, #tpu.memory_space<hbm>>
      %dma_wait3A_25 = arith.constant 0 : i32
      %dma_wait3A_26 = arith.constant 0 : i32
      %dma_wait3A_27 = tpu.memref_slice %arg2[%add3A, %dma_wait3A_25, %dma_wait3A_26] : memref<32x80x128xi32, #tpu.memory_space<hbm>> -> memref<1x80x128xi32, #tpu.memory_space<hbm>>
      %dma_wait3A_28 = tpu.memref_squeeze %dma_wait3A_27 : memref<1x80x128xi32, #tpu.memory_space<hbm>> -> memref<80x128xi32, #tpu.memory_space<hbm>>
      tpu.wait_dma2 semaphore(%run_scoped3A_14 : memref<!tpu.dma_semaphore, #tpu.memory_space<semaphore_mem>>) src(%dma_wait3A_28 : memref<80x128xi32, #tpu.memory_space<hbm>>) dst(%arg8 : memref<80x128xi32, #tpu.memory_space<vmem>>)
      tpu.yield
    }) : () -> ()
    "tpu.region"() ({
      %run_scoped3A_14 = tpu.sem_alloc : memref<!tpu.dma_semaphore, #tpu.memory_space<semaphore_mem>>
      %dma_start3A = arith.constant 0 : i32
      %dma_start3A_15 = arith.constant 0 : i32
      %dma_start3A_16 = tpu.memref_slice %arg3[%add3A, %dma_start3A, %dma_start3A_15] : memref<32x80x128xi32, #tpu.memory_space<hbm>> -> memref<1x80x128xi32, #tpu.memory_space<hbm>>
      %dma_start3A_17 = tpu.memref_squeeze %dma_start3A_16 : memref<1x80x128xi32, #tpu.memory_space<hbm>> -> memref<80x128xi32, #tpu.memory_space<hbm>>
      %dma_start3A_18 = arith.constant 0 : i32
      %dma_start3A_19 = arith.constant 0 : i32
      %dma_start3A_20 = tpu.memref_slice %arg3[%add3A, %dma_start3A_18, %dma_start3A_19] : memref<32x80x128xi32, #tpu.memory_space<hbm>> -> memref<1x80x128xi32, #tpu.memory_space<hbm>>
      %dma_start3A_21 = tpu.memref_squeeze %dma_start3A_20 : memref<1x80x128xi32, #tpu.memory_space<hbm>> -> memref<80x128xi32, #tpu.memory_space<hbm>>
      tpu.enqueue_dma source(%dma_start3A_21 : memref<80x128xi32, #tpu.memory_space<hbm>>) target(%arg9 : memref<80x128xi32, #tpu.memory_space<vmem>>) target_semaphore(%run_scoped3A_14 : memref<!tpu.dma_semaphore, #tpu.memory_space<semaphore_mem>>)
      %dma_wait3A = arith.constant 0 : i32
      %dma_wait3A_22 = arith.constant 0 : i32
      %dma_wait3A_23 = tpu.memref_slice %arg3[%add3A, %dma_wait3A, %dma_wait3A_22] : memref<32x80x128xi32, #tpu.memory_space<hbm>> -> memref<1x80x128xi32, #tpu.memory_space<hbm>>
      %dma_wait3A_24 = tpu.memref_squeeze %dma_wait3A_23 : memref<1x80x128xi32, #tpu.memory_space<hbm>> -> memref<80x128xi32, #tpu.memory_space<hbm>>
      %dma_wait3A_25 = arith.constant 0 : i32
      %dma_wait3A_26 = arith.constant 0 : i32
      %dma_wait3A_27 = tpu.memref_slice %arg3[%add3A, %dma_wait3A_25, %dma_wait3A_26] : memref<32x80x128xi32, #tpu.memory_space<hbm>> -> memref<1x80x128xi32, #tpu.memory_space<hbm>>
      %dma_wait3A_28 = tpu.memref_squeeze %dma_wait3A_27 : memref<1x80x128xi32, #tpu.memory_space<hbm>> -> memref<80x128xi32, #tpu.memory_space<hbm>>
      tpu.wait_dma2 semaphore(%run_scoped3A_14 : memref<!tpu.dma_semaphore, #tpu.memory_space<semaphore_mem>>) src(%dma_wait3A_28 : memref<80x128xi32, #tpu.memory_space<hbm>>) dst(%arg9 : memref<80x128xi32, #tpu.memory_space<vmem>>)
      tpu.yield
    }) : () -> ()
    %scan3A = arith.constant 0 : i32
    %scan3A_4 = arith.constant 40 : i32
    %scan3A_5 = arith.addi %scan3A, %scan3A_4 : i32
    %scan3A_6 = arith.constant 1 : i32
    scf.for %scan3A_14 = %scan3A to %scan3A_5 step %scan3A_6  : i32 {
      %mul3A_15 = arith.constant 1 : i32
      %mul3A_16 = arith.muli %scan3A_14, %mul3A_15 : i32
      %add3A_17 = arith.constant 0 : i32
      %add3A_18 = arith.addi %add3A_17, %mul3A_16 : i32
      %mul3A_19 = arith.constant 16 : i32
      %mul3A_20 = arith.muli %add3A_18, %mul3A_19 : i32
      %get3A = arith.index_cast %mul3A_20 : i32 to index
      %get3A_21 = tpu.vector_load %arg12[%get3A] {strides = array<i32>} : memref<640xf32, #tpu.memory_space<vmem>>, vector<16xf32>,
      %get3A_22 = vector.shape_cast %get3A_21 : vector<16xf32> to vector<16xf32>
      %get3A_23 = arith.index_cast %mul3A_20 : i32 to index
      %get3A_24 = tpu.vector_load %arg13[%get3A_23] {strides = array<i32>} : memref<640xf32, #tpu.memory_space<vmem>>, vector<16xf32>,
      %get3A_25 = vector.shape_cast %get3A_24 : vector<16xf32> to vector<16xf32>
      %add3A_26 = arith.addf %get3A_22, %get3A_25 : vector<16xf32>
      %add3A_27 = arith.constant 1.000000e+00 : f32
      %add3A_28 = vector.broadcast %add3A_27 : f32 to vector<16xf32>
      %add3A_29 = arith.addf %add3A_26, %add3A_28 : vector<16xf32>
      %bitcast_convert_type3A = tpu.bitcast %add3A_29 : vector<16xf32> -> vector<16xi32>
      %shift_right_logical3A = arith.constant 1 : i32
      %shift_right_logical3A_30 = vector.broadcast %shift_right_logical3A : i32 to vector<16xi32>
      %shift_right_logical3A_31 = arith.shrui %bitcast_convert_type3A, %shift_right_logical3A_30 : vector<16xi32>
      %sub3A = arith.constant 1597463007 : i32
      %sub3A_32 = vector.broadcast %sub3A : i32 to vector<16xi32>
      %sub3A_33 = arith.subi %sub3A_32, %shift_right_logical3A_31 : vector<16xi32>
      %bitcast_convert_type3A_34 = tpu.bitcast %sub3A_33 : vector<16xi32> -> vector<16xf32>
      %mul3A_35 = arith.constant 5.000000e-01 : f32
      %mul3A_36 = vector.broadcast %mul3A_35 : f32 to vector<16xf32>
      %mul3A_37 = arith.mulf %mul3A_36, %add3A_29 : vector<16xf32>
      %mul3A_38 = arith.mulf %mul3A_37, %bitcast_convert_type3A_34 : vector<16xf32>
      %mul3A_39 = arith.mulf %mul3A_38, %bitcast_convert_type3A_34 : vector<16xf32>
      %sub3A_40 = arith.constant 1.500000e+00 : f32
      %sub3A_41 = vector.broadcast %sub3A_40 : f32 to vector<16xf32>
      %sub3A_42 = arith.subf %sub3A_41, %mul3A_39 : vector<16xf32>
      %mul3A_43 = arith.mulf %bitcast_convert_type3A_34, %sub3A_42 : vector<16xf32>
      %mul3A_44 = arith.constant 5.000000e-01 : f32
      %mul3A_45 = vector.broadcast %mul3A_44 : f32 to vector<16xf32>
      %mul3A_46 = arith.mulf %mul3A_45, %add3A_29 : vector<16xf32>
      %mul3A_47 = arith.mulf %mul3A_46, %mul3A_43 : vector<16xf32>
      %mul3A_48 = arith.mulf %mul3A_47, %mul3A_43 : vector<16xf32>
      %sub3A_49 = arith.constant 1.500000e+00 : f32
      %sub3A_50 = vector.broadcast %sub3A_49 : f32 to vector<16xf32>
      %sub3A_51 = arith.subf %sub3A_50, %mul3A_48 : vector<16xf32>
      %mul3A_52 = arith.mulf %mul3A_43, %sub3A_51 : vector<16xf32>
      %mul3A_53 = arith.constant 5.000000e-01 : f32
      %mul3A_54 = vector.broadcast %mul3A_53 : f32 to vector<16xf32>
      %mul3A_55 = arith.mulf %mul3A_54, %add3A_29 : vector<16xf32>
      %mul3A_56 = arith.mulf %mul3A_55, %mul3A_52 : vector<16xf32>
      %mul3A_57 = arith.mulf %mul3A_56, %mul3A_52 : vector<16xf32>
      %sub3A_58 = arith.constant 1.500000e+00 : f32
      %sub3A_59 = vector.broadcast %sub3A_58 : f32 to vector<16xf32>
      %sub3A_60 = arith.subf %sub3A_59, %mul3A_57 : vector<16xf32>
      %mul3A_61 = arith.mulf %mul3A_52, %sub3A_60 : vector<16xf32>
      %mul3A_62 = arith.constant 16 : i32
      %mul3A_63 = arith.muli %add3A_18, %mul3A_62 : i32
      %add3A_64 = arith.constant 0 : i32
      %add3A_65 = arith.addi %mul3A_63, %add3A_64 : i32
      %get3A_66 = arith.index_cast %add3A_65 : i32 to index
      %get3A_67 = arith.constant 0 : index
      %get3A_68 = tpu.vector_load %arg11[%get3A_66, %get3A_67] {strides = array<i32>} : memref<640x16xf32, #tpu.memory_space<vmem>>, vector<1x16xf32>,
      %get3A_69 = vector.shape_cast %get3A_68 : vector<1x16xf32> to vector<16xf32>
      %slice3A = vector.extract_strided_slice %mul3A_61 {offsets = [0], sizes = [1], strides = [1]} : vector<16xf32> to vector<1xf32>
      %squeeze3A = vector.extract %slice3A[0] : f32 from vector<1xf32>
      %mul3A_70 = vector.broadcast %squeeze3A : f32 to vector<16xf32>
      %mul3A_71 = arith.mulf %get3A_69, %mul3A_70 : vector<16xf32>
      %swap3A = arith.index_cast %add3A_65 : i32 to index
      %swap3A_72 = arith.constant 0 : index
      %swap3A_73 = tpu.vector_load %arg11[%swap3A, %swap3A_72] {strides = array<i32>} : memref<640x16xf32, #tpu.memory_space<vmem>>, vector<1x16xf32>,
      %swap3A_74 = vector.shape_cast %swap3A_73 : vector<1x16xf32> to vector<16xf32>
      %swap3A_75 = vector.shape_cast %mul3A_71 : vector<16xf32> to vector<1x16xf32>
      tpu.vector_store %arg11[%swap3A, %swap3A_72], %swap3A_75 {strides = array<i32>} : memref<640x16xf32, #tpu.memory_space<vmem>>, vector<1x16xf32>,
      %mul3A_76 = arith.constant 16 : i32
      %mul3A_77 = arith.muli %add3A_18, %mul3A_76 : i32
      %add3A_78 = arith.constant 1 : i32
      %add3A_79 = arith.addi %mul3A_77, %add3A_78 : i32
      %get3A_80 = arith.index_cast %add3A_79 : i32 to index
      %get3A_81 = arith.constant 0 : index
      %get3A_82 = tpu.vector_load %arg11[%get3A_80, %get3A_81] {strides = array<i32>} : memref<640x16xf32, #tpu.memory_space<vmem>>, vector<1x16xf32>,
      %get3A_83 = vector.shape_cast %get3A_82 : vector<1x16xf32> to vector<16xf32>
      %slice3A_84 = vector.extract_strided_slice %mul3A_61 {offsets = [1], sizes = [1], strides = [1]} : vector<16xf32> to vector<1xf32>
      %squeeze3A_85 = vector.extract %slice3A_84[0] : f32 from vector<1xf32>
      %mul3A_86 = vector.broadcast %squeeze3A_85 : f32 to vector<16xf32>
      %mul3A_87 = arith.mulf %get3A_83, %mul3A_86 : vector<16xf32>
      %swap3A_88 = arith.index_cast %add3A_79 : i32 to index
      %swap3A_89 = arith.constant 0 : index
      %swap3A_90 = tpu.vector_load %arg11[%swap3A_88, %swap3A_89] {strides = array<i32>} : memref<640x16xf32, #tpu.memory_space<vmem>>, vector<1x16xf32>,
      %swap3A_91 = vector.shape_cast %swap3A_90 : vector<1x16xf32> to vector<16xf32>
      %swap3A_92 = vector.shape_cast %mul3A_87 : vector<16xf32> to vector<1x16xf32>
      tpu.vector_store %arg11[%swap3A_88, %swap3A_89], %swap3A_92 {strides = array<i32>} : memref<640x16xf32, #tpu.memory_space<vmem>>, vector<1x16xf32>,
      %mul3A_93 = arith.constant 16 : i32
      %mul3A_94 = arith.muli %add3A_18, %mul3A_93 : i32
      %add3A_95 = arith.constant 2 : i32
      %add3A_96 = arith.addi %mul3A_94, %add3A_95 : i32
      %get3A_97 = arith.index_cast %add3A_96 : i32 to index
      %get3A_98 = arith.constant 0 : index
      %get3A_99 = tpu.vector_load %arg11[%get3A_97, %get3A_98] {strides = array<i32>} : memref<640x16xf32, #tpu.memory_space<vmem>>, vector<1x16xf32>,
      %get3A_100 = vector.shape_cast %get3A_99 : vector<1x16xf32> to vector<16xf32>
      %slice3A_101 = vector.extract_strided_slice %mul3A_61 {offsets = [2], sizes = [1], strides = [1]} : vector<16xf32> to vector<1xf32>
      %squeeze3A_102 = vector.extract %slice3A_101[0] : f32 from vector<1xf32>
      %mul3A_103 = vector.broadcast %squeeze3A_102 : f32 to vector<16xf32>
      %mul3A_104 = arith.mulf %get3A_100, %mul3A_103 : vector<16xf32>
      %swap3A_105 = arith.index_cast %add3A_96 : i32 to index
      %swap3A_106 = arith.constant 0 : index
      %swap3A_107 = tpu.vector_load %arg11[%swap3A_105, %swap3A_106] {strides = array<i32>} : memref<640x16xf32, #tpu.memory_space<vmem>>, vector<1x16xf32>,
      %swap3A_108 = vector.shape_cast %swap3A_107 : vector<1x16xf32> to vector<16xf32>
      %swap3A_109 = vector.shape_cast %mul3A_104 : vector<16xf32> to vector<1x16xf32>
      tpu.vector_store %arg11[%swap3A_105, %swap3A_106], %swap3A_109 {strides = array<i32>} : memref<640x16xf32, #tpu.memory_space<vmem>>, vector<1x16xf32>,
      %mul3A_110 = arith.constant 16 : i32
      %mul3A_111 = arith.muli %add3A_18, %mul3A_110 : i32
      %add3A_112 = arith.constant 3 : i32
      %add3A_113 = arith.addi %mul3A_111, %add3A_112 : i32
      %get3A_114 = arith.index_cast %add3A_113 : i32 to index
      %get3A_115 = arith.constant 0 : index
      %get3A_116 = tpu.vector_load %arg11[%get3A_114, %get3A_115] {strides = array<i32>} : memref<640x16xf32, #tpu.memory_space<vmem>>, vector<1x16xf32>,
      %get3A_117 = vector.shape_cast %get3A_116 : vector<1x16xf32> to vector<16xf32>
      %slice3A_118 = vector.extract_strided_slice %mul3A_61 {offsets = [3], sizes = [1], strides = [1]} : vector<16xf32> to vector<1xf32>
      %squeeze3A_119 = vector.extract %slice3A_118[0] : f32 from vector<1xf32>
      %mul3A_120 = vector.broadcast %squeeze3A_119 : f32 to vector<16xf32>
      %mul3A_121 = arith.mulf %get3A_117, %mul3A_120 : vector<16xf32>
      %swap3A_122 = arith.index_cast %add3A_113 : i32 to index
      %swap3A_123 = arith.constant 0 : index
      %swap3A_124 = tpu.vector_load %arg11[%swap3A_122, %swap3A_123] {strides = array<i32>} : memref<640x16xf32, #tpu.memory_space<vmem>>, vector<1x16xf32>,
      %swap3A_125 = vector.shape_cast %swap3A_124 : vector<1x16xf32> to vector<16xf32>
      %swap3A_126 = vector.shape_cast %mul3A_121 : vector<16xf32> to vector<1x16xf32>
      tpu.vector_store %arg11[%swap3A_122, %swap3A_123], %swap3A_126 {strides = array<i32>} : memref<640x16xf32, #tpu.memory_space<vmem>>, vector<1x16xf32>,
      %mul3A_127 = arith.constant 16 : i32
      %mul3A_128 = arith.muli %add3A_18, %mul3A_127 : i32
      %add3A_129 = arith.constant 4 : i32
      %add3A_130 = arith.addi %mul3A_128, %add3A_129 : i32
      %get3A_131 = arith.index_cast %add3A_130 : i32 to index
      %get3A_132 = arith.constant 0 : index
      %get3A_133 = tpu.vector_load %arg11[%get3A_131, %get3A_132] {strides = array<i32>} : memref<640x16xf32, #tpu.memory_space<vmem>>, vector<1x16xf32>,
      %get3A_134 = vector.shape_cast %get3A_133 : vector<1x16xf32> to vector<16xf32>
      %slice3A_135 = vector.extract_strided_slice %mul3A_61 {offsets = [4], sizes = [1], strides = [1]} : vector<16xf32> to vector<1xf32>
      %squeeze3A_136 = vector.extract %slice3A_135[0] : f32 from vector<1xf32>
      %mul3A_137 = vector.broadcast %squeeze3A_136 : f32 to vector<16xf32>
      %mul3A_138 = arith.mulf %get3A_134, %mul3A_137 : vector<16xf32>
      %swap3A_139 = arith.index_cast %add3A_130 : i32 to index
      %swap3A_140 = arith.constant 0 : index
      %swap3A_141 = tpu.vector_load %arg11[%swap3A_139, %swap3A_140] {strides = array<i32>} : memref<640x16xf32, #tpu.memory_space<vmem>>, vector<1x16xf32>,
      %swap3A_142 = vector.shape_cast %swap3A_141 : vector<1x16xf32> to vector<16xf32>
      %swap3A_143 = vector.shape_cast %mul3A_138 : vector<16xf32> to vector<1x16xf32>
      tpu.vector_store %arg11[%swap3A_139, %swap3A_140], %swap3A_143 {strides = array<i32>} : memref<640x16xf32, #tpu.memory_space<vmem>>, vector<1x16xf32>,
      %mul3A_144 = arith.constant 16 : i32
      %mul3A_145 = arith.muli %add3A_18, %mul3A_144 : i32
      %add3A_146 = arith.constant 5 : i32
      %add3A_147 = arith.addi %mul3A_145, %add3A_146 : i32
      %get3A_148 = arith.index_cast %add3A_147 : i32 to index
      %get3A_149 = arith.constant 0 : index
      %get3A_150 = tpu.vector_load %arg11[%get3A_148, %get3A_149] {strides = array<i32>} : memref<640x16xf32, #tpu.memory_space<vmem>>, vector<1x16xf32>,
      %get3A_151 = vector.shape_cast %get3A_150 : vector<1x16xf32> to vector<16xf32>
      %slice3A_152 = vector.extract_strided_slice %mul3A_61 {offsets = [5], sizes = [1], strides = [1]} : vector<16xf32> to vector<1xf32>
      %squeeze3A_153 = vector.extract %slice3A_152[0] : f32 from vector<1xf32>
      %mul3A_154 = vector.broadcast %squeeze3A_153 : f32 to vector<16xf32>
      %mul3A_155 = arith.mulf %get3A_151, %mul3A_154 : vector<16xf32>
      %swap3A_156 = arith.index_cast %add3A_147 : i32 to index
      %swap3A_157 = arith.constant 0 : index
      %swap3A_158 = tpu.vector_load %arg11[%swap3A_156, %swap3A_157] {strides = array<i32>} : memref<640x16xf32, #tpu.memory_space<vmem>>, vector<1x16xf32>,
      %swap3A_159 = vector.shape_cast %swap3A_158 : vector<1x16xf32> to vector<16xf32>
      %swap3A_160 = vector.shape_cast %mul3A_155 : vector<16xf32> to vector<1x16xf32>
      tpu.vector_store %arg11[%swap3A_156, %swap3A_157], %swap3A_160 {strides = array<i32>} : memref<640x16xf32, #tpu.memory_space<vmem>>, vector<1x16xf32>,
      %mul3A_161 = arith.constant 16 : i32
      %mul3A_162 = arith.muli %add3A_18, %mul3A_161 : i32
      %add3A_163 = arith.constant 6 : i32
      %add3A_164 = arith.addi %mul3A_162, %add3A_163 : i32
      %get3A_165 = arith.index_cast %add3A_164 : i32 to index
      %get3A_166 = arith.constant 0 : index
      %get3A_167 = tpu.vector_load %arg11[%get3A_165, %get3A_166] {strides = array<i32>} : memref<640x16xf32, #tpu.memory_space<vmem>>, vector<1x16xf32>,
      %get3A_168 = vector.shape_cast %get3A_167 : vector<1x16xf32> to vector<16xf32>
      %slice3A_169 = vector.extract_strided_slice %mul3A_61 {offsets = [6], sizes = [1], strides = [1]} : vector<16xf32> to vector<1xf32>
      %squeeze3A_170 = vector.extract %slice3A_169[0] : f32 from vector<1xf32>
      %mul3A_171 = vector.broadcast %squeeze3A_170 : f32 to vector<16xf32>
      %mul3A_172 = arith.mulf %get3A_168, %mul3A_171 : vector<16xf32>
      %swap3A_173 = arith.index_cast %add3A_164 : i32 to index
      %swap3A_174 = arith.constant 0 : index
      %swap3A_175 = tpu.vector_load %arg11[%swap3A_173, %swap3A_174] {strides = array<i32>} : memref<640x16xf32, #tpu.memory_space<vmem>>, vector<1x16xf32>,
      %swap3A_176 = vector.shape_cast %swap3A_175 : vector<1x16xf32> to vector<16xf32>
      %swap3A_177 = vector.shape_cast %mul3A_172 : vector<16xf32> to vector<1x16xf32>
      tpu.vector_store %arg11[%swap3A_173, %swap3A_174], %swap3A_177 {strides = array<i32>} : memref<640x16xf32, #tpu.memory_space<vmem>>, vector<1x16xf32>,
      %mul3A_178 = arith.constant 16 : i32
      %mul3A_179 = arith.muli %add3A_18, %mul3A_178 : i32
      %add3A_180 = arith.constant 7 : i32
      %add3A_181 = arith.addi %mul3A_179, %add3A_180 : i32
      %get3A_182 = arith.index_cast %add3A_181 : i32 to index
      %get3A_183 = arith.constant 0 : index
      %get3A_184 = tpu.vector_load %arg11[%get3A_182, %get3A_183] {strides = array<i32>} : memref<640x16xf32, #tpu.memory_space<vmem>>, vector<1x16xf32>,
      %get3A_185 = vector.shape_cast %get3A_184 : vector<1x16xf32> to vector<16xf32>
      %slice3A_186 = vector.extract_strided_slice %mul3A_61 {offsets = [7], sizes = [1], strides = [1]} : vector<16xf32> to vector<1xf32>
      %squeeze3A_187 = vector.extract %slice3A_186[0] : f32 from vector<1xf32>
      %mul3A_188 = vector.broadcast %squeeze3A_187 : f32 to vector<16xf32>
      %mul3A_189 = arith.mulf %get3A_185, %mul3A_188 : vector<16xf32>
      %swap3A_190 = arith.index_cast %add3A_181 : i32 to index
      %swap3A_191 = arith.constant 0 : index
      %swap3A_192 = tpu.vector_load %arg11[%swap3A_190, %swap3A_191] {strides = array<i32>} : memref<640x16xf32, #tpu.memory_space<vmem>>, vector<1x16xf32>,
      %swap3A_193 = vector.shape_cast %swap3A_192 : vector<1x16xf32> to vector<16xf32>
      %swap3A_194 = vector.shape_cast %mul3A_189 : vector<16xf32> to vector<1x16xf32>
      tpu.vector_store %arg11[%swap3A_190, %swap3A_191], %swap3A_194 {strides = array<i32>} : memref<640x16xf32, #tpu.memory_space<vmem>>, vector<1x16xf32>,
      %mul3A_195 = arith.constant 16 : i32
      %mul3A_196 = arith.muli %add3A_18, %mul3A_195 : i32
      %add3A_197 = arith.constant 8 : i32
      %add3A_198 = arith.addi %mul3A_196, %add3A_197 : i32
      %get3A_199 = arith.index_cast %add3A_198 : i32 to index
      %get3A_200 = arith.constant 0 : index
      %get3A_201 = tpu.vector_load %arg11[%get3A_199, %get3A_200] {strides = array<i32>} : memref<640x16xf32, #tpu.memory_space<vmem>>, vector<1x16xf32>,
      %get3A_202 = vector.shape_cast %get3A_201 : vector<1x16xf32> to vector<16xf32>
      %slice3A_203 = vector.extract_strided_slice %mul3A_61 {offsets = [8], sizes = [1], strides = [1]} : vector<16xf32> to vector<1xf32>
      %squeeze3A_204 = vector.extract %slice3A_203[0] : f32 from vector<1xf32>
      %mul3A_205 = vector.broadcast %squeeze3A_204 : f32 to vector<16xf32>
      %mul3A_206 = arith.mulf %get3A_202, %mul3A_205 : vector<16xf32>
      %swap3A_207 = arith.index_cast %add3A_198 : i32 to index
      %swap3A_208 = arith.constant 0 : index
      %swap3A_209 = tpu.vector_load %arg11[%swap3A_207, %swap3A_208] {strides = array<i32>} : memref<640x16xf32, #tpu.memory_space<vmem>>, vector<1x16xf32>,
      %swap3A_210 = vector.shape_cast %swap3A_209 : vector<1x16xf32> to vector<16xf32>
      %swap3A_211 = vector.shape_cast %mul3A_206 : vector<16xf32> to vector<1x16xf32>
      tpu.vector_store %arg11[%swap3A_207, %swap3A_208], %swap3A_211 {strides = array<i32>} : memref<640x16xf32, #tpu.memory_space<vmem>>, vector<1x16xf32>,
      %mul3A_212 = arith.constant 16 : i32
      %mul3A_213 = arith.muli %add3A_18, %mul3A_212 : i32
      %add3A_214 = arith.constant 9 : i32
      %add3A_215 = arith.addi %mul3A_213, %add3A_214 : i32
      %get3A_216 = arith.index_cast %add3A_215 : i32 to index
      %get3A_217 = arith.constant 0 : index
      %get3A_218 = tpu.vector_load %arg11[%get3A_216, %get3A_217] {strides = array<i32>} : memref<640x16xf32, #tpu.memory_space<vmem>>, vector<1x16xf32>,
      %get3A_219 = vector.shape_cast %get3A_218 : vector<1x16xf32> to vector<16xf32>
      %slice3A_220 = vector.extract_strided_slice %mul3A_61 {offsets = [9], sizes = [1], strides = [1]} : vector<16xf32> to vector<1xf32>
      %squeeze3A_221 = vector.extract %slice3A_220[0] : f32 from vector<1xf32>
      %mul3A_222 = vector.broadcast %squeeze3A_221 : f32 to vector<16xf32>
      %mul3A_223 = arith.mulf %get3A_219, %mul3A_222 : vector<16xf32>
      %swap3A_224 = arith.index_cast %add3A_215 : i32 to index
      %swap3A_225 = arith.constant 0 : index
      %swap3A_226 = tpu.vector_load %arg11[%swap3A_224, %swap3A_225] {strides = array<i32>} : memref<640x16xf32, #tpu.memory_space<vmem>>, vector<1x16xf32>,
      %swap3A_227 = vector.shape_cast %swap3A_226 : vector<1x16xf32> to vector<16xf32>
      %swap3A_228 = vector.shape_cast %mul3A_223 : vector<16xf32> to vector<1x16xf32>
      tpu.vector_store %arg11[%swap3A_224, %swap3A_225], %swap3A_228 {strides = array<i32>} : memref<640x16xf32, #tpu.memory_space<vmem>>, vector<1x16xf32>,
      %mul3A_229 = arith.constant 16 : i32
      %mul3A_230 = arith.muli %add3A_18, %mul3A_229 : i32
      %add3A_231 = arith.constant 10 : i32
      %add3A_232 = arith.addi %mul3A_230, %add3A_231 : i32
      %get3A_233 = arith.index_cast %add3A_232 : i32 to index
      %get3A_234 = arith.constant 0 : index
      %get3A_235 = tpu.vector_load %arg11[%get3A_233, %get3A_234] {strides = array<i32>} : memref<640x16xf32, #tpu.memory_space<vmem>>, vector<1x16xf32>,
      %get3A_236 = vector.shape_cast %get3A_235 : vector<1x16xf32> to vector<16xf32>
      %slice3A_237 = vector.extract_strided_slice %mul3A_61 {offsets = [10], sizes = [1], strides = [1]} : vector<16xf32> to vector<1xf32>
      %squeeze3A_238 = vector.extract %slice3A_237[0] : f32 from vector<1xf32>
      %mul3A_239 = vector.broadcast %squeeze3A_238 : f32 to vector<16xf32>
      %mul3A_240 = arith.mulf %get3A_236, %mul3A_239 : vector<16xf32>
      %swap3A_241 = arith.index_cast %add3A_232 : i32 to index
      %swap3A_242 = arith.constant 0 : index
      %swap3A_243 = tpu.vector_load %arg11[%swap3A_241, %swap3A_242] {strides = array<i32>} : memref<640x16xf32, #tpu.memory_space<vmem>>, vector<1x16xf32>,
      %swap3A_244 = vector.shape_cast %swap3A_243 : vector<1x16xf32> to vector<16xf32>
      %swap3A_245 = vector.shape_cast %mul3A_240 : vector<16xf32> to vector<1x16xf32>
      tpu.vector_store %arg11[%swap3A_241, %swap3A_242], %swap3A_245 {strides = array<i32>} : memref<640x16xf32, #tpu.memory_space<vmem>>, vector<1x16xf32>,
      %mul3A_246 = arith.constant 16 : i32
      %mul3A_247 = arith.muli %add3A_18, %mul3A_246 : i32
      %add3A_248 = arith.constant 11 : i32
      %add3A_249 = arith.addi %mul3A_247, %add3A_248 : i32
      %get3A_250 = arith.index_cast %add3A_249 : i32 to index
      %get3A_251 = arith.constant 0 : index
      %get3A_252 = tpu.vector_load %arg11[%get3A_250, %get3A_251] {strides = array<i32>} : memref<640x16xf32, #tpu.memory_space<vmem>>, vector<1x16xf32>,
      %get3A_253 = vector.shape_cast %get3A_252 : vector<1x16xf32> to vector<16xf32>
      %slice3A_254 = vector.extract_strided_slice %mul3A_61 {offsets = [11], sizes = [1], strides = [1]} : vector<16xf32> to vector<1xf32>
      %squeeze3A_255 = vector.extract %slice3A_254[0] : f32 from vector<1xf32>
      %mul3A_256 = vector.broadcast %squeeze3A_255 : f32 to vector<16xf32>
      %mul3A_257 = arith.mulf %get3A_253, %mul3A_256 : vector<16xf32>
      %swap3A_258 = arith.index_cast %add3A_249 : i32 to index
      %swap3A_259 = arith.constant 0 : index
      %swap3A_260 = tpu.vector_load %arg11[%swap3A_258, %swap3A_259] {strides = array<i32>} : memref<640x16xf32, #tpu.memory_space<vmem>>, vector<1x16xf32>,
      %swap3A_261 = vector.shape_cast %swap3A_260 : vector<1x16xf32> to vector<16xf32>
      %swap3A_262 = vector.shape_cast %mul3A_257 : vector<16xf32> to vector<1x16xf32>
      tpu.vector_store %arg11[%swap3A_258, %swap3A_259], %swap3A_262 {strides = array<i32>} : memref<640x16xf32, #tpu.memory_space<vmem>>, vector<1x16xf32>,
      %mul3A_263 = arith.constant 16 : i32
      %mul3A_264 = arith.muli %add3A_18, %mul3A_263 : i32
      %add3A_265 = arith.constant 12 : i32
      %add3A_266 = arith.addi %mul3A_264, %add3A_265 : i32
      %get3A_267 = arith.index_cast %add3A_266 : i32 to index
      %get3A_268 = arith.constant 0 : index
      %get3A_269 = tpu.vector_load %arg11[%get3A_267, %get3A_268] {strides = array<i32>} : memref<640x16xf32, #tpu.memory_space<vmem>>, vector<1x16xf32>,
      %get3A_270 = vector.shape_cast %get3A_269 : vector<1x16xf32> to vector<16xf32>
      %slice3A_271 = vector.extract_strided_slice %mul3A_61 {offsets = [12], sizes = [1], strides = [1]} : vector<16xf32> to vector<1xf32>
      %squeeze3A_272 = vector.extract %slice3A_271[0] : f32 from vector<1xf32>
      %mul3A_273 = vector.broadcast %squeeze3A_272 : f32 to vector<16xf32>
      %mul3A_274 = arith.mulf %get3A_270, %mul3A_273 : vector<16xf32>
      %swap3A_275 = arith.index_cast %add3A_266 : i32 to index
      %swap3A_276 = arith.constant 0 : index
      %swap3A_277 = tpu.vector_load %arg11[%swap3A_275, %swap3A_276] {strides = array<i32>} : memref<640x16xf32, #tpu.memory_space<vmem>>, vector<1x16xf32>,
      %swap3A_278 = vector.shape_cast %swap3A_277 : vector<1x16xf32> to vector<16xf32>
      %swap3A_279 = vector.shape_cast %mul3A_274 : vector<16xf32> to vector<1x16xf32>
      tpu.vector_store %arg11[%swap3A_275, %swap3A_276], %swap3A_279 {strides = array<i32>} : memref<640x16xf32, #tpu.memory_space<vmem>>, vector<1x16xf32>,
      %mul3A_280 = arith.constant 16 : i32
      %mul3A_281 = arith.muli %add3A_18, %mul3A_280 : i32
      %add3A_282 = arith.constant 13 : i32
      %add3A_283 = arith.addi %mul3A_281, %add3A_282 : i32
      %get3A_284 = arith.index_cast %add3A_283 : i32 to index
      %get3A_285 = arith.constant 0 : index
      %get3A_286 = tpu.vector_load %arg11[%get3A_284, %get3A_285] {strides = array<i32>} : memref<640x16xf32, #tpu.memory_space<vmem>>, vector<1x16xf32>,
      %get3A_287 = vector.shape_cast %get3A_286 : vector<1x16xf32> to vector<16xf32>
      %slice3A_288 = vector.extract_strided_slice %mul3A_61 {offsets = [13], sizes = [1], strides = [1]} : vector<16xf32> to vector<1xf32>
      %squeeze3A_289 = vector.extract %slice3A_288[0] : f32 from vector<1xf32>
      %mul3A_290 = vector.broadcast %squeeze3A_289 : f32 to vector<16xf32>
      %mul3A_291 = arith.mulf %get3A_287, %mul3A_290 : vector<16xf32>
      %swap3A_292 = arith.index_cast %add3A_283 : i32 to index
      %swap3A_293 = arith.constant 0 : index
      %swap3A_294 = tpu.vector_load %arg11[%swap3A_292, %swap3A_293] {strides = array<i32>} : memref<640x16xf32, #tpu.memory_space<vmem>>, vector<1x16xf32>,
      %swap3A_295 = vector.shape_cast %swap3A_294 : vector<1x16xf32> to vector<16xf32>
      %swap3A_296 = vector.shape_cast %mul3A_291 : vector<16xf32> to vector<1x16xf32>
      tpu.vector_store %arg11[%swap3A_292, %swap3A_293], %swap3A_296 {strides = array<i32>} : memref<640x16xf32, #tpu.memory_space<vmem>>, vector<1x16xf32>,
      %mul3A_297 = arith.constant 16 : i32
      %mul3A_298 = arith.muli %add3A_18, %mul3A_297 : i32
      %add3A_299 = arith.constant 14 : i32
      %add3A_300 = arith.addi %mul3A_298, %add3A_299 : i32
      %get3A_301 = arith.index_cast %add3A_300 : i32 to index
      %get3A_302 = arith.constant 0 : index
      %get3A_303 = tpu.vector_load %arg11[%get3A_301, %get3A_302] {strides = array<i32>} : memref<640x16xf32, #tpu.memory_space<vmem>>, vector<1x16xf32>,
      %get3A_304 = vector.shape_cast %get3A_303 : vector<1x16xf32> to vector<16xf32>
      %slice3A_305 = vector.extract_strided_slice %mul3A_61 {offsets = [14], sizes = [1], strides = [1]} : vector<16xf32> to vector<1xf32>
      %squeeze3A_306 = vector.extract %slice3A_305[0] : f32 from vector<1xf32>
      %mul3A_307 = vector.broadcast %squeeze3A_306 : f32 to vector<16xf32>
      %mul3A_308 = arith.mulf %get3A_304, %mul3A_307 : vector<16xf32>
      %swap3A_309 = arith.index_cast %add3A_300 : i32 to index
      %swap3A_310 = arith.constant 0 : index
      %swap3A_311 = tpu.vector_load %arg11[%swap3A_309, %swap3A_310] {strides = array<i32>} : memref<640x16xf32, #tpu.memory_space<vmem>>, vector<1x16xf32>,
      %swap3A_312 = vector.shape_cast %swap3A_311 : vector<1x16xf32> to vector<16xf32>
      %swap3A_313 = vector.shape_cast %mul3A_308 : vector<16xf32> to vector<1x16xf32>
      tpu.vector_store %arg11[%swap3A_309, %swap3A_310], %swap3A_313 {strides = array<i32>} : memref<640x16xf32, #tpu.memory_space<vmem>>, vector<1x16xf32>,
      %mul3A_314 = arith.constant 16 : i32
      %mul3A_315 = arith.muli %add3A_18, %mul3A_314 : i32
      %add3A_316 = arith.constant 15 : i32
      %add3A_317 = arith.addi %mul3A_315, %add3A_316 : i32
      %get3A_318 = arith.index_cast %add3A_317 : i32 to index
      %get3A_319 = arith.constant 0 : index
      %get3A_320 = tpu.vector_load %arg11[%get3A_318, %get3A_319] {strides = array<i32>} : memref<640x16xf32, #tpu.memory_space<vmem>>, vector<1x16xf32>,
      %get3A_321 = vector.shape_cast %get3A_320 : vector<1x16xf32> to vector<16xf32>
      %slice3A_322 = vector.extract_strided_slice %mul3A_61 {offsets = [15], sizes = [1], strides = [1]} : vector<16xf32> to vector<1xf32>
      %squeeze3A_323 = vector.extract %slice3A_322[0] : f32 from vector<1xf32>
      %mul3A_324 = vector.broadcast %squeeze3A_323 : f32 to vector<16xf32>
      %mul3A_325 = arith.mulf %get3A_321, %mul3A_324 : vector<16xf32>
      %swap3A_326 = arith.index_cast %add3A_317 : i32 to index
      %swap3A_327 = arith.constant 0 : index
      %swap3A_328 = tpu.vector_load %arg11[%swap3A_326, %swap3A_327] {strides = array<i32>} : memref<640x16xf32, #tpu.memory_space<vmem>>, vector<1x16xf32>,
      %swap3A_329 = vector.shape_cast %swap3A_328 : vector<1x16xf32> to vector<16xf32>
      %swap3A_330 = vector.shape_cast %mul3A_325 : vector<16xf32> to vector<1x16xf32>
      tpu.vector_store %arg11[%swap3A_326, %swap3A_327], %swap3A_330 {strides = array<i32>} : memref<640x16xf32, #tpu.memory_space<vmem>>, vector<1x16xf32>,
    }
    %scan3A_7 = arith.constant 40 : i32
    "tpu.region"() ({
      %run_scoped3A_14 = tpu.sem_alloc : memref<!tpu.dma_semaphore, #tpu.memory_space<semaphore_mem>>
      %dma_start3A = arith.constant 0 : i32
      %dma_start3A_15 = tpu.memref_slice %arg14[%mul3A_2, %dma_start3A] : memref<10240x16xf32, #tpu.memory_space<vmem_shared>> -> memref<640x16xf32, #tpu.memory_space<vmem_shared>>
      %dma_start3A_16 = arith.constant 0 : i32
      %dma_start3A_17 = tpu.memref_slice %arg14[%mul3A_2, %dma_start3A_16] : memref<10240x16xf32, #tpu.memory_space<vmem_shared>> -> memref<640x16xf32, #tpu.memory_space<vmem_shared>>
      tpu.enqueue_dma source(%arg11 : memref<640x16xf32, #tpu.memory_space<vmem>>) target(%dma_start3A_17 : memref<640x16xf32, #tpu.memory_space<vmem_shared>>) target_semaphore(%run_scoped3A_14 : memref<!tpu.dma_semaphore, #tpu.memory_space<semaphore_mem>>)
      %dma_wait3A = arith.constant 0 : i32
      %dma_wait3A_18 = tpu.memref_slice %arg14[%mul3A_2, %dma_wait3A] : memref<10240x16xf32, #tpu.memory_space<vmem_shared>> -> memref<640x16xf32, #tpu.memory_space<vmem_shared>>
      %dma_wait3A_19 = arith.constant 0 : i32
      %dma_wait3A_20 = tpu.memref_slice %arg14[%mul3A_2, %dma_wait3A_19] : memref<10240x16xf32, #tpu.memory_space<vmem_shared>> -> memref<640x16xf32, #tpu.memory_space<vmem_shared>>
      tpu.wait_dma2 semaphore(%run_scoped3A_14 : memref<!tpu.dma_semaphore, #tpu.memory_space<semaphore_mem>>) src(%arg11 : memref<640x16xf32, #tpu.memory_space<vmem>>) dst(%dma_wait3A_20 : memref<640x16xf32, #tpu.memory_space<vmem_shared>>)
      tpu.yield
    }) : () -> ()
    %barrier3A = arith.constant 0 : index
    tpu.barrier barrier_id(%barrier3A)
    %scan3A_8 = arith.constant 0 : i32
    %scan3A_9 = arith.constant 10 : i32
    %scan3A_10 = arith.addi %scan3A_8, %scan3A_9 : i32
    %scan3A_11 = arith.constant 1 : i32
    scf.for %scan3A_14 = %scan3A_8 to %scan3A_10 step %scan3A_11  : i32 {
      %mul3A_15 = arith.constant 1 : i32
      %mul3A_16 = arith.muli %scan3A_14, %mul3A_15 : i32
      %add3A_17 = arith.constant 0 : i32
      %add3A_18 = arith.addi %add3A_17, %mul3A_16 : i32
      %mul3A_19 = arith.constant 8 : i32
      %mul3A_20 = arith.muli %add3A_18, %mul3A_19 : i32
      %add3A_21 = arith.constant 0 : i32
      %add3A_22 = arith.addi %mul3A_20, %add3A_21 : i32
      %dma_start3A = arith.constant 0 : i32
      %dma_start3A_23 = arith.constant 0 : i32
      %dma_start3A_24 = tpu.memref_slice %arg10[%dma_start3A, %dma_start3A_23] : memref<1024x16xf32, #tpu.memory_space<vmem>> -> memref<128x16xf32, #tpu.memory_space<vmem>>
      %dma_start3A_25 = arith.constant 0 : i32
      %dma_start3A_26 = tpu.memref_slice %arg8[%add3A_22, %dma_start3A_25] : memref<80x128xi32, #tpu.memory_space<vmem>> -> memref<1x128xi32, #tpu.memory_space<vmem>>
      %dma_start3A_27 = tpu.memref_squeeze %dma_start3A_26 : memref<1x128xi32, #tpu.memory_space<vmem>> -> memref<128xi32, #tpu.memory_space<vmem>>
      %dma_start3A_28 = arith.constant 0 : i32
      %dma_start3A_29 = arith.constant 0 : i32
      %dma_start3A_30 = tpu.memref_slice %arg14[%dma_start3A_28, %dma_start3A_29] : memref<10240x16xf32, #tpu.memory_space<vmem_shared>> -> memref<10240x16xf32, #tpu.memory_space<vmem_shared>>
      tpu.enqueue_indirect_dma source(%dma_start3A_30 : memref<10240x16xf32, #tpu.memory_space<vmem_shared>>) target(%dma_start3A_24 : memref<128x16xf32, #tpu.memory_space<vmem>>) offsets(%dma_start3A_27 : memref<128xi32, #tpu.memory_space<vmem>>) semaphore(%arg16 : memref<!tpu.dma_semaphore, #tpu.memory_space<semaphore_mem>>)
      %add3A_31 = arith.constant 1 : i32
      %add3A_32 = arith.addi %mul3A_20, %add3A_31 : i32
      %dma_start3A_33 = arith.constant 128 : i32
      %dma_start3A_34 = arith.constant 0 : i32
      %dma_start3A_35 = tpu.memref_slice %arg10[%dma_start3A_33, %dma_start3A_34] : memref<1024x16xf32, #tpu.memory_space<vmem>> -> memref<128x16xf32, #tpu.memory_space<vmem>>
      %dma_start3A_36 = arith.constant 0 : i32
      %dma_start3A_37 = tpu.memref_slice %arg8[%add3A_32, %dma_start3A_36] : memref<80x128xi32, #tpu.memory_space<vmem>> -> memref<1x128xi32, #tpu.memory_space<vmem>>
      %dma_start3A_38 = tpu.memref_squeeze %dma_start3A_37 : memref<1x128xi32, #tpu.memory_space<vmem>> -> memref<128xi32, #tpu.memory_space<vmem>>
      %dma_start3A_39 = arith.constant 0 : i32
      %dma_start3A_40 = arith.constant 0 : i32
      %dma_start3A_41 = tpu.memref_slice %arg14[%dma_start3A_39, %dma_start3A_40] : memref<10240x16xf32, #tpu.memory_space<vmem_shared>> -> memref<10240x16xf32, #tpu.memory_space<vmem_shared>>
      tpu.enqueue_indirect_dma source(%dma_start3A_41 : memref<10240x16xf32, #tpu.memory_space<vmem_shared>>) target(%dma_start3A_35 : memref<128x16xf32, #tpu.memory_space<vmem>>) offsets(%dma_start3A_38 : memref<128xi32, #tpu.memory_space<vmem>>) semaphore(%arg16 : memref<!tpu.dma_semaphore, #tpu.memory_space<semaphore_mem>>)
      %add3A_42 = arith.constant 2 : i32
      %add3A_43 = arith.addi %mul3A_20, %add3A_42 : i32
      %dma_start3A_44 = arith.constant 256 : i32
      %dma_start3A_45 = arith.constant 0 : i32
      %dma_start3A_46 = tpu.memref_slice %arg10[%dma_start3A_44, %dma_start3A_45] : memref<1024x16xf32, #tpu.memory_space<vmem>> -> memref<128x16xf32, #tpu.memory_space<vmem>>
      %dma_start3A_47 = arith.constant 0 : i32
      %dma_start3A_48 = tpu.memref_slice %arg8[%add3A_43, %dma_start3A_47] : memref<80x128xi32, #tpu.memory_space<vmem>> -> memref<1x128xi32, #tpu.memory_space<vmem>>
      %dma_start3A_49 = tpu.memref_squeeze %dma_start3A_48 : memref<1x128xi32, #tpu.memory_space<vmem>> -> memref<128xi32, #tpu.memory_space<vmem>>
      %dma_start3A_50 = arith.constant 0 : i32
      %dma_start3A_51 = arith.constant 0 : i32
      %dma_start3A_52 = tpu.memref_slice %arg14[%dma_start3A_50, %dma_start3A_51] : memref<10240x16xf32, #tpu.memory_space<vmem_shared>> -> memref<10240x16xf32, #tpu.memory_space<vmem_shared>>
      tpu.enqueue_indirect_dma source(%dma_start3A_52 : memref<10240x16xf32, #tpu.memory_space<vmem_shared>>) target(%dma_start3A_46 : memref<128x16xf32, #tpu.memory_space<vmem>>) offsets(%dma_start3A_49 : memref<128xi32, #tpu.memory_space<vmem>>) semaphore(%arg16 : memref<!tpu.dma_semaphore, #tpu.memory_space<semaphore_mem>>)
      %add3A_53 = arith.constant 3 : i32
      %add3A_54 = arith.addi %mul3A_20, %add3A_53 : i32
      %dma_start3A_55 = arith.constant 384 : i32
      %dma_start3A_56 = arith.constant 0 : i32
      %dma_start3A_57 = tpu.memref_slice %arg10[%dma_start3A_55, %dma_start3A_56] : memref<1024x16xf32, #tpu.memory_space<vmem>> -> memref<128x16xf32, #tpu.memory_space<vmem>>
      %dma_start3A_58 = arith.constant 0 : i32
      %dma_start3A_59 = tpu.memref_slice %arg8[%add3A_54, %dma_start3A_58] : memref<80x128xi32, #tpu.memory_space<vmem>> -> memref<1x128xi32, #tpu.memory_space<vmem>>
      %dma_start3A_60 = tpu.memref_squeeze %dma_start3A_59 : memref<1x128xi32, #tpu.memory_space<vmem>> -> memref<128xi32, #tpu.memory_space<vmem>>
      %dma_start3A_61 = arith.constant 0 : i32
      %dma_start3A_62 = arith.constant 0 : i32
      %dma_start3A_63 = tpu.memref_slice %arg14[%dma_start3A_61, %dma_start3A_62] : memref<10240x16xf32, #tpu.memory_space<vmem_shared>> -> memref<10240x16xf32, #tpu.memory_space<vmem_shared>>
      tpu.enqueue_indirect_dma source(%dma_start3A_63 : memref<10240x16xf32, #tpu.memory_space<vmem_shared>>) target(%dma_start3A_57 : memref<128x16xf32, #tpu.memory_space<vmem>>) offsets(%dma_start3A_60 : memref<128xi32, #tpu.memory_space<vmem>>) semaphore(%arg16 : memref<!tpu.dma_semaphore, #tpu.memory_space<semaphore_mem>>)
      %add3A_64 = arith.constant 4 : i32
      %add3A_65 = arith.addi %mul3A_20, %add3A_64 : i32
      %dma_start3A_66 = arith.constant 512 : i32
      %dma_start3A_67 = arith.constant 0 : i32
      %dma_start3A_68 = tpu.memref_slice %arg10[%dma_start3A_66, %dma_start3A_67] : memref<1024x16xf32, #tpu.memory_space<vmem>> -> memref<128x16xf32, #tpu.memory_space<vmem>>
      %dma_start3A_69 = arith.constant 0 : i32
      %dma_start3A_70 = tpu.memref_slice %arg8[%add3A_65, %dma_start3A_69] : memref<80x128xi32, #tpu.memory_space<vmem>> -> memref<1x128xi32, #tpu.memory_space<vmem>>
      %dma_start3A_71 = tpu.memref_squeeze %dma_start3A_70 : memref<1x128xi32, #tpu.memory_space<vmem>> -> memref<128xi32, #tpu.memory_space<vmem>>
      %dma_start3A_72 = arith.constant 0 : i32
      %dma_start3A_73 = arith.constant 0 : i32
      %dma_start3A_74 = tpu.memref_slice %arg14[%dma_start3A_72, %dma_start3A_73] : memref<10240x16xf32, #tpu.memory_space<vmem_shared>> -> memref<10240x16xf32, #tpu.memory_space<vmem_shared>>
      tpu.enqueue_indirect_dma source(%dma_start3A_74 : memref<10240x16xf32, #tpu.memory_space<vmem_shared>>) target(%dma_start3A_68 : memref<128x16xf32, #tpu.memory_space<vmem>>) offsets(%dma_start3A_71 : memref<128xi32, #tpu.memory_space<vmem>>) semaphore(%arg16 : memref<!tpu.dma_semaphore, #tpu.memory_space<semaphore_mem>>)
      %add3A_75 = arith.constant 5 : i32
      %add3A_76 = arith.addi %mul3A_20, %add3A_75 : i32
      %dma_start3A_77 = arith.constant 640 : i32
      %dma_start3A_78 = arith.constant 0 : i32
      %dma_start3A_79 = tpu.memref_slice %arg10[%dma_start3A_77, %dma_start3A_78] : memref<1024x16xf32, #tpu.memory_space<vmem>> -> memref<128x16xf32, #tpu.memory_space<vmem>>
      %dma_start3A_80 = arith.constant 0 : i32
      %dma_start3A_81 = tpu.memref_slice %arg8[%add3A_76, %dma_start3A_80] : memref<80x128xi32, #tpu.memory_space<vmem>> -> memref<1x128xi32, #tpu.memory_space<vmem>>
      %dma_start3A_82 = tpu.memref_squeeze %dma_start3A_81 : memref<1x128xi32, #tpu.memory_space<vmem>> -> memref<128xi32, #tpu.memory_space<vmem>>
      %dma_start3A_83 = arith.constant 0 : i32
      %dma_start3A_84 = arith.constant 0 : i32
      %dma_start3A_85 = tpu.memref_slice %arg14[%dma_start3A_83, %dma_start3A_84] : memref<10240x16xf32, #tpu.memory_space<vmem_shared>> -> memref<10240x16xf32, #tpu.memory_space<vmem_shared>>
      tpu.enqueue_indirect_dma source(%dma_start3A_85 : memref<10240x16xf32, #tpu.memory_space<vmem_shared>>) target(%dma_start3A_79 : memref<128x16xf32, #tpu.memory_space<vmem>>) offsets(%dma_start3A_82 : memref<128xi32, #tpu.memory_space<vmem>>) semaphore(%arg16 : memref<!tpu.dma_semaphore, #tpu.memory_space<semaphore_mem>>)
      %add3A_86 = arith.constant 6 : i32
      %add3A_87 = arith.addi %mul3A_20, %add3A_86 : i32
      %dma_start3A_88 = arith.constant 768 : i32
      %dma_start3A_89 = arith.constant 0 : i32
      %dma_start3A_90 = tpu.memref_slice %arg10[%dma_start3A_88, %dma_start3A_89] : memref<1024x16xf32, #tpu.memory_space<vmem>> -> memref<128x16xf32, #tpu.memory_space<vmem>>
      %dma_start3A_91 = arith.constant 0 : i32
      %dma_start3A_92 = tpu.memref_slice %arg8[%add3A_87, %dma_start3A_91] : memref<80x128xi32, #tpu.memory_space<vmem>> -> memref<1x128xi32, #tpu.memory_space<vmem>>
      %dma_start3A_93 = tpu.memref_squeeze %dma_start3A_92 : memref<1x128xi32, #tpu.memory_space<vmem>> -> memref<128xi32, #tpu.memory_space<vmem>>
      %dma_start3A_94 = arith.constant 0 : i32
      %dma_start3A_95 = arith.constant 0 : i32
      %dma_start3A_96 = tpu.memref_slice %arg14[%dma_start3A_94, %dma_start3A_95] : memref<10240x16xf32, #tpu.memory_space<vmem_shared>> -> memref<10240x16xf32, #tpu.memory_space<vmem_shared>>
      tpu.enqueue_indirect_dma source(%dma_start3A_96 : memref<10240x16xf32, #tpu.memory_space<vmem_shared>>) target(%dma_start3A_90 : memref<128x16xf32, #tpu.memory_space<vmem>>) offsets(%dma_start3A_93 : memref<128xi32, #tpu.memory_space<vmem>>) semaphore(%arg16 : memref<!tpu.dma_semaphore, #tpu.memory_space<semaphore_mem>>)
      %add3A_97 = arith.constant 7 : i32
      %add3A_98 = arith.addi %mul3A_20, %add3A_97 : i32
      %dma_start3A_99 = arith.constant 896 : i32
      %dma_start3A_100 = arith.constant 0 : i32
      %dma_start3A_101 = tpu.memref_slice %arg10[%dma_start3A_99, %dma_start3A_100] : memref<1024x16xf32, #tpu.memory_space<vmem>> -> memref<128x16xf32, #tpu.memory_space<vmem>>
      %dma_start3A_102 = arith.constant 0 : i32
      %dma_start3A_103 = tpu.memref_slice %arg8[%add3A_98, %dma_start3A_102] : memref<80x128xi32, #tpu.memory_space<vmem>> -> memref<1x128xi32, #tpu.memory_space<vmem>>
      %dma_start3A_104 = tpu.memref_squeeze %dma_start3A_103 : memref<1x128xi32, #tpu.memory_space<vmem>> -> memref<128xi32, #tpu.memory_space<vmem>>
      %dma_start3A_105 = arith.constant 0 : i32
      %dma_start3A_106 = arith.constant 0 : i32
      %dma_start3A_107 = tpu.memref_slice %arg14[%dma_start3A_105, %dma_start3A_106] : memref<10240x16xf32, #tpu.memory_space<vmem_shared>> -> memref<10240x16xf32, #tpu.memory_space<vmem_shared>>
      tpu.enqueue_indirect_dma source(%dma_start3A_107 : memref<10240x16xf32, #tpu.memory_space<vmem_shared>>) target(%dma_start3A_101 : memref<128x16xf32, #tpu.memory_space<vmem>>) offsets(%dma_start3A_104 : memref<128xi32, #tpu.memory_space<vmem>>) semaphore(%arg16 : memref<!tpu.dma_semaphore, #tpu.memory_space<semaphore_mem>>)
      %dma_wait3A = arith.constant 0 : i32
      %dma_wait3A_108 = arith.constant 0 : i32
      %dma_wait3A_109 = tpu.memref_slice %arg10[%dma_wait3A, %dma_wait3A_108] : memref<1024x16xf32, #tpu.memory_space<vmem>> -> memref<128x16xf32, #tpu.memory_space<vmem>>
      %dma_wait3A_110 = arith.constant 0 : i32
      %dma_wait3A_111 = tpu.memref_slice %arg8[%add3A_22, %dma_wait3A_110] : memref<80x128xi32, #tpu.memory_space<vmem>> -> memref<1x128xi32, #tpu.memory_space<vmem>>
      %dma_wait3A_112 = tpu.memref_squeeze %dma_wait3A_111 : memref<1x128xi32, #tpu.memory_space<vmem>> -> memref<128xi32, #tpu.memory_space<vmem>>
      %dma_wait3A_113 = arith.constant 0 : i32
      %dma_wait3A_114 = arith.constant 0 : i32
      %dma_wait3A_115 = tpu.memref_slice %arg14[%dma_wait3A_113, %dma_wait3A_114] : memref<10240x16xf32, #tpu.memory_space<vmem_shared>> -> memref<10240x16xf32, #tpu.memory_space<vmem_shared>>
      tpu.wait_indirect_dma semaphore(%arg16 : memref<!tpu.dma_semaphore, #tpu.memory_space<semaphore_mem>>) src(%dma_wait3A_115 : memref<10240x16xf32, #tpu.memory_space<vmem_shared>>) dst(%dma_wait3A_109 : memref<128x16xf32, #tpu.memory_space<vmem>>)
      %dma_wait3A_116 = arith.constant 128 : i32
      %dma_wait3A_117 = arith.constant 0 : i32
      %dma_wait3A_118 = tpu.memref_slice %arg10[%dma_wait3A_116, %dma_wait3A_117] : memref<1024x16xf32, #tpu.memory_space<vmem>> -> memref<128x16xf32, #tpu.memory_space<vmem>>
      %dma_wait3A_119 = arith.constant 0 : i32
      %dma_wait3A_120 = tpu.memref_slice %arg8[%add3A_32, %dma_wait3A_119] : memref<80x128xi32, #tpu.memory_space<vmem>> -> memref<1x128xi32, #tpu.memory_space<vmem>>
      %dma_wait3A_121 = tpu.memref_squeeze %dma_wait3A_120 : memref<1x128xi32, #tpu.memory_space<vmem>> -> memref<128xi32, #tpu.memory_space<vmem>>
      %dma_wait3A_122 = arith.constant 0 : i32
      %dma_wait3A_123 = arith.constant 0 : i32
      %dma_wait3A_124 = tpu.memref_slice %arg14[%dma_wait3A_122, %dma_wait3A_123] : memref<10240x16xf32, #tpu.memory_space<vmem_shared>> -> memref<10240x16xf32, #tpu.memory_space<vmem_shared>>
      tpu.wait_indirect_dma semaphore(%arg16 : memref<!tpu.dma_semaphore, #tpu.memory_space<semaphore_mem>>) src(%dma_wait3A_124 : memref<10240x16xf32, #tpu.memory_space<vmem_shared>>) dst(%dma_wait3A_118 : memref<128x16xf32, #tpu.memory_space<vmem>>)
      %dma_wait3A_125 = arith.constant 256 : i32
      %dma_wait3A_126 = arith.constant 0 : i32
      %dma_wait3A_127 = tpu.memref_slice %arg10[%dma_wait3A_125, %dma_wait3A_126] : memref<1024x16xf32, #tpu.memory_space<vmem>> -> memref<128x16xf32, #tpu.memory_space<vmem>>
      %dma_wait3A_128 = arith.constant 0 : i32
      %dma_wait3A_129 = tpu.memref_slice %arg8[%add3A_43, %dma_wait3A_128] : memref<80x128xi32, #tpu.memory_space<vmem>> -> memref<1x128xi32, #tpu.memory_space<vmem>>
      %dma_wait3A_130 = tpu.memref_squeeze %dma_wait3A_129 : memref<1x128xi32, #tpu.memory_space<vmem>> -> memref<128xi32, #tpu.memory_space<vmem>>
      %dma_wait3A_131 = arith.constant 0 : i32
      %dma_wait3A_132 = arith.constant 0 : i32
      %dma_wait3A_133 = tpu.memref_slice %arg14[%dma_wait3A_131, %dma_wait3A_132] : memref<10240x16xf32, #tpu.memory_space<vmem_shared>> -> memref<10240x16xf32, #tpu.memory_space<vmem_shared>>
      tpu.wait_indirect_dma semaphore(%arg16 : memref<!tpu.dma_semaphore, #tpu.memory_space<semaphore_mem>>) src(%dma_wait3A_133 : memref<10240x16xf32, #tpu.memory_space<vmem_shared>>) dst(%dma_wait3A_127 : memref<128x16xf32, #tpu.memory_space<vmem>>)
      %dma_wait3A_134 = arith.constant 384 : i32
      %dma_wait3A_135 = arith.constant 0 : i32
      %dma_wait3A_136 = tpu.memref_slice %arg10[%dma_wait3A_134, %dma_wait3A_135] : memref<1024x16xf32, #tpu.memory_space<vmem>> -> memref<128x16xf32, #tpu.memory_space<vmem>>
      %dma_wait3A_137 = arith.constant 0 : i32
      %dma_wait3A_138 = tpu.memref_slice %arg8[%add3A_54, %dma_wait3A_137] : memref<80x128xi32, #tpu.memory_space<vmem>> -> memref<1x128xi32, #tpu.memory_space<vmem>>
      %dma_wait3A_139 = tpu.memref_squeeze %dma_wait3A_138 : memref<1x128xi32, #tpu.memory_space<vmem>> -> memref<128xi32, #tpu.memory_space<vmem>>
      %dma_wait3A_140 = arith.constant 0 : i32
      %dma_wait3A_141 = arith.constant 0 : i32
      %dma_wait3A_142 = tpu.memref_slice %arg14[%dma_wait3A_140, %dma_wait3A_141] : memref<10240x16xf32, #tpu.memory_space<vmem_shared>> -> memref<10240x16xf32, #tpu.memory_space<vmem_shared>>
      tpu.wait_indirect_dma semaphore(%arg16 : memref<!tpu.dma_semaphore, #tpu.memory_space<semaphore_mem>>) src(%dma_wait3A_142 : memref<10240x16xf32, #tpu.memory_space<vmem_shared>>) dst(%dma_wait3A_136 : memref<128x16xf32, #tpu.memory_space<vmem>>)
      %dma_wait3A_143 = arith.constant 512 : i32
      %dma_wait3A_144 = arith.constant 0 : i32
      %dma_wait3A_145 = tpu.memref_slice %arg10[%dma_wait3A_143, %dma_wait3A_144] : memref<1024x16xf32, #tpu.memory_space<vmem>> -> memref<128x16xf32, #tpu.memory_space<vmem>>
      %dma_wait3A_146 = arith.constant 0 : i32
      %dma_wait3A_147 = tpu.memref_slice %arg8[%add3A_65, %dma_wait3A_146] : memref<80x128xi32, #tpu.memory_space<vmem>> -> memref<1x128xi32, #tpu.memory_space<vmem>>
      %dma_wait3A_148 = tpu.memref_squeeze %dma_wait3A_147 : memref<1x128xi32, #tpu.memory_space<vmem>> -> memref<128xi32, #tpu.memory_space<vmem>>
      %dma_wait3A_149 = arith.constant 0 : i32
      %dma_wait3A_150 = arith.constant 0 : i32
      %dma_wait3A_151 = tpu.memref_slice %arg14[%dma_wait3A_149, %dma_wait3A_150] : memref<10240x16xf32, #tpu.memory_space<vmem_shared>> -> memref<10240x16xf32, #tpu.memory_space<vmem_shared>>
      tpu.wait_indirect_dma semaphore(%arg16 : memref<!tpu.dma_semaphore, #tpu.memory_space<semaphore_mem>>) src(%dma_wait3A_151 : memref<10240x16xf32, #tpu.memory_space<vmem_shared>>) dst(%dma_wait3A_145 : memref<128x16xf32, #tpu.memory_space<vmem>>)
      %dma_wait3A_152 = arith.constant 640 : i32
      %dma_wait3A_153 = arith.constant 0 : i32
      %dma_wait3A_154 = tpu.memref_slice %arg10[%dma_wait3A_152, %dma_wait3A_153] : memref<1024x16xf32, #tpu.memory_space<vmem>> -> memref<128x16xf32, #tpu.memory_space<vmem>>
      %dma_wait3A_155 = arith.constant 0 : i32
      %dma_wait3A_156 = tpu.memref_slice %arg8[%add3A_76, %dma_wait3A_155] : memref<80x128xi32, #tpu.memory_space<vmem>> -> memref<1x128xi32, #tpu.memory_space<vmem>>
      %dma_wait3A_157 = tpu.memref_squeeze %dma_wait3A_156 : memref<1x128xi32, #tpu.memory_space<vmem>> -> memref<128xi32, #tpu.memory_space<vmem>>
      %dma_wait3A_158 = arith.constant 0 : i32
      %dma_wait3A_159 = arith.constant 0 : i32
      %dma_wait3A_160 = tpu.memref_slice %arg14[%dma_wait3A_158, %dma_wait3A_159] : memref<10240x16xf32, #tpu.memory_space<vmem_shared>> -> memref<10240x16xf32, #tpu.memory_space<vmem_shared>>
      tpu.wait_indirect_dma semaphore(%arg16 : memref<!tpu.dma_semaphore, #tpu.memory_space<semaphore_mem>>) src(%dma_wait3A_160 : memref<10240x16xf32, #tpu.memory_space<vmem_shared>>) dst(%dma_wait3A_154 : memref<128x16xf32, #tpu.memory_space<vmem>>)
      %dma_wait3A_161 = arith.constant 768 : i32
      %dma_wait3A_162 = arith.constant 0 : i32
      %dma_wait3A_163 = tpu.memref_slice %arg10[%dma_wait3A_161, %dma_wait3A_162] : memref<1024x16xf32, #tpu.memory_space<vmem>> -> memref<128x16xf32, #tpu.memory_space<vmem>>
      %dma_wait3A_164 = arith.constant 0 : i32
      %dma_wait3A_165 = tpu.memref_slice %arg8[%add3A_87, %dma_wait3A_164] : memref<80x128xi32, #tpu.memory_space<vmem>> -> memref<1x128xi32, #tpu.memory_space<vmem>>
      %dma_wait3A_166 = tpu.memref_squeeze %dma_wait3A_165 : memref<1x128xi32, #tpu.memory_space<vmem>> -> memref<128xi32, #tpu.memory_space<vmem>>
      %dma_wait3A_167 = arith.constant 0 : i32
      %dma_wait3A_168 = arith.constant 0 : i32
      %dma_wait3A_169 = tpu.memref_slice %arg14[%dma_wait3A_167, %dma_wait3A_168] : memref<10240x16xf32, #tpu.memory_space<vmem_shared>> -> memref<10240x16xf32, #tpu.memory_space<vmem_shared>>
      tpu.wait_indirect_dma semaphore(%arg16 : memref<!tpu.dma_semaphore, #tpu.memory_space<semaphore_mem>>) src(%dma_wait3A_169 : memref<10240x16xf32, #tpu.memory_space<vmem_shared>>) dst(%dma_wait3A_163 : memref<128x16xf32, #tpu.memory_space<vmem>>)
      %dma_wait3A_170 = arith.constant 896 : i32
      %dma_wait3A_171 = arith.constant 0 : i32
      %dma_wait3A_172 = tpu.memref_slice %arg10[%dma_wait3A_170, %dma_wait3A_171] : memref<1024x16xf32, #tpu.memory_space<vmem>> -> memref<128x16xf32, #tpu.memory_space<vmem>>
      %dma_wait3A_173 = arith.constant 0 : i32
      %dma_wait3A_174 = tpu.memref_slice %arg8[%add3A_98, %dma_wait3A_173] : memref<80x128xi32, #tpu.memory_space<vmem>> -> memref<1x128xi32, #tpu.memory_space<vmem>>
      %dma_wait3A_175 = tpu.memref_squeeze %dma_wait3A_174 : memref<1x128xi32, #tpu.memory_space<vmem>> -> memref<128xi32, #tpu.memory_space<vmem>>
      %dma_wait3A_176 = arith.constant 0 : i32
      %dma_wait3A_177 = arith.constant 0 : i32
      %dma_wait3A_178 = tpu.memref_slice %arg14[%dma_wait3A_176, %dma_wait3A_177] : memref<10240x16xf32, #tpu.memory_space<vmem_shared>> -> memref<10240x16xf32, #tpu.memory_space<vmem_shared>>
      tpu.wait_indirect_dma semaphore(%arg16 : memref<!tpu.dma_semaphore, #tpu.memory_space<semaphore_mem>>) src(%dma_wait3A_178 : memref<10240x16xf32, #tpu.memory_space<vmem_shared>>) dst(%dma_wait3A_172 : memref<128x16xf32, #tpu.memory_space<vmem>>)
      %add3A_179 = arith.constant 0 : i32
      %add3A_180 = arith.addi %mul3A_20, %add3A_179 : i32
      %dma_start3A_181 = arith.constant 0 : i32
      %dma_start3A_182 = arith.constant 0 : i32
      %dma_start3A_183 = tpu.memref_slice %arg10[%dma_start3A_181, %dma_start3A_182] : memref<1024x16xf32, #tpu.memory_space<vmem>> -> memref<128x16xf32, #tpu.memory_space<vmem>>
      %dma_start3A_184 = arith.constant 0 : i32
      %dma_start3A_185 = tpu.memref_slice %arg9[%add3A_180, %dma_start3A_184] : memref<80x128xi32, #tpu.memory_space<vmem>> -> memref<1x128xi32, #tpu.memory_space<vmem>>
      %dma_start3A_186 = tpu.memref_squeeze %dma_start3A_185 : memref<1x128xi32, #tpu.memory_space<vmem>> -> memref<128xi32, #tpu.memory_space<vmem>>
      %dma_start3A_187 = arith.constant 0 : i32
      %dma_start3A_188 = arith.constant 0 : i32
      %dma_start3A_189 = tpu.memref_slice %arg15[%dma_start3A_187, %dma_start3A_188] : memref<10240x16xf32, #tpu.memory_space<vmem_shared>> -> memref<10240x16xf32, #tpu.memory_space<vmem_shared>>
      tpu.enqueue_indirect_dma source(%dma_start3A_183 : memref<128x16xf32, #tpu.memory_space<vmem>>) target(%dma_start3A_189 : memref<10240x16xf32, #tpu.memory_space<vmem_shared>>) offsets(%dma_start3A_186 : memref<128xi32, #tpu.memory_space<vmem>>) semaphore(%arg17 : memref<!tpu.dma_semaphore, #tpu.memory_space<semaphore_mem>>) {add = true}
      %add3A_190 = arith.constant 1 : i32
      %add3A_191 = arith.addi %mul3A_20, %add3A_190 : i32
      %dma_start3A_192 = arith.constant 128 : i32
      %dma_start3A_193 = arith.constant 0 : i32
      %dma_start3A_194 = tpu.memref_slice %arg10[%dma_start3A_192, %dma_start3A_193] : memref<1024x16xf32, #tpu.memory_space<vmem>> -> memref<128x16xf32, #tpu.memory_space<vmem>>
      %dma_start3A_195 = arith.constant 0 : i32
      %dma_start3A_196 = tpu.memref_slice %arg9[%add3A_191, %dma_start3A_195] : memref<80x128xi32, #tpu.memory_space<vmem>> -> memref<1x128xi32, #tpu.memory_space<vmem>>
      %dma_start3A_197 = tpu.memref_squeeze %dma_start3A_196 : memref<1x128xi32, #tpu.memory_space<vmem>> -> memref<128xi32, #tpu.memory_space<vmem>>
      %dma_start3A_198 = arith.constant 0 : i32
      %dma_start3A_199 = arith.constant 0 : i32
      %dma_start3A_200 = tpu.memref_slice %arg15[%dma_start3A_198, %dma_start3A_199] : memref<10240x16xf32, #tpu.memory_space<vmem_shared>> -> memref<10240x16xf32, #tpu.memory_space<vmem_shared>>
      tpu.enqueue_indirect_dma source(%dma_start3A_194 : memref<128x16xf32, #tpu.memory_space<vmem>>) target(%dma_start3A_200 : memref<10240x16xf32, #tpu.memory_space<vmem_shared>>) offsets(%dma_start3A_197 : memref<128xi32, #tpu.memory_space<vmem>>) semaphore(%arg17 : memref<!tpu.dma_semaphore, #tpu.memory_space<semaphore_mem>>) {add = true}
      %add3A_201 = arith.constant 2 : i32
      %add3A_202 = arith.addi %mul3A_20, %add3A_201 : i32
      %dma_start3A_203 = arith.constant 256 : i32
      %dma_start3A_204 = arith.constant 0 : i32
      %dma_start3A_205 = tpu.memref_slice %arg10[%dma_start3A_203, %dma_start3A_204] : memref<1024x16xf32, #tpu.memory_space<vmem>> -> memref<128x16xf32, #tpu.memory_space<vmem>>
      %dma_start3A_206 = arith.constant 0 : i32
      %dma_start3A_207 = tpu.memref_slice %arg9[%add3A_202, %dma_start3A_206] : memref<80x128xi32, #tpu.memory_space<vmem>> -> memref<1x128xi32, #tpu.memory_space<vmem>>
      %dma_start3A_208 = tpu.memref_squeeze %dma_start3A_207 : memref<1x128xi32, #tpu.memory_space<vmem>> -> memref<128xi32, #tpu.memory_space<vmem>>
      %dma_start3A_209 = arith.constant 0 : i32
      %dma_start3A_210 = arith.constant 0 : i32
      %dma_start3A_211 = tpu.memref_slice %arg15[%dma_start3A_209, %dma_start3A_210] : memref<10240x16xf32, #tpu.memory_space<vmem_shared>> -> memref<10240x16xf32, #tpu.memory_space<vmem_shared>>
      tpu.enqueue_indirect_dma source(%dma_start3A_205 : memref<128x16xf32, #tpu.memory_space<vmem>>) target(%dma_start3A_211 : memref<10240x16xf32, #tpu.memory_space<vmem_shared>>) offsets(%dma_start3A_208 : memref<128xi32, #tpu.memory_space<vmem>>) semaphore(%arg17 : memref<!tpu.dma_semaphore, #tpu.memory_space<semaphore_mem>>) {add = true}
      %add3A_212 = arith.constant 3 : i32
      %add3A_213 = arith.addi %mul3A_20, %add3A_212 : i32
      %dma_start3A_214 = arith.constant 384 : i32
      %dma_start3A_215 = arith.constant 0 : i32
      %dma_start3A_216 = tpu.memref_slice %arg10[%dma_start3A_214, %dma_start3A_215] : memref<1024x16xf32, #tpu.memory_space<vmem>> -> memref<128x16xf32, #tpu.memory_space<vmem>>
      %dma_start3A_217 = arith.constant 0 : i32
      %dma_start3A_218 = tpu.memref_slice %arg9[%add3A_213, %dma_start3A_217] : memref<80x128xi32, #tpu.memory_space<vmem>> -> memref<1x128xi32, #tpu.memory_space<vmem>>
      %dma_start3A_219 = tpu.memref_squeeze %dma_start3A_218 : memref<1x128xi32, #tpu.memory_space<vmem>> -> memref<128xi32, #tpu.memory_space<vmem>>
      %dma_start3A_220 = arith.constant 0 : i32
      %dma_start3A_221 = arith.constant 0 : i32
      %dma_start3A_222 = tpu.memref_slice %arg15[%dma_start3A_220, %dma_start3A_221] : memref<10240x16xf32, #tpu.memory_space<vmem_shared>> -> memref<10240x16xf32, #tpu.memory_space<vmem_shared>>
      tpu.enqueue_indirect_dma source(%dma_start3A_216 : memref<128x16xf32, #tpu.memory_space<vmem>>) target(%dma_start3A_222 : memref<10240x16xf32, #tpu.memory_space<vmem_shared>>) offsets(%dma_start3A_219 : memref<128xi32, #tpu.memory_space<vmem>>) semaphore(%arg17 : memref<!tpu.dma_semaphore, #tpu.memory_space<semaphore_mem>>) {add = true}
      %add3A_223 = arith.constant 4 : i32
      %add3A_224 = arith.addi %mul3A_20, %add3A_223 : i32
      %dma_start3A_225 = arith.constant 512 : i32
      %dma_start3A_226 = arith.constant 0 : i32
      %dma_start3A_227 = tpu.memref_slice %arg10[%dma_start3A_225, %dma_start3A_226] : memref<1024x16xf32, #tpu.memory_space<vmem>> -> memref<128x16xf32, #tpu.memory_space<vmem>>
      %dma_start3A_228 = arith.constant 0 : i32
      %dma_start3A_229 = tpu.memref_slice %arg9[%add3A_224, %dma_start3A_228] : memref<80x128xi32, #tpu.memory_space<vmem>> -> memref<1x128xi32, #tpu.memory_space<vmem>>
      %dma_start3A_230 = tpu.memref_squeeze %dma_start3A_229 : memref<1x128xi32, #tpu.memory_space<vmem>> -> memref<128xi32, #tpu.memory_space<vmem>>
      %dma_start3A_231 = arith.constant 0 : i32
      %dma_start3A_232 = arith.constant 0 : i32
      %dma_start3A_233 = tpu.memref_slice %arg15[%dma_start3A_231, %dma_start3A_232] : memref<10240x16xf32, #tpu.memory_space<vmem_shared>> -> memref<10240x16xf32, #tpu.memory_space<vmem_shared>>
      tpu.enqueue_indirect_dma source(%dma_start3A_227 : memref<128x16xf32, #tpu.memory_space<vmem>>) target(%dma_start3A_233 : memref<10240x16xf32, #tpu.memory_space<vmem_shared>>) offsets(%dma_start3A_230 : memref<128xi32, #tpu.memory_space<vmem>>) semaphore(%arg17 : memref<!tpu.dma_semaphore, #tpu.memory_space<semaphore_mem>>) {add = true}
      %add3A_234 = arith.constant 5 : i32
      %add3A_235 = arith.addi %mul3A_20, %add3A_234 : i32
      %dma_start3A_236 = arith.constant 640 : i32
      %dma_start3A_237 = arith.constant 0 : i32
      %dma_start3A_238 = tpu.memref_slice %arg10[%dma_start3A_236, %dma_start3A_237] : memref<1024x16xf32, #tpu.memory_space<vmem>> -> memref<128x16xf32, #tpu.memory_space<vmem>>
      %dma_start3A_239 = arith.constant 0 : i32
      %dma_start3A_240 = tpu.memref_slice %arg9[%add3A_235, %dma_start3A_239] : memref<80x128xi32, #tpu.memory_space<vmem>> -> memref<1x128xi32, #tpu.memory_space<vmem>>
      %dma_start3A_241 = tpu.memref_squeeze %dma_start3A_240 : memref<1x128xi32, #tpu.memory_space<vmem>> -> memref<128xi32, #tpu.memory_space<vmem>>
      %dma_start3A_242 = arith.constant 0 : i32
      %dma_start3A_243 = arith.constant 0 : i32
      %dma_start3A_244 = tpu.memref_slice %arg15[%dma_start3A_242, %dma_start3A_243] : memref<10240x16xf32, #tpu.memory_space<vmem_shared>> -> memref<10240x16xf32, #tpu.memory_space<vmem_shared>>
      tpu.enqueue_indirect_dma source(%dma_start3A_238 : memref<128x16xf32, #tpu.memory_space<vmem>>) target(%dma_start3A_244 : memref<10240x16xf32, #tpu.memory_space<vmem_shared>>) offsets(%dma_start3A_241 : memref<128xi32, #tpu.memory_space<vmem>>) semaphore(%arg17 : memref<!tpu.dma_semaphore, #tpu.memory_space<semaphore_mem>>) {add = true}
      %add3A_245 = arith.constant 6 : i32
      %add3A_246 = arith.addi %mul3A_20, %add3A_245 : i32
      %dma_start3A_247 = arith.constant 768 : i32
      %dma_start3A_248 = arith.constant 0 : i32
      %dma_start3A_249 = tpu.memref_slice %arg10[%dma_start3A_247, %dma_start3A_248] : memref<1024x16xf32, #tpu.memory_space<vmem>> -> memref<128x16xf32, #tpu.memory_space<vmem>>
      %dma_start3A_250 = arith.constant 0 : i32
      %dma_start3A_251 = tpu.memref_slice %arg9[%add3A_246, %dma_start3A_250] : memref<80x128xi32, #tpu.memory_space<vmem>> -> memref<1x128xi32, #tpu.memory_space<vmem>>
      %dma_start3A_252 = tpu.memref_squeeze %dma_start3A_251 : memref<1x128xi32, #tpu.memory_space<vmem>> -> memref<128xi32, #tpu.memory_space<vmem>>
      %dma_start3A_253 = arith.constant 0 : i32
      %dma_start3A_254 = arith.constant 0 : i32
      %dma_start3A_255 = tpu.memref_slice %arg15[%dma_start3A_253, %dma_start3A_254] : memref<10240x16xf32, #tpu.memory_space<vmem_shared>> -> memref<10240x16xf32, #tpu.memory_space<vmem_shared>>
      tpu.enqueue_indirect_dma source(%dma_start3A_249 : memref<128x16xf32, #tpu.memory_space<vmem>>) target(%dma_start3A_255 : memref<10240x16xf32, #tpu.memory_space<vmem_shared>>) offsets(%dma_start3A_252 : memref<128xi32, #tpu.memory_space<vmem>>) semaphore(%arg17 : memref<!tpu.dma_semaphore, #tpu.memory_space<semaphore_mem>>) {add = true}
      %add3A_256 = arith.constant 7 : i32
      %add3A_257 = arith.addi %mul3A_20, %add3A_256 : i32
      %dma_start3A_258 = arith.constant 896 : i32
      %dma_start3A_259 = arith.constant 0 : i32
      %dma_start3A_260 = tpu.memref_slice %arg10[%dma_start3A_258, %dma_start3A_259] : memref<1024x16xf32, #tpu.memory_space<vmem>> -> memref<128x16xf32, #tpu.memory_space<vmem>>
      %dma_start3A_261 = arith.constant 0 : i32
      %dma_start3A_262 = tpu.memref_slice %arg9[%add3A_257, %dma_start3A_261] : memref<80x128xi32, #tpu.memory_space<vmem>> -> memref<1x128xi32, #tpu.memory_space<vmem>>
      %dma_start3A_263 = tpu.memref_squeeze %dma_start3A_262 : memref<1x128xi32, #tpu.memory_space<vmem>> -> memref<128xi32, #tpu.memory_space<vmem>>
      %dma_start3A_264 = arith.constant 0 : i32
      %dma_start3A_265 = arith.constant 0 : i32
      %dma_start3A_266 = tpu.memref_slice %arg15[%dma_start3A_264, %dma_start3A_265] : memref<10240x16xf32, #tpu.memory_space<vmem_shared>> -> memref<10240x16xf32, #tpu.memory_space<vmem_shared>>
      tpu.enqueue_indirect_dma source(%dma_start3A_260 : memref<128x16xf32, #tpu.memory_space<vmem>>) target(%dma_start3A_266 : memref<10240x16xf32, #tpu.memory_space<vmem_shared>>) offsets(%dma_start3A_263 : memref<128xi32, #tpu.memory_space<vmem>>) semaphore(%arg17 : memref<!tpu.dma_semaphore, #tpu.memory_space<semaphore_mem>>) {add = true}
      %dma_wait3A_267 = arith.constant 0 : i32
      %dma_wait3A_268 = arith.constant 0 : i32
      %dma_wait3A_269 = tpu.memref_slice %arg10[%dma_wait3A_267, %dma_wait3A_268] : memref<1024x16xf32, #tpu.memory_space<vmem>> -> memref<128x16xf32, #tpu.memory_space<vmem>>
      %dma_wait3A_270 = arith.constant 0 : i32
      %dma_wait3A_271 = tpu.memref_slice %arg9[%add3A_180, %dma_wait3A_270] : memref<80x128xi32, #tpu.memory_space<vmem>> -> memref<1x128xi32, #tpu.memory_space<vmem>>
      %dma_wait3A_272 = tpu.memref_squeeze %dma_wait3A_271 : memref<1x128xi32, #tpu.memory_space<vmem>> -> memref<128xi32, #tpu.memory_space<vmem>>
      %dma_wait3A_273 = arith.constant 0 : i32
      %dma_wait3A_274 = arith.constant 0 : i32
      %dma_wait3A_275 = tpu.memref_slice %arg15[%dma_wait3A_273, %dma_wait3A_274] : memref<10240x16xf32, #tpu.memory_space<vmem_shared>> -> memref<10240x16xf32, #tpu.memory_space<vmem_shared>>
      tpu.wait_indirect_dma semaphore(%arg17 : memref<!tpu.dma_semaphore, #tpu.memory_space<semaphore_mem>>) src(%dma_wait3A_269 : memref<128x16xf32, #tpu.memory_space<vmem>>) dst(%dma_wait3A_275 : memref<10240x16xf32, #tpu.memory_space<vmem_shared>>)
      %dma_wait3A_276 = arith.constant 128 : i32
      %dma_wait3A_277 = arith.constant 0 : i32
      %dma_wait3A_278 = tpu.memref_slice %arg10[%dma_wait3A_276, %dma_wait3A_277] : memref<1024x16xf32, #tpu.memory_space<vmem>> -> memref<128x16xf32, #tpu.memory_space<vmem>>
      %dma_wait3A_279 = arith.constant 0 : i32
      %dma_wait3A_280 = tpu.memref_slice %arg9[%add3A_191, %dma_wait3A_279] : memref<80x128xi32, #tpu.memory_space<vmem>> -> memref<1x128xi32, #tpu.memory_space<vmem>>
      %dma_wait3A_281 = tpu.memref_squeeze %dma_wait3A_280 : memref<1x128xi32, #tpu.memory_space<vmem>> -> memref<128xi32, #tpu.memory_space<vmem>>
      %dma_wait3A_282 = arith.constant 0 : i32
      %dma_wait3A_283 = arith.constant 0 : i32
      %dma_wait3A_284 = tpu.memref_slice %arg15[%dma_wait3A_282, %dma_wait3A_283] : memref<10240x16xf32, #tpu.memory_space<vmem_shared>> -> memref<10240x16xf32, #tpu.memory_space<vmem_shared>>
      tpu.wait_indirect_dma semaphore(%arg17 : memref<!tpu.dma_semaphore, #tpu.memory_space<semaphore_mem>>) src(%dma_wait3A_278 : memref<128x16xf32, #tpu.memory_space<vmem>>) dst(%dma_wait3A_284 : memref<10240x16xf32, #tpu.memory_space<vmem_shared>>)
      %dma_wait3A_285 = arith.constant 256 : i32
      %dma_wait3A_286 = arith.constant 0 : i32
      %dma_wait3A_287 = tpu.memref_slice %arg10[%dma_wait3A_285, %dma_wait3A_286] : memref<1024x16xf32, #tpu.memory_space<vmem>> -> memref<128x16xf32, #tpu.memory_space<vmem>>
      %dma_wait3A_288 = arith.constant 0 : i32
      %dma_wait3A_289 = tpu.memref_slice %arg9[%add3A_202, %dma_wait3A_288] : memref<80x128xi32, #tpu.memory_space<vmem>> -> memref<1x128xi32, #tpu.memory_space<vmem>>
      %dma_wait3A_290 = tpu.memref_squeeze %dma_wait3A_289 : memref<1x128xi32, #tpu.memory_space<vmem>> -> memref<128xi32, #tpu.memory_space<vmem>>
      %dma_wait3A_291 = arith.constant 0 : i32
      %dma_wait3A_292 = arith.constant 0 : i32
      %dma_wait3A_293 = tpu.memref_slice %arg15[%dma_wait3A_291, %dma_wait3A_292] : memref<10240x16xf32, #tpu.memory_space<vmem_shared>> -> memref<10240x16xf32, #tpu.memory_space<vmem_shared>>
      tpu.wait_indirect_dma semaphore(%arg17 : memref<!tpu.dma_semaphore, #tpu.memory_space<semaphore_mem>>) src(%dma_wait3A_287 : memref<128x16xf32, #tpu.memory_space<vmem>>) dst(%dma_wait3A_293 : memref<10240x16xf32, #tpu.memory_space<vmem_shared>>)
      %dma_wait3A_294 = arith.constant 384 : i32
      %dma_wait3A_295 = arith.constant 0 : i32
      %dma_wait3A_296 = tpu.memref_slice %arg10[%dma_wait3A_294, %dma_wait3A_295] : memref<1024x16xf32, #tpu.memory_space<vmem>> -> memref<128x16xf32, #tpu.memory_space<vmem>>
      %dma_wait3A_297 = arith.constant 0 : i32
      %dma_wait3A_298 = tpu.memref_slice %arg9[%add3A_213, %dma_wait3A_297] : memref<80x128xi32, #tpu.memory_space<vmem>> -> memref<1x128xi32, #tpu.memory_space<vmem>>
      %dma_wait3A_299 = tpu.memref_squeeze %dma_wait3A_298 : memref<1x128xi32, #tpu.memory_space<vmem>> -> memref<128xi32, #tpu.memory_space<vmem>>
      %dma_wait3A_300 = arith.constant 0 : i32
      %dma_wait3A_301 = arith.constant 0 : i32
      %dma_wait3A_302 = tpu.memref_slice %arg15[%dma_wait3A_300, %dma_wait3A_301] : memref<10240x16xf32, #tpu.memory_space<vmem_shared>> -> memref<10240x16xf32, #tpu.memory_space<vmem_shared>>
      tpu.wait_indirect_dma semaphore(%arg17 : memref<!tpu.dma_semaphore, #tpu.memory_space<semaphore_mem>>) src(%dma_wait3A_296 : memref<128x16xf32, #tpu.memory_space<vmem>>) dst(%dma_wait3A_302 : memref<10240x16xf32, #tpu.memory_space<vmem_shared>>)
      %dma_wait3A_303 = arith.constant 512 : i32
      %dma_wait3A_304 = arith.constant 0 : i32
      %dma_wait3A_305 = tpu.memref_slice %arg10[%dma_wait3A_303, %dma_wait3A_304] : memref<1024x16xf32, #tpu.memory_space<vmem>> -> memref<128x16xf32, #tpu.memory_space<vmem>>
      %dma_wait3A_306 = arith.constant 0 : i32
      %dma_wait3A_307 = tpu.memref_slice %arg9[%add3A_224, %dma_wait3A_306] : memref<80x128xi32, #tpu.memory_space<vmem>> -> memref<1x128xi32, #tpu.memory_space<vmem>>
      %dma_wait3A_308 = tpu.memref_squeeze %dma_wait3A_307 : memref<1x128xi32, #tpu.memory_space<vmem>> -> memref<128xi32, #tpu.memory_space<vmem>>
      %dma_wait3A_309 = arith.constant 0 : i32
      %dma_wait3A_310 = arith.constant 0 : i32
      %dma_wait3A_311 = tpu.memref_slice %arg15[%dma_wait3A_309, %dma_wait3A_310] : memref<10240x16xf32, #tpu.memory_space<vmem_shared>> -> memref<10240x16xf32, #tpu.memory_space<vmem_shared>>
      tpu.wait_indirect_dma semaphore(%arg17 : memref<!tpu.dma_semaphore, #tpu.memory_space<semaphore_mem>>) src(%dma_wait3A_305 : memref<128x16xf32, #tpu.memory_space<vmem>>) dst(%dma_wait3A_311 : memref<10240x16xf32, #tpu.memory_space<vmem_shared>>)
      %dma_wait3A_312 = arith.constant 640 : i32
      %dma_wait3A_313 = arith.constant 0 : i32
      %dma_wait3A_314 = tpu.memref_slice %arg10[%dma_wait3A_312, %dma_wait3A_313] : memref<1024x16xf32, #tpu.memory_space<vmem>> -> memref<128x16xf32, #tpu.memory_space<vmem>>
      %dma_wait3A_315 = arith.constant 0 : i32
      %dma_wait3A_316 = tpu.memref_slice %arg9[%add3A_235, %dma_wait3A_315] : memref<80x128xi32, #tpu.memory_space<vmem>> -> memref<1x128xi32, #tpu.memory_space<vmem>>
      %dma_wait3A_317 = tpu.memref_squeeze %dma_wait3A_316 : memref<1x128xi32, #tpu.memory_space<vmem>> -> memref<128xi32, #tpu.memory_space<vmem>>
      %dma_wait3A_318 = arith.constant 0 : i32
      %dma_wait3A_319 = arith.constant 0 : i32
      %dma_wait3A_320 = tpu.memref_slice %arg15[%dma_wait3A_318, %dma_wait3A_319] : memref<10240x16xf32, #tpu.memory_space<vmem_shared>> -> memref<10240x16xf32, #tpu.memory_space<vmem_shared>>
      tpu.wait_indirect_dma semaphore(%arg17 : memref<!tpu.dma_semaphore, #tpu.memory_space<semaphore_mem>>) src(%dma_wait3A_314 : memref<128x16xf32, #tpu.memory_space<vmem>>) dst(%dma_wait3A_320 : memref<10240x16xf32, #tpu.memory_space<vmem_shared>>)
      %dma_wait3A_321 = arith.constant 768 : i32
      %dma_wait3A_322 = arith.constant 0 : i32
      %dma_wait3A_323 = tpu.memref_slice %arg10[%dma_wait3A_321, %dma_wait3A_322] : memref<1024x16xf32, #tpu.memory_space<vmem>> -> memref<128x16xf32, #tpu.memory_space<vmem>>
      %dma_wait3A_324 = arith.constant 0 : i32
      %dma_wait3A_325 = tpu.memref_slice %arg9[%add3A_246, %dma_wait3A_324] : memref<80x128xi32, #tpu.memory_space<vmem>> -> memref<1x128xi32, #tpu.memory_space<vmem>>
      %dma_wait3A_326 = tpu.memref_squeeze %dma_wait3A_325 : memref<1x128xi32, #tpu.memory_space<vmem>> -> memref<128xi32, #tpu.memory_space<vmem>>
      %dma_wait3A_327 = arith.constant 0 : i32
      %dma_wait3A_328 = arith.constant 0 : i32
      %dma_wait3A_329 = tpu.memref_slice %arg15[%dma_wait3A_327, %dma_wait3A_328] : memref<10240x16xf32, #tpu.memory_space<vmem_shared>> -> memref<10240x16xf32, #tpu.memory_space<vmem_shared>>
      tpu.wait_indirect_dma semaphore(%arg17 : memref<!tpu.dma_semaphore, #tpu.memory_space<semaphore_mem>>) src(%dma_wait3A_323 : memref<128x16xf32, #tpu.memory_space<vmem>>) dst(%dma_wait3A_329 : memref<10240x16xf32, #tpu.memory_space<vmem_shared>>)
      %dma_wait3A_330 = arith.constant 896 : i32
      %dma_wait3A_331 = arith.constant 0 : i32
      %dma_wait3A_332 = tpu.memref_slice %arg10[%dma_wait3A_330, %dma_wait3A_331] : memref<1024x16xf32, #tpu.memory_space<vmem>> -> memref<128x16xf32, #tpu.memory_space<vmem>>
      %dma_wait3A_333 = arith.constant 0 : i32
      %dma_wait3A_334 = tpu.memref_slice %arg9[%add3A_257, %dma_wait3A_333] : memref<80x128xi32, #tpu.memory_space<vmem>> -> memref<1x128xi32, #tpu.memory_space<vmem>>
      %dma_wait3A_335 = tpu.memref_squeeze %dma_wait3A_334 : memref<1x128xi32, #tpu.memory_space<vmem>> -> memref<128xi32, #tpu.memory_space<vmem>>
      %dma_wait3A_336 = arith.constant 0 : i32
      %dma_wait3A_337 = arith.constant 0 : i32
      %dma_wait3A_338 = tpu.memref_slice %arg15[%dma_wait3A_336, %dma_wait3A_337] : memref<10240x16xf32, #tpu.memory_space<vmem_shared>> -> memref<10240x16xf32, #tpu.memory_space<vmem_shared>>
      tpu.wait_indirect_dma semaphore(%arg17 : memref<!tpu.dma_semaphore, #tpu.memory_space<semaphore_mem>>) src(%dma_wait3A_332 : memref<128x16xf32, #tpu.memory_space<vmem>>) dst(%dma_wait3A_338 : memref<10240x16xf32, #tpu.memory_space<vmem_shared>>)
    }
    %scan3A_12 = arith.constant 10 : i32
    %barrier3A_13 = arith.constant 0 : index
    tpu.barrier barrier_id(%barrier3A_13)
    "tpu.region"() ({
      %run_scoped3A_14 = tpu.sem_alloc : memref<!tpu.dma_semaphore, #tpu.memory_space<semaphore_mem>>
      %dma_start3A = arith.constant 0 : i32
      %dma_start3A_15 = tpu.memref_slice %arg7[%arg0, %mul3A_2, %dma_start3A] : memref<2x10240x16xf32, #tpu.memory_space<hbm>> -> memref<1x640x16xf32, #tpu.memory_space<hbm>>
      %dma_start3A_16 = tpu.memref_squeeze %dma_start3A_15 : memref<1x640x16xf32, #tpu.memory_space<hbm>> -> memref<640x16xf32, #tpu.memory_space<hbm>>
      %dma_start3A_17 = arith.constant 0 : i32
      %dma_start3A_18 = tpu.memref_slice %arg15[%mul3A_2, %dma_start3A_17] : memref<10240x16xf32, #tpu.memory_space<vmem_shared>> -> memref<640x16xf32, #tpu.memory_space<vmem_shared>>
      tpu.enqueue_dma source(%dma_start3A_18 : memref<640x16xf32, #tpu.memory_space<vmem_shared>>) target(%dma_start3A_16 : memref<640x16xf32, #tpu.memory_space<hbm>>) target_semaphore(%run_scoped3A_14 : memref<!tpu.dma_semaphore, #tpu.memory_space<semaphore_mem>>)
      %dma_wait3A = arith.constant 0 : i32
      %dma_wait3A_19 = tpu.memref_slice %arg7[%arg0, %mul3A_2, %dma_wait3A] : memref<2x10240x16xf32, #tpu.memory_space<hbm>> -> memref<1x640x16xf32, #tpu.memory_space<hbm>>
      %dma_wait3A_20 = tpu.memref_squeeze %dma_wait3A_19 : memref<1x640x16xf32, #tpu.memory_space<hbm>> -> memref<640x16xf32, #tpu.memory_space<hbm>>
      %dma_wait3A_21 = arith.constant 0 : i32
      %dma_wait3A_22 = tpu.memref_slice %arg15[%mul3A_2, %dma_wait3A_21] : memref<10240x16xf32, #tpu.memory_space<vmem_shared>> -> memref<640x16xf32, #tpu.memory_space<vmem_shared>>
      tpu.wait_dma2 semaphore(%run_scoped3A_14 : memref<!tpu.dma_semaphore, #tpu.memory_space<semaphore_mem>>) src(%dma_wait3A_22 : memref<640x16xf32, #tpu.memory_space<vmem_shared>>) dst(%dma_wait3A_20 : memref<640x16xf32, #tpu.memory_space<hbm>>)
      tpu.yield
    }) : () -> ()
    return
  }
}

#map = affine_map<(d0, d1) -> (0, 0, 0)>
#map1 = affine_map<(d0, d1) -> (0)>
#map2 = affine_map<(d0, d1) -> (0, 0)>
module attributes {stable_mosaic.version = 14 : i64} {
  func.func @_deg_body(%arg0: i32, %arg1: i32, %arg2: memref<32x80x128xi32, #tpu.memory_space<hbm>>, %arg3: memref<640xf32, #tpu.memory_space<hbm>>, %arg4: memref<128xf32, #tpu.memory_space<hbm>>, %arg5: memref<2x10240xf32, #tpu.memory_space<hbm>>, %arg6: memref<80x128xi32, #tpu.memory_space<vmem>>, %arg7: memref<128xf32, #tpu.memory_space<vmem>>, %arg8: memref<10240xf32, #tpu.memory_space<vmem_shared>>, %arg9: memref<!tpu.dma_semaphore, #tpu.memory_space<semaphore_mem>>) attributes {dimension_semantics = [#tpu.dimension_semantics<core_parallel>, #tpu.dimension_semantics<subcore_parallel>], iteration_bounds = array<i64: 2, 16>, scalar_prefetch = 0 : i64, scratch_operands = 4 : i64, tpu.core_type = #tpu.core_type<sc_vector_subcore>, window_params = [{transform_indices = #map}, {transform_indices = #map1}, {transform_indices = #map1}, {transform_indices = #map2}]} {
    %mul3A = arith.constant 16 : i32
    %mul3A_0 = arith.muli %arg0, %mul3A : i32
    %add3A = arith.addi %mul3A_0, %arg1 : i32
    %mul3A_1 = arith.constant 640 : i32
    %mul3A_2 = arith.muli %arg1, %mul3A_1 : i32
    "tpu.region"() ({
      %run_scoped3A = tpu.sem_alloc : memref<!tpu.dma_semaphore, #tpu.memory_space<semaphore_mem>>
      %dma_start3A = tpu.memref_slice %arg8[%mul3A_2] : memref<10240xf32, #tpu.memory_space<vmem_shared>> -> memref<640xf32, #tpu.memory_space<vmem_shared>>
      tpu.enqueue_dma source(%arg3 : memref<640xf32, #tpu.memory_space<hbm>>) target(%dma_start3A : memref<640xf32, #tpu.memory_space<vmem_shared>>) target_semaphore(%run_scoped3A : memref<!tpu.dma_semaphore, #tpu.memory_space<semaphore_mem>>)
      %dma_wait3A = tpu.memref_slice %arg8[%mul3A_2] : memref<10240xf32, #tpu.memory_space<vmem_shared>> -> memref<640xf32, #tpu.memory_space<vmem_shared>>
      tpu.wait_dma2 semaphore(%run_scoped3A : memref<!tpu.dma_semaphore, #tpu.memory_space<semaphore_mem>>) src(%arg3 : memref<640xf32, #tpu.memory_space<hbm>>) dst(%dma_wait3A : memref<640xf32, #tpu.memory_space<vmem_shared>>)
      tpu.yield
    }) : () -> ()
    "tpu.region"() ({
      %run_scoped3A = tpu.sem_alloc : memref<!tpu.dma_semaphore, #tpu.memory_space<semaphore_mem>>
      tpu.enqueue_dma source(%arg4 : memref<128xf32, #tpu.memory_space<hbm>>) target(%arg7 : memref<128xf32, #tpu.memory_space<vmem>>) target_semaphore(%run_scoped3A : memref<!tpu.dma_semaphore, #tpu.memory_space<semaphore_mem>>)
      tpu.wait_dma2 semaphore(%run_scoped3A : memref<!tpu.dma_semaphore, #tpu.memory_space<semaphore_mem>>) src(%arg4 : memref<128xf32, #tpu.memory_space<hbm>>) dst(%arg7 : memref<128xf32, #tpu.memory_space<vmem>>)
      tpu.yield
    }) : () -> ()
    "tpu.region"() ({
      %run_scoped3A = tpu.sem_alloc : memref<!tpu.dma_semaphore, #tpu.memory_space<semaphore_mem>>
      %dma_start3A = arith.constant 0 : i32
      %dma_start3A_12 = arith.constant 0 : i32
      %dma_start3A_13 = tpu.memref_slice %arg2[%add3A, %dma_start3A, %dma_start3A_12] : memref<32x80x128xi32, #tpu.memory_space<hbm>> -> memref<1x80x128xi32, #tpu.memory_space<hbm>>
      %dma_start3A_14 = tpu.memref_squeeze %dma_start3A_13 : memref<1x80x128xi32, #tpu.memory_space<hbm>> -> memref<80x128xi32, #tpu.memory_space<hbm>>
      %dma_start3A_15 = arith.constant 0 : i32
      %dma_start3A_16 = arith.constant 0 : i32
      %dma_start3A_17 = tpu.memref_slice %arg2[%add3A, %dma_start3A_15, %dma_start3A_16] : memref<32x80x128xi32, #tpu.memory_space<hbm>> -> memref<1x80x128xi32, #tpu.memory_space<hbm>>
      %dma_start3A_18 = tpu.memref_squeeze %dma_start3A_17 : memref<1x80x128xi32, #tpu.memory_space<hbm>> -> memref<80x128xi32, #tpu.memory_space<hbm>>
      tpu.enqueue_dma source(%dma_start3A_18 : memref<80x128xi32, #tpu.memory_space<hbm>>) target(%arg6 : memref<80x128xi32, #tpu.memory_space<vmem>>) target_semaphore(%run_scoped3A : memref<!tpu.dma_semaphore, #tpu.memory_space<semaphore_mem>>)
      %dma_wait3A = arith.constant 0 : i32
      %dma_wait3A_19 = arith.constant 0 : i32
      %dma_wait3A_20 = tpu.memref_slice %arg2[%add3A, %dma_wait3A, %dma_wait3A_19] : memref<32x80x128xi32, #tpu.memory_space<hbm>> -> memref<1x80x128xi32, #tpu.memory_space<hbm>>
      %dma_wait3A_21 = tpu.memref_squeeze %dma_wait3A_20 : memref<1x80x128xi32, #tpu.memory_space<hbm>> -> memref<80x128xi32, #tpu.memory_space<hbm>>
      %dma_wait3A_22 = arith.constant 0 : i32
      %dma_wait3A_23 = arith.constant 0 : i32
      %dma_wait3A_24 = tpu.memref_slice %arg2[%add3A, %dma_wait3A_22, %dma_wait3A_23] : memref<32x80x128xi32, #tpu.memory_space<hbm>> -> memref<1x80x128xi32, #tpu.memory_space<hbm>>
      %dma_wait3A_25 = tpu.memref_squeeze %dma_wait3A_24 : memref<1x80x128xi32, #tpu.memory_space<hbm>> -> memref<80x128xi32, #tpu.memory_space<hbm>>
      tpu.wait_dma2 semaphore(%run_scoped3A : memref<!tpu.dma_semaphore, #tpu.memory_space<semaphore_mem>>) src(%dma_wait3A_25 : memref<80x128xi32, #tpu.memory_space<hbm>>) dst(%arg6 : memref<80x128xi32, #tpu.memory_space<vmem>>)
      tpu.yield
    }) : () -> ()
    %barrier3A = arith.constant 0 : index
    tpu.barrier barrier_id(%barrier3A)
    %scan3A = arith.constant 0 : i32
    %scan3A_3 = arith.constant 10 : i32
    %scan3A_4 = arith.addi %scan3A, %scan3A_3 : i32
    %scan3A_5 = arith.constant 1 : i32
    scf.for %scan3A_12 = %scan3A to %scan3A_4 step %scan3A_5  : i32 {
      %mul3A_13 = arith.constant 1 : i32
      %mul3A_14 = arith.muli %scan3A_12, %mul3A_13 : i32
      %add3A_15 = arith.constant 0 : i32
      %add3A_16 = arith.addi %add3A_15, %mul3A_14 : i32
      %mul3A_17 = arith.constant 8 : i32
      %mul3A_18 = arith.muli %add3A_16, %mul3A_17 : i32
      %add3A_19 = arith.constant 0 : i32
      %add3A_20 = arith.addi %mul3A_18, %add3A_19 : i32
      %dma_start3A = arith.constant 0 : i32
      %dma_start3A_21 = tpu.memref_slice %arg6[%add3A_20, %dma_start3A] : memref<80x128xi32, #tpu.memory_space<vmem>> -> memref<1x128xi32, #tpu.memory_space<vmem>>
      %dma_start3A_22 = tpu.memref_squeeze %dma_start3A_21 : memref<1x128xi32, #tpu.memory_space<vmem>> -> memref<128xi32, #tpu.memory_space<vmem>>
      %dma_start3A_23 = arith.constant 0 : i32
      %dma_start3A_24 = tpu.memref_slice %arg8[%dma_start3A_23] : memref<10240xf32, #tpu.memory_space<vmem_shared>> -> memref<10240xf32, #tpu.memory_space<vmem_shared>>
      tpu.enqueue_indirect_dma source(%arg7 : memref<128xf32, #tpu.memory_space<vmem>>) target(%dma_start3A_24 : memref<10240xf32, #tpu.memory_space<vmem_shared>>) offsets(%dma_start3A_22 : memref<128xi32, #tpu.memory_space<vmem>>) semaphore(%arg9 : memref<!tpu.dma_semaphore, #tpu.memory_space<semaphore_mem>>) {add = true}
      %add3A_25 = arith.constant 1 : i32
      %add3A_26 = arith.addi %mul3A_18, %add3A_25 : i32
      %dma_start3A_27 = arith.constant 0 : i32
      %dma_start3A_28 = tpu.memref_slice %arg6[%add3A_26, %dma_start3A_27] : memref<80x128xi32, #tpu.memory_space<vmem>> -> memref<1x128xi32, #tpu.memory_space<vmem>>
      %dma_start3A_29 = tpu.memref_squeeze %dma_start3A_28 : memref<1x128xi32, #tpu.memory_space<vmem>> -> memref<128xi32, #tpu.memory_space<vmem>>
      %dma_start3A_30 = arith.constant 0 : i32
      %dma_start3A_31 = tpu.memref_slice %arg8[%dma_start3A_30] : memref<10240xf32, #tpu.memory_space<vmem_shared>> -> memref<10240xf32, #tpu.memory_space<vmem_shared>>
      tpu.enqueue_indirect_dma source(%arg7 : memref<128xf32, #tpu.memory_space<vmem>>) target(%dma_start3A_31 : memref<10240xf32, #tpu.memory_space<vmem_shared>>) offsets(%dma_start3A_29 : memref<128xi32, #tpu.memory_space<vmem>>) semaphore(%arg9 : memref<!tpu.dma_semaphore, #tpu.memory_space<semaphore_mem>>) {add = true}
      %add3A_32 = arith.constant 2 : i32
      %add3A_33 = arith.addi %mul3A_18, %add3A_32 : i32
      %dma_start3A_34 = arith.constant 0 : i32
      %dma_start3A_35 = tpu.memref_slice %arg6[%add3A_33, %dma_start3A_34] : memref<80x128xi32, #tpu.memory_space<vmem>> -> memref<1x128xi32, #tpu.memory_space<vmem>>
      %dma_start3A_36 = tpu.memref_squeeze %dma_start3A_35 : memref<1x128xi32, #tpu.memory_space<vmem>> -> memref<128xi32, #tpu.memory_space<vmem>>
      %dma_start3A_37 = arith.constant 0 : i32
      %dma_start3A_38 = tpu.memref_slice %arg8[%dma_start3A_37] : memref<10240xf32, #tpu.memory_space<vmem_shared>> -> memref<10240xf32, #tpu.memory_space<vmem_shared>>
      tpu.enqueue_indirect_dma source(%arg7 : memref<128xf32, #tpu.memory_space<vmem>>) target(%dma_start3A_38 : memref<10240xf32, #tpu.memory_space<vmem_shared>>) offsets(%dma_start3A_36 : memref<128xi32, #tpu.memory_space<vmem>>) semaphore(%arg9 : memref<!tpu.dma_semaphore, #tpu.memory_space<semaphore_mem>>) {add = true}
      %add3A_39 = arith.constant 3 : i32
      %add3A_40 = arith.addi %mul3A_18, %add3A_39 : i32
      %dma_start3A_41 = arith.constant 0 : i32
      %dma_start3A_42 = tpu.memref_slice %arg6[%add3A_40, %dma_start3A_41] : memref<80x128xi32, #tpu.memory_space<vmem>> -> memref<1x128xi32, #tpu.memory_space<vmem>>
      %dma_start3A_43 = tpu.memref_squeeze %dma_start3A_42 : memref<1x128xi32, #tpu.memory_space<vmem>> -> memref<128xi32, #tpu.memory_space<vmem>>
      %dma_start3A_44 = arith.constant 0 : i32
      %dma_start3A_45 = tpu.memref_slice %arg8[%dma_start3A_44] : memref<10240xf32, #tpu.memory_space<vmem_shared>> -> memref<10240xf32, #tpu.memory_space<vmem_shared>>
      tpu.enqueue_indirect_dma source(%arg7 : memref<128xf32, #tpu.memory_space<vmem>>) target(%dma_start3A_45 : memref<10240xf32, #tpu.memory_space<vmem_shared>>) offsets(%dma_start3A_43 : memref<128xi32, #tpu.memory_space<vmem>>) semaphore(%arg9 : memref<!tpu.dma_semaphore, #tpu.memory_space<semaphore_mem>>) {add = true}
      %add3A_46 = arith.constant 4 : i32
      %add3A_47 = arith.addi %mul3A_18, %add3A_46 : i32
      %dma_start3A_48 = arith.constant 0 : i32
      %dma_start3A_49 = tpu.memref_slice %arg6[%add3A_47, %dma_start3A_48] : memref<80x128xi32, #tpu.memory_space<vmem>> -> memref<1x128xi32, #tpu.memory_space<vmem>>
      %dma_start3A_50 = tpu.memref_squeeze %dma_start3A_49 : memref<1x128xi32, #tpu.memory_space<vmem>> -> memref<128xi32, #tpu.memory_space<vmem>>
      %dma_start3A_51 = arith.constant 0 : i32
      %dma_start3A_52 = tpu.memref_slice %arg8[%dma_start3A_51] : memref<10240xf32, #tpu.memory_space<vmem_shared>> -> memref<10240xf32, #tpu.memory_space<vmem_shared>>
      tpu.enqueue_indirect_dma source(%arg7 : memref<128xf32, #tpu.memory_space<vmem>>) target(%dma_start3A_52 : memref<10240xf32, #tpu.memory_space<vmem_shared>>) offsets(%dma_start3A_50 : memref<128xi32, #tpu.memory_space<vmem>>) semaphore(%arg9 : memref<!tpu.dma_semaphore, #tpu.memory_space<semaphore_mem>>) {add = true}
      %add3A_53 = arith.constant 5 : i32
      %add3A_54 = arith.addi %mul3A_18, %add3A_53 : i32
      %dma_start3A_55 = arith.constant 0 : i32
      %dma_start3A_56 = tpu.memref_slice %arg6[%add3A_54, %dma_start3A_55] : memref<80x128xi32, #tpu.memory_space<vmem>> -> memref<1x128xi32, #tpu.memory_space<vmem>>
      %dma_start3A_57 = tpu.memref_squeeze %dma_start3A_56 : memref<1x128xi32, #tpu.memory_space<vmem>> -> memref<128xi32, #tpu.memory_space<vmem>>
      %dma_start3A_58 = arith.constant 0 : i32
      %dma_start3A_59 = tpu.memref_slice %arg8[%dma_start3A_58] : memref<10240xf32, #tpu.memory_space<vmem_shared>> -> memref<10240xf32, #tpu.memory_space<vmem_shared>>
      tpu.enqueue_indirect_dma source(%arg7 : memref<128xf32, #tpu.memory_space<vmem>>) target(%dma_start3A_59 : memref<10240xf32, #tpu.memory_space<vmem_shared>>) offsets(%dma_start3A_57 : memref<128xi32, #tpu.memory_space<vmem>>) semaphore(%arg9 : memref<!tpu.dma_semaphore, #tpu.memory_space<semaphore_mem>>) {add = true}
      %add3A_60 = arith.constant 6 : i32
      %add3A_61 = arith.addi %mul3A_18, %add3A_60 : i32
      %dma_start3A_62 = arith.constant 0 : i32
      %dma_start3A_63 = tpu.memref_slice %arg6[%add3A_61, %dma_start3A_62] : memref<80x128xi32, #tpu.memory_space<vmem>> -> memref<1x128xi32, #tpu.memory_space<vmem>>
      %dma_start3A_64 = tpu.memref_squeeze %dma_start3A_63 : memref<1x128xi32, #tpu.memory_space<vmem>> -> memref<128xi32, #tpu.memory_space<vmem>>
      %dma_start3A_65 = arith.constant 0 : i32
      %dma_start3A_66 = tpu.memref_slice %arg8[%dma_start3A_65] : memref<10240xf32, #tpu.memory_space<vmem_shared>> -> memref<10240xf32, #tpu.memory_space<vmem_shared>>
      tpu.enqueue_indirect_dma source(%arg7 : memref<128xf32, #tpu.memory_space<vmem>>) target(%dma_start3A_66 : memref<10240xf32, #tpu.memory_space<vmem_shared>>) offsets(%dma_start3A_64 : memref<128xi32, #tpu.memory_space<vmem>>) semaphore(%arg9 : memref<!tpu.dma_semaphore, #tpu.memory_space<semaphore_mem>>) {add = true}
      %add3A_67 = arith.constant 7 : i32
      %add3A_68 = arith.addi %mul3A_18, %add3A_67 : i32
      %dma_start3A_69 = arith.constant 0 : i32
      %dma_start3A_70 = tpu.memref_slice %arg6[%add3A_68, %dma_start3A_69] : memref<80x128xi32, #tpu.memory_space<vmem>> -> memref<1x128xi32, #tpu.memory_space<vmem>>
      %dma_start3A_71 = tpu.memref_squeeze %dma_start3A_70 : memref<1x128xi32, #tpu.memory_space<vmem>> -> memref<128xi32, #tpu.memory_space<vmem>>
      %dma_start3A_72 = arith.constant 0 : i32
      %dma_start3A_73 = tpu.memref_slice %arg8[%dma_start3A_72] : memref<10240xf32, #tpu.memory_space<vmem_shared>> -> memref<10240xf32, #tpu.memory_space<vmem_shared>>
      tpu.enqueue_indirect_dma source(%arg7 : memref<128xf32, #tpu.memory_space<vmem>>) target(%dma_start3A_73 : memref<10240xf32, #tpu.memory_space<vmem_shared>>) offsets(%dma_start3A_71 : memref<128xi32, #tpu.memory_space<vmem>>) semaphore(%arg9 : memref<!tpu.dma_semaphore, #tpu.memory_space<semaphore_mem>>) {add = true}
      %dma_wait3A = arith.constant 0 : i32
      %dma_wait3A_74 = tpu.memref_slice %arg6[%add3A_20, %dma_wait3A] : memref<80x128xi32, #tpu.memory_space<vmem>> -> memref<1x128xi32, #tpu.memory_space<vmem>>
      %dma_wait3A_75 = tpu.memref_squeeze %dma_wait3A_74 : memref<1x128xi32, #tpu.memory_space<vmem>> -> memref<128xi32, #tpu.memory_space<vmem>>
      %dma_wait3A_76 = arith.constant 0 : i32
      %dma_wait3A_77 = tpu.memref_slice %arg8[%dma_wait3A_76] : memref<10240xf32, #tpu.memory_space<vmem_shared>> -> memref<10240xf32, #tpu.memory_space<vmem_shared>>
      tpu.wait_indirect_dma semaphore(%arg9 : memref<!tpu.dma_semaphore, #tpu.memory_space<semaphore_mem>>) src(%arg7 : memref<128xf32, #tpu.memory_space<vmem>>) dst(%dma_wait3A_77 : memref<10240xf32, #tpu.memory_space<vmem_shared>>)
      %dma_wait3A_78 = arith.constant 0 : i32
      %dma_wait3A_79 = tpu.memref_slice %arg6[%add3A_26, %dma_wait3A_78] : memref<80x128xi32, #tpu.memory_space<vmem>> -> memref<1x128xi32, #tpu.memory_space<vmem>>
      %dma_wait3A_80 = tpu.memref_squeeze %dma_wait3A_79 : memref<1x128xi32, #tpu.memory_space<vmem>> -> memref<128xi32, #tpu.memory_space<vmem>>
      %dma_wait3A_81 = arith.constant 0 : i32
      %dma_wait3A_82 = tpu.memref_slice %arg8[%dma_wait3A_81] : memref<10240xf32, #tpu.memory_space<vmem_shared>> -> memref<10240xf32, #tpu.memory_space<vmem_shared>>
      tpu.wait_indirect_dma semaphore(%arg9 : memref<!tpu.dma_semaphore, #tpu.memory_space<semaphore_mem>>) src(%arg7 : memref<128xf32, #tpu.memory_space<vmem>>) dst(%dma_wait3A_82 : memref<10240xf32, #tpu.memory_space<vmem_shared>>)
      %dma_wait3A_83 = arith.constant 0 : i32
      %dma_wait3A_84 = tpu.memref_slice %arg6[%add3A_33, %dma_wait3A_83] : memref<80x128xi32, #tpu.memory_space<vmem>> -> memref<1x128xi32, #tpu.memory_space<vmem>>
      %dma_wait3A_85 = tpu.memref_squeeze %dma_wait3A_84 : memref<1x128xi32, #tpu.memory_space<vmem>> -> memref<128xi32, #tpu.memory_space<vmem>>
      %dma_wait3A_86 = arith.constant 0 : i32
      %dma_wait3A_87 = tpu.memref_slice %arg8[%dma_wait3A_86] : memref<10240xf32, #tpu.memory_space<vmem_shared>> -> memref<10240xf32, #tpu.memory_space<vmem_shared>>
      tpu.wait_indirect_dma semaphore(%arg9 : memref<!tpu.dma_semaphore, #tpu.memory_space<semaphore_mem>>) src(%arg7 : memref<128xf32, #tpu.memory_space<vmem>>) dst(%dma_wait3A_87 : memref<10240xf32, #tpu.memory_space<vmem_shared>>)
      %dma_wait3A_88 = arith.constant 0 : i32
      %dma_wait3A_89 = tpu.memref_slice %arg6[%add3A_40, %dma_wait3A_88] : memref<80x128xi32, #tpu.memory_space<vmem>> -> memref<1x128xi32, #tpu.memory_space<vmem>>
      %dma_wait3A_90 = tpu.memref_squeeze %dma_wait3A_89 : memref<1x128xi32, #tpu.memory_space<vmem>> -> memref<128xi32, #tpu.memory_space<vmem>>
      %dma_wait3A_91 = arith.constant 0 : i32
      %dma_wait3A_92 = tpu.memref_slice %arg8[%dma_wait3A_91] : memref<10240xf32, #tpu.memory_space<vmem_shared>> -> memref<10240xf32, #tpu.memory_space<vmem_shared>>
      tpu.wait_indirect_dma semaphore(%arg9 : memref<!tpu.dma_semaphore, #tpu.memory_space<semaphore_mem>>) src(%arg7 : memref<128xf32, #tpu.memory_space<vmem>>) dst(%dma_wait3A_92 : memref<10240xf32, #tpu.memory_space<vmem_shared>>)
      %dma_wait3A_93 = arith.constant 0 : i32
      %dma_wait3A_94 = tpu.memref_slice %arg6[%add3A_47, %dma_wait3A_93] : memref<80x128xi32, #tpu.memory_space<vmem>> -> memref<1x128xi32, #tpu.memory_space<vmem>>
      %dma_wait3A_95 = tpu.memref_squeeze %dma_wait3A_94 : memref<1x128xi32, #tpu.memory_space<vmem>> -> memref<128xi32, #tpu.memory_space<vmem>>
      %dma_wait3A_96 = arith.constant 0 : i32
      %dma_wait3A_97 = tpu.memref_slice %arg8[%dma_wait3A_96] : memref<10240xf32, #tpu.memory_space<vmem_shared>> -> memref<10240xf32, #tpu.memory_space<vmem_shared>>
      tpu.wait_indirect_dma semaphore(%arg9 : memref<!tpu.dma_semaphore, #tpu.memory_space<semaphore_mem>>) src(%arg7 : memref<128xf32, #tpu.memory_space<vmem>>) dst(%dma_wait3A_97 : memref<10240xf32, #tpu.memory_space<vmem_shared>>)
      %dma_wait3A_98 = arith.constant 0 : i32
      %dma_wait3A_99 = tpu.memref_slice %arg6[%add3A_54, %dma_wait3A_98] : memref<80x128xi32, #tpu.memory_space<vmem>> -> memref<1x128xi32, #tpu.memory_space<vmem>>
      %dma_wait3A_100 = tpu.memref_squeeze %dma_wait3A_99 : memref<1x128xi32, #tpu.memory_space<vmem>> -> memref<128xi32, #tpu.memory_space<vmem>>
      %dma_wait3A_101 = arith.constant 0 : i32
      %dma_wait3A_102 = tpu.memref_slice %arg8[%dma_wait3A_101] : memref<10240xf32, #tpu.memory_space<vmem_shared>> -> memref<10240xf32, #tpu.memory_space<vmem_shared>>
      tpu.wait_indirect_dma semaphore(%arg9 : memref<!tpu.dma_semaphore, #tpu.memory_space<semaphore_mem>>) src(%arg7 : memref<128xf32, #tpu.memory_space<vmem>>) dst(%dma_wait3A_102 : memref<10240xf32, #tpu.memory_space<vmem_shared>>)
      %dma_wait3A_103 = arith.constant 0 : i32
      %dma_wait3A_104 = tpu.memref_slice %arg6[%add3A_61, %dma_wait3A_103] : memref<80x128xi32, #tpu.memory_space<vmem>> -> memref<1x128xi32, #tpu.memory_space<vmem>>
      %dma_wait3A_105 = tpu.memref_squeeze %dma_wait3A_104 : memref<1x128xi32, #tpu.memory_space<vmem>> -> memref<128xi32, #tpu.memory_space<vmem>>
      %dma_wait3A_106 = arith.constant 0 : i32
      %dma_wait3A_107 = tpu.memref_slice %arg8[%dma_wait3A_106] : memref<10240xf32, #tpu.memory_space<vmem_shared>> -> memref<10240xf32, #tpu.memory_space<vmem_shared>>
      tpu.wait_indirect_dma semaphore(%arg9 : memref<!tpu.dma_semaphore, #tpu.memory_space<semaphore_mem>>) src(%arg7 : memref<128xf32, #tpu.memory_space<vmem>>) dst(%dma_wait3A_107 : memref<10240xf32, #tpu.memory_space<vmem_shared>>)
      %dma_wait3A_108 = arith.constant 0 : i32
      %dma_wait3A_109 = tpu.memref_slice %arg6[%add3A_68, %dma_wait3A_108] : memref<80x128xi32, #tpu.memory_space<vmem>> -> memref<1x128xi32, #tpu.memory_space<vmem>>
      %dma_wait3A_110 = tpu.memref_squeeze %dma_wait3A_109 : memref<1x128xi32, #tpu.memory_space<vmem>> -> memref<128xi32, #tpu.memory_space<vmem>>
      %dma_wait3A_111 = arith.constant 0 : i32
      %dma_wait3A_112 = tpu.memref_slice %arg8[%dma_wait3A_111] : memref<10240xf32, #tpu.memory_space<vmem_shared>> -> memref<10240xf32, #tpu.memory_space<vmem_shared>>
      tpu.wait_indirect_dma semaphore(%arg9 : memref<!tpu.dma_semaphore, #tpu.memory_space<semaphore_mem>>) src(%arg7 : memref<128xf32, #tpu.memory_space<vmem>>) dst(%dma_wait3A_112 : memref<10240xf32, #tpu.memory_space<vmem_shared>>)
    }
    %scan3A_6 = arith.constant 10 : i32
    %barrier3A_7 = arith.constant 0 : index
    tpu.barrier barrier_id(%barrier3A_7)
    %mul3A_8 = arith.constant 640 : i32
    %mul3A_9 = arith.muli %arg1, %mul3A_8 : i32
    %mul3A_10 = arith.constant 640 : i32
    %mul3A_11 = arith.muli %arg1, %mul3A_10 : i32
    "tpu.region"() ({
      %run_scoped3A = tpu.sem_alloc : memref<!tpu.dma_semaphore, #tpu.memory_space<semaphore_mem>>
      %dma_start3A = tpu.memref_slice %arg5[%arg0, %mul3A_11] : memref<2x10240xf32, #tpu.memory_space<hbm>> -> memref<1x640xf32, #tpu.memory_space<hbm>>
      %dma_start3A_12 = tpu.memref_squeeze %dma_start3A : memref<1x640xf32, #tpu.memory_space<hbm>> -> memref<640xf32, #tpu.memory_space<hbm>>
      %dma_start3A_13 = tpu.memref_slice %arg8[%mul3A_9] : memref<10240xf32, #tpu.memory_space<vmem_shared>> -> memref<640xf32, #tpu.memory_space<vmem_shared>>
      tpu.enqueue_dma source(%dma_start3A_13 : memref<640xf32, #tpu.memory_space<vmem_shared>>) target(%dma_start3A_12 : memref<640xf32, #tpu.memory_space<hbm>>) target_semaphore(%run_scoped3A : memref<!tpu.dma_semaphore, #tpu.memory_space<semaphore_mem>>)
      %dma_wait3A = tpu.memref_slice %arg5[%arg0, %mul3A_11] : memref<2x10240xf32, #tpu.memory_space<hbm>> -> memref<1x640xf32, #tpu.memory_space<hbm>>
      %dma_wait3A_14 = tpu.memref_squeeze %dma_wait3A : memref<1x640xf32, #tpu.memory_space<hbm>> -> memref<640xf32, #tpu.memory_space<hbm>>
      %dma_wait3A_15 = tpu.memref_slice %arg8[%mul3A_9] : memref<10240xf32, #tpu.memory_space<vmem_shared>> -> memref<640xf32, #tpu.memory_space<vmem_shared>>
      tpu.wait_dma2 semaphore(%run_scoped3A : memref<!tpu.dma_semaphore, #tpu.memory_space<semaphore_mem>>) src(%dma_wait3A_15 : memref<640xf32, #tpu.memory_space<vmem_shared>>) dst(%dma_wait3A_14 : memref<640xf32, #tpu.memory_space<hbm>>)
      tpu.yield
    }) : () -> ()
    return
  }
}

#map = affine_map<(d0, d1) -> (0, 0, 0)>
#map1 = affine_map<(d0, d1) -> (0, 0)>
module attributes {stable_mosaic.version = 14 : i64} {
  func.func @_msg_body(%arg0: i32, %arg1: i32, %arg2: memref<32x80x128xi32, #tpu.memory_space<hbm>>, %arg3: memref<32x80x128xi32, #tpu.memory_space<hbm>>, %arg4: memref<10240x16xf32, #tpu.memory_space<hbm>>, %arg5: memref<640x16xf32, #tpu.memory_space<hbm>>, %arg6: memref<2x10240x16xf32, #tpu.memory_space<hbm>>, %arg7: memref<80x128xi32, #tpu.memory_space<vmem>>, %arg8: memref<80x128xi32, #tpu.memory_space<vmem>>, %arg9: memref<1024x16xf32, #tpu.memory_space<vmem>>, %arg10: memref<10240x16xf32, #tpu.memory_space<vmem_shared>>, %arg11: memref<10240x16xf32, #tpu.memory_space<vmem_shared>>, %arg12: memref<!tpu.dma_semaphore, #tpu.memory_space<semaphore_mem>>, %arg13: memref<!tpu.dma_semaphore, #tpu.memory_space<semaphore_mem>>) attributes {dimension_semantics = [#tpu.dimension_semantics<core_parallel>, #tpu.dimension_semantics<subcore_parallel>], iteration_bounds = array<i64: 2, 16>, scalar_prefetch = 0 : i64, scratch_operands = 7 : i64, tpu.core_type = #tpu.core_type<sc_vector_subcore>, window_params = [{transform_indices = #map}, {transform_indices = #map}, {transform_indices = #map1}, {transform_indices = #map1}, {transform_indices = #map}]} {
    %mul3A = arith.constant 16 : i32
    %mul3A_0 = arith.muli %arg0, %mul3A : i32
    %add3A = arith.addi %mul3A_0, %arg1 : i32
    %mul3A_1 = arith.constant 640 : i32
    %mul3A_2 = arith.muli %arg1, %mul3A_1 : i32
    "tpu.region"() ({
      %run_scoped3A = tpu.sem_alloc : memref<!tpu.dma_semaphore, #tpu.memory_space<semaphore_mem>>
      %dma_start3A = arith.constant 0 : i32
      %dma_start3A_16 = tpu.memref_slice %arg11[%mul3A_2, %dma_start3A] : memref<10240x16xf32, #tpu.memory_space<vmem_shared>> -> memref<640x16xf32, #tpu.memory_space<vmem_shared>>
      tpu.enqueue_dma source(%arg5 : memref<640x16xf32, #tpu.memory_space<hbm>>) target(%dma_start3A_16 : memref<640x16xf32, #tpu.memory_space<vmem_shared>>) target_semaphore(%run_scoped3A : memref<!tpu.dma_semaphore, #tpu.memory_space<semaphore_mem>>)
      %dma_wait3A = arith.constant 0 : i32
      %dma_wait3A_17 = tpu.memref_slice %arg11[%mul3A_2, %dma_wait3A] : memref<10240x16xf32, #tpu.memory_space<vmem_shared>> -> memref<640x16xf32, #tpu.memory_space<vmem_shared>>
      tpu.wait_dma2 semaphore(%run_scoped3A : memref<!tpu.dma_semaphore, #tpu.memory_space<semaphore_mem>>) src(%arg5 : memref<640x16xf32, #tpu.memory_space<hbm>>) dst(%dma_wait3A_17 : memref<640x16xf32, #tpu.memory_space<vmem_shared>>)
      tpu.yield
    }) : () -> ()
    %mul3A_3 = arith.constant 640 : i32
    %mul3A_4 = arith.muli %arg1, %mul3A_3 : i32
    %mul3A_5 = arith.constant 640 : i32
    %mul3A_6 = arith.muli %arg1, %mul3A_5 : i32
    "tpu.region"() ({
      %run_scoped3A = tpu.sem_alloc : memref<!tpu.dma_semaphore, #tpu.memory_space<semaphore_mem>>
      %dma_start3A = arith.constant 0 : i32
      %dma_start3A_16 = tpu.memref_slice %arg10[%mul3A_6, %dma_start3A] : memref<10240x16xf32, #tpu.memory_space<vmem_shared>> -> memref<640x16xf32, #tpu.memory_space<vmem_shared>>
      %dma_start3A_17 = arith.constant 0 : i32
      %dma_start3A_18 = tpu.memref_slice %arg4[%mul3A_4, %dma_start3A_17] : memref<10240x16xf32, #tpu.memory_space<hbm>> -> memref<640x16xf32, #tpu.memory_space<hbm>>
      tpu.enqueue_dma source(%dma_start3A_18 : memref<640x16xf32, #tpu.memory_space<hbm>>) target(%dma_start3A_16 : memref<640x16xf32, #tpu.memory_space<vmem_shared>>) target_semaphore(%run_scoped3A : memref<!tpu.dma_semaphore, #tpu.memory_space<semaphore_mem>>)
      %dma_wait3A = arith.constant 0 : i32
      %dma_wait3A_19 = tpu.memref_slice %arg10[%mul3A_6, %dma_wait3A] : memref<10240x16xf32, #tpu.memory_space<vmem_shared>> -> memref<640x16xf32, #tpu.memory_space<vmem_shared>>
      %dma_wait3A_20 = arith.constant 0 : i32
      %dma_wait3A_21 = tpu.memref_slice %arg4[%mul3A_4, %dma_wait3A_20] : memref<10240x16xf32, #tpu.memory_space<hbm>> -> memref<640x16xf32, #tpu.memory_space<hbm>>
      tpu.wait_dma2 semaphore(%run_scoped3A : memref<!tpu.dma_semaphore, #tpu.memory_space<semaphore_mem>>) src(%dma_wait3A_21 : memref<640x16xf32, #tpu.memory_space<hbm>>) dst(%dma_wait3A_19 : memref<640x16xf32, #tpu.memory_space<vmem_shared>>)
      tpu.yield
    }) : () -> ()
    "tpu.region"() ({
      %run_scoped3A = tpu.sem_alloc : memref<!tpu.dma_semaphore, #tpu.memory_space<semaphore_mem>>
      %dma_start3A = arith.constant 0 : i32
      %dma_start3A_16 = arith.constant 0 : i32
      %dma_start3A_17 = tpu.memref_slice %arg2[%add3A, %dma_start3A, %dma_start3A_16] : memref<32x80x128xi32, #tpu.memory_space<hbm>> -> memref<1x80x128xi32, #tpu.memory_space<hbm>>
      %dma_start3A_18 = tpu.memref_squeeze %dma_start3A_17 : memref<1x80x128xi32, #tpu.memory_space<hbm>> -> memref<80x128xi32, #tpu.memory_space<hbm>>
      %dma_start3A_19 = arith.constant 0 : i32
      %dma_start3A_20 = arith.constant 0 : i32
      %dma_start3A_21 = tpu.memref_slice %arg2[%add3A, %dma_start3A_19, %dma_start3A_20] : memref<32x80x128xi32, #tpu.memory_space<hbm>> -> memref<1x80x128xi32, #tpu.memory_space<hbm>>
      %dma_start3A_22 = tpu.memref_squeeze %dma_start3A_21 : memref<1x80x128xi32, #tpu.memory_space<hbm>> -> memref<80x128xi32, #tpu.memory_space<hbm>>
      tpu.enqueue_dma source(%dma_start3A_22 : memref<80x128xi32, #tpu.memory_space<hbm>>) target(%arg7 : memref<80x128xi32, #tpu.memory_space<vmem>>) target_semaphore(%run_scoped3A : memref<!tpu.dma_semaphore, #tpu.memory_space<semaphore_mem>>)
      %dma_wait3A = arith.constant 0 : i32
      %dma_wait3A_23 = arith.constant 0 : i32
      %dma_wait3A_24 = tpu.memref_slice %arg2[%add3A, %dma_wait3A, %dma_wait3A_23] : memref<32x80x128xi32, #tpu.memory_space<hbm>> -> memref<1x80x128xi32, #tpu.memory_space<hbm>>
      %dma_wait3A_25 = tpu.memref_squeeze %dma_wait3A_24 : memref<1x80x128xi32, #tpu.memory_space<hbm>> -> memref<80x128xi32, #tpu.memory_space<hbm>>
      %dma_wait3A_26 = arith.constant 0 : i32
      %dma_wait3A_27 = arith.constant 0 : i32
      %dma_wait3A_28 = tpu.memref_slice %arg2[%add3A, %dma_wait3A_26, %dma_wait3A_27] : memref<32x80x128xi32, #tpu.memory_space<hbm>> -> memref<1x80x128xi32, #tpu.memory_space<hbm>>
      %dma_wait3A_29 = tpu.memref_squeeze %dma_wait3A_28 : memref<1x80x128xi32, #tpu.memory_space<hbm>> -> memref<80x128xi32, #tpu.memory_space<hbm>>
      tpu.wait_dma2 semaphore(%run_scoped3A : memref<!tpu.dma_semaphore, #tpu.memory_space<semaphore_mem>>) src(%dma_wait3A_29 : memref<80x128xi32, #tpu.memory_space<hbm>>) dst(%arg7 : memref<80x128xi32, #tpu.memory_space<vmem>>)
      tpu.yield
    }) : () -> ()
    "tpu.region"() ({
      %run_scoped3A = tpu.sem_alloc : memref<!tpu.dma_semaphore, #tpu.memory_space<semaphore_mem>>
      %dma_start3A = arith.constant 0 : i32
      %dma_start3A_16 = arith.constant 0 : i32
      %dma_start3A_17 = tpu.memref_slice %arg3[%add3A, %dma_start3A, %dma_start3A_16] : memref<32x80x128xi32, #tpu.memory_space<hbm>> -> memref<1x80x128xi32, #tpu.memory_space<hbm>>
      %dma_start3A_18 = tpu.memref_squeeze %dma_start3A_17 : memref<1x80x128xi32, #tpu.memory_space<hbm>> -> memref<80x128xi32, #tpu.memory_space<hbm>>
      %dma_start3A_19 = arith.constant 0 : i32
      %dma_start3A_20 = arith.constant 0 : i32
      %dma_start3A_21 = tpu.memref_slice %arg3[%add3A, %dma_start3A_19, %dma_start3A_20] : memref<32x80x128xi32, #tpu.memory_space<hbm>> -> memref<1x80x128xi32, #tpu.memory_space<hbm>>
      %dma_start3A_22 = tpu.memref_squeeze %dma_start3A_21 : memref<1x80x128xi32, #tpu.memory_space<hbm>> -> memref<80x128xi32, #tpu.memory_space<hbm>>
      tpu.enqueue_dma source(%dma_start3A_22 : memref<80x128xi32, #tpu.memory_space<hbm>>) target(%arg8 : memref<80x128xi32, #tpu.memory_space<vmem>>) target_semaphore(%run_scoped3A : memref<!tpu.dma_semaphore, #tpu.memory_space<semaphore_mem>>)
      %dma_wait3A = arith.constant 0 : i32
      %dma_wait3A_23 = arith.constant 0 : i32
      %dma_wait3A_24 = tpu.memref_slice %arg3[%add3A, %dma_wait3A, %dma_wait3A_23] : memref<32x80x128xi32, #tpu.memory_space<hbm>> -> memref<1x80x128xi32, #tpu.memory_space<hbm>>
      %dma_wait3A_25 = tpu.memref_squeeze %dma_wait3A_24 : memref<1x80x128xi32, #tpu.memory_space<hbm>> -> memref<80x128xi32, #tpu.memory_space<hbm>>
      %dma_wait3A_26 = arith.constant 0 : i32
      %dma_wait3A_27 = arith.constant 0 : i32
      %dma_wait3A_28 = tpu.memref_slice %arg3[%add3A, %dma_wait3A_26, %dma_wait3A_27] : memref<32x80x128xi32, #tpu.memory_space<hbm>> -> memref<1x80x128xi32, #tpu.memory_space<hbm>>
      %dma_wait3A_29 = tpu.memref_squeeze %dma_wait3A_28 : memref<1x80x128xi32, #tpu.memory_space<hbm>> -> memref<80x128xi32, #tpu.memory_space<hbm>>
      tpu.wait_dma2 semaphore(%run_scoped3A : memref<!tpu.dma_semaphore, #tpu.memory_space<semaphore_mem>>) src(%dma_wait3A_29 : memref<80x128xi32, #tpu.memory_space<hbm>>) dst(%arg8 : memref<80x128xi32, #tpu.memory_space<vmem>>)
      tpu.yield
    }) : () -> ()
    %barrier3A = arith.constant 0 : index
    tpu.barrier barrier_id(%barrier3A)
    %scan3A = arith.constant 0 : i32
    %scan3A_7 = arith.constant 10 : i32
    %scan3A_8 = arith.addi %scan3A, %scan3A_7 : i32
    %scan3A_9 = arith.constant 1 : i32
    scf.for %scan3A_16 = %scan3A to %scan3A_8 step %scan3A_9  : i32 {
      %mul3A_17 = arith.constant 1 : i32
      %mul3A_18 = arith.muli %scan3A_16, %mul3A_17 : i32
      %add3A_19 = arith.constant 0 : i32
      %add3A_20 = arith.addi %add3A_19, %mul3A_18 : i32
      %mul3A_21 = arith.constant 8 : i32
      %mul3A_22 = arith.muli %add3A_20, %mul3A_21 : i32
      %add3A_23 = arith.constant 0 : i32
      %add3A_24 = arith.addi %mul3A_22, %add3A_23 : i32
      %dma_start3A = arith.constant 0 : i32
      %dma_start3A_25 = arith.constant 0 : i32
      %dma_start3A_26 = tpu.memref_slice %arg9[%dma_start3A, %dma_start3A_25] : memref<1024x16xf32, #tpu.memory_space<vmem>> -> memref<128x16xf32, #tpu.memory_space<vmem>>
      %dma_start3A_27 = arith.constant 0 : i32
      %dma_start3A_28 = tpu.memref_slice %arg7[%add3A_24, %dma_start3A_27] : memref<80x128xi32, #tpu.memory_space<vmem>> -> memref<1x128xi32, #tpu.memory_space<vmem>>
      %dma_start3A_29 = tpu.memref_squeeze %dma_start3A_28 : memref<1x128xi32, #tpu.memory_space<vmem>> -> memref<128xi32, #tpu.memory_space<vmem>>
      %dma_start3A_30 = arith.constant 0 : i32
      %dma_start3A_31 = arith.constant 0 : i32
      %dma_start3A_32 = tpu.memref_slice %arg10[%dma_start3A_30, %dma_start3A_31] : memref<10240x16xf32, #tpu.memory_space<vmem_shared>> -> memref<10240x16xf32, #tpu.memory_space<vmem_shared>>
      tpu.enqueue_indirect_dma source(%dma_start3A_32 : memref<10240x16xf32, #tpu.memory_space<vmem_shared>>) target(%dma_start3A_26 : memref<128x16xf32, #tpu.memory_space<vmem>>) offsets(%dma_start3A_29 : memref<128xi32, #tpu.memory_space<vmem>>) semaphore(%arg12 : memref<!tpu.dma_semaphore, #tpu.memory_space<semaphore_mem>>)
      %add3A_33 = arith.constant 1 : i32
      %add3A_34 = arith.addi %mul3A_22, %add3A_33 : i32
      %dma_start3A_35 = arith.constant 128 : i32
      %dma_start3A_36 = arith.constant 0 : i32
      %dma_start3A_37 = tpu.memref_slice %arg9[%dma_start3A_35, %dma_start3A_36] : memref<1024x16xf32, #tpu.memory_space<vmem>> -> memref<128x16xf32, #tpu.memory_space<vmem>>
      %dma_start3A_38 = arith.constant 0 : i32
      %dma_start3A_39 = tpu.memref_slice %arg7[%add3A_34, %dma_start3A_38] : memref<80x128xi32, #tpu.memory_space<vmem>> -> memref<1x128xi32, #tpu.memory_space<vmem>>
      %dma_start3A_40 = tpu.memref_squeeze %dma_start3A_39 : memref<1x128xi32, #tpu.memory_space<vmem>> -> memref<128xi32, #tpu.memory_space<vmem>>
      %dma_start3A_41 = arith.constant 0 : i32
      %dma_start3A_42 = arith.constant 0 : i32
      %dma_start3A_43 = tpu.memref_slice %arg10[%dma_start3A_41, %dma_start3A_42] : memref<10240x16xf32, #tpu.memory_space<vmem_shared>> -> memref<10240x16xf32, #tpu.memory_space<vmem_shared>>
      tpu.enqueue_indirect_dma source(%dma_start3A_43 : memref<10240x16xf32, #tpu.memory_space<vmem_shared>>) target(%dma_start3A_37 : memref<128x16xf32, #tpu.memory_space<vmem>>) offsets(%dma_start3A_40 : memref<128xi32, #tpu.memory_space<vmem>>) semaphore(%arg12 : memref<!tpu.dma_semaphore, #tpu.memory_space<semaphore_mem>>)
      %add3A_44 = arith.constant 2 : i32
      %add3A_45 = arith.addi %mul3A_22, %add3A_44 : i32
      %dma_start3A_46 = arith.constant 256 : i32
      %dma_start3A_47 = arith.constant 0 : i32
      %dma_start3A_48 = tpu.memref_slice %arg9[%dma_start3A_46, %dma_start3A_47] : memref<1024x16xf32, #tpu.memory_space<vmem>> -> memref<128x16xf32, #tpu.memory_space<vmem>>
      %dma_start3A_49 = arith.constant 0 : i32
      %dma_start3A_50 = tpu.memref_slice %arg7[%add3A_45, %dma_start3A_49] : memref<80x128xi32, #tpu.memory_space<vmem>> -> memref<1x128xi32, #tpu.memory_space<vmem>>
      %dma_start3A_51 = tpu.memref_squeeze %dma_start3A_50 : memref<1x128xi32, #tpu.memory_space<vmem>> -> memref<128xi32, #tpu.memory_space<vmem>>
      %dma_start3A_52 = arith.constant 0 : i32
      %dma_start3A_53 = arith.constant 0 : i32
      %dma_start3A_54 = tpu.memref_slice %arg10[%dma_start3A_52, %dma_start3A_53] : memref<10240x16xf32, #tpu.memory_space<vmem_shared>> -> memref<10240x16xf32, #tpu.memory_space<vmem_shared>>
      tpu.enqueue_indirect_dma source(%dma_start3A_54 : memref<10240x16xf32, #tpu.memory_space<vmem_shared>>) target(%dma_start3A_48 : memref<128x16xf32, #tpu.memory_space<vmem>>) offsets(%dma_start3A_51 : memref<128xi32, #tpu.memory_space<vmem>>) semaphore(%arg12 : memref<!tpu.dma_semaphore, #tpu.memory_space<semaphore_mem>>)
      %add3A_55 = arith.constant 3 : i32
      %add3A_56 = arith.addi %mul3A_22, %add3A_55 : i32
      %dma_start3A_57 = arith.constant 384 : i32
      %dma_start3A_58 = arith.constant 0 : i32
      %dma_start3A_59 = tpu.memref_slice %arg9[%dma_start3A_57, %dma_start3A_58] : memref<1024x16xf32, #tpu.memory_space<vmem>> -> memref<128x16xf32, #tpu.memory_space<vmem>>
      %dma_start3A_60 = arith.constant 0 : i32
      %dma_start3A_61 = tpu.memref_slice %arg7[%add3A_56, %dma_start3A_60] : memref<80x128xi32, #tpu.memory_space<vmem>> -> memref<1x128xi32, #tpu.memory_space<vmem>>
      %dma_start3A_62 = tpu.memref_squeeze %dma_start3A_61 : memref<1x128xi32, #tpu.memory_space<vmem>> -> memref<128xi32, #tpu.memory_space<vmem>>
      %dma_start3A_63 = arith.constant 0 : i32
      %dma_start3A_64 = arith.constant 0 : i32
      %dma_start3A_65 = tpu.memref_slice %arg10[%dma_start3A_63, %dma_start3A_64] : memref<10240x16xf32, #tpu.memory_space<vmem_shared>> -> memref<10240x16xf32, #tpu.memory_space<vmem_shared>>
      tpu.enqueue_indirect_dma source(%dma_start3A_65 : memref<10240x16xf32, #tpu.memory_space<vmem_shared>>) target(%dma_start3A_59 : memref<128x16xf32, #tpu.memory_space<vmem>>) offsets(%dma_start3A_62 : memref<128xi32, #tpu.memory_space<vmem>>) semaphore(%arg12 : memref<!tpu.dma_semaphore, #tpu.memory_space<semaphore_mem>>)
      %add3A_66 = arith.constant 4 : i32
      %add3A_67 = arith.addi %mul3A_22, %add3A_66 : i32
      %dma_start3A_68 = arith.constant 512 : i32
      %dma_start3A_69 = arith.constant 0 : i32
      %dma_start3A_70 = tpu.memref_slice %arg9[%dma_start3A_68, %dma_start3A_69] : memref<1024x16xf32, #tpu.memory_space<vmem>> -> memref<128x16xf32, #tpu.memory_space<vmem>>
      %dma_start3A_71 = arith.constant 0 : i32
      %dma_start3A_72 = tpu.memref_slice %arg7[%add3A_67, %dma_start3A_71] : memref<80x128xi32, #tpu.memory_space<vmem>> -> memref<1x128xi32, #tpu.memory_space<vmem>>
      %dma_start3A_73 = tpu.memref_squeeze %dma_start3A_72 : memref<1x128xi32, #tpu.memory_space<vmem>> -> memref<128xi32, #tpu.memory_space<vmem>>
      %dma_start3A_74 = arith.constant 0 : i32
      %dma_start3A_75 = arith.constant 0 : i32
      %dma_start3A_76 = tpu.memref_slice %arg10[%dma_start3A_74, %dma_start3A_75] : memref<10240x16xf32, #tpu.memory_space<vmem_shared>> -> memref<10240x16xf32, #tpu.memory_space<vmem_shared>>
      tpu.enqueue_indirect_dma source(%dma_start3A_76 : memref<10240x16xf32, #tpu.memory_space<vmem_shared>>) target(%dma_start3A_70 : memref<128x16xf32, #tpu.memory_space<vmem>>) offsets(%dma_start3A_73 : memref<128xi32, #tpu.memory_space<vmem>>) semaphore(%arg12 : memref<!tpu.dma_semaphore, #tpu.memory_space<semaphore_mem>>)
      %add3A_77 = arith.constant 5 : i32
      %add3A_78 = arith.addi %mul3A_22, %add3A_77 : i32
      %dma_start3A_79 = arith.constant 640 : i32
      %dma_start3A_80 = arith.constant 0 : i32
      %dma_start3A_81 = tpu.memref_slice %arg9[%dma_start3A_79, %dma_start3A_80] : memref<1024x16xf32, #tpu.memory_space<vmem>> -> memref<128x16xf32, #tpu.memory_space<vmem>>
      %dma_start3A_82 = arith.constant 0 : i32
      %dma_start3A_83 = tpu.memref_slice %arg7[%add3A_78, %dma_start3A_82] : memref<80x128xi32, #tpu.memory_space<vmem>> -> memref<1x128xi32, #tpu.memory_space<vmem>>
      %dma_start3A_84 = tpu.memref_squeeze %dma_start3A_83 : memref<1x128xi32, #tpu.memory_space<vmem>> -> memref<128xi32, #tpu.memory_space<vmem>>
      %dma_start3A_85 = arith.constant 0 : i32
      %dma_start3A_86 = arith.constant 0 : i32
      %dma_start3A_87 = tpu.memref_slice %arg10[%dma_start3A_85, %dma_start3A_86] : memref<10240x16xf32, #tpu.memory_space<vmem_shared>> -> memref<10240x16xf32, #tpu.memory_space<vmem_shared>>
      tpu.enqueue_indirect_dma source(%dma_start3A_87 : memref<10240x16xf32, #tpu.memory_space<vmem_shared>>) target(%dma_start3A_81 : memref<128x16xf32, #tpu.memory_space<vmem>>) offsets(%dma_start3A_84 : memref<128xi32, #tpu.memory_space<vmem>>) semaphore(%arg12 : memref<!tpu.dma_semaphore, #tpu.memory_space<semaphore_mem>>)
      %add3A_88 = arith.constant 6 : i32
      %add3A_89 = arith.addi %mul3A_22, %add3A_88 : i32
      %dma_start3A_90 = arith.constant 768 : i32
      %dma_start3A_91 = arith.constant 0 : i32
      %dma_start3A_92 = tpu.memref_slice %arg9[%dma_start3A_90, %dma_start3A_91] : memref<1024x16xf32, #tpu.memory_space<vmem>> -> memref<128x16xf32, #tpu.memory_space<vmem>>
      %dma_start3A_93 = arith.constant 0 : i32
      %dma_start3A_94 = tpu.memref_slice %arg7[%add3A_89, %dma_start3A_93] : memref<80x128xi32, #tpu.memory_space<vmem>> -> memref<1x128xi32, #tpu.memory_space<vmem>>
      %dma_start3A_95 = tpu.memref_squeeze %dma_start3A_94 : memref<1x128xi32, #tpu.memory_space<vmem>> -> memref<128xi32, #tpu.memory_space<vmem>>
      %dma_start3A_96 = arith.constant 0 : i32
      %dma_start3A_97 = arith.constant 0 : i32
      %dma_start3A_98 = tpu.memref_slice %arg10[%dma_start3A_96, %dma_start3A_97] : memref<10240x16xf32, #tpu.memory_space<vmem_shared>> -> memref<10240x16xf32, #tpu.memory_space<vmem_shared>>
      tpu.enqueue_indirect_dma source(%dma_start3A_98 : memref<10240x16xf32, #tpu.memory_space<vmem_shared>>) target(%dma_start3A_92 : memref<128x16xf32, #tpu.memory_space<vmem>>) offsets(%dma_start3A_95 : memref<128xi32, #tpu.memory_space<vmem>>) semaphore(%arg12 : memref<!tpu.dma_semaphore, #tpu.memory_space<semaphore_mem>>)
      %add3A_99 = arith.constant 7 : i32
      %add3A_100 = arith.addi %mul3A_22, %add3A_99 : i32
      %dma_start3A_101 = arith.constant 896 : i32
      %dma_start3A_102 = arith.constant 0 : i32
      %dma_start3A_103 = tpu.memref_slice %arg9[%dma_start3A_101, %dma_start3A_102] : memref<1024x16xf32, #tpu.memory_space<vmem>> -> memref<128x16xf32, #tpu.memory_space<vmem>>
      %dma_start3A_104 = arith.constant 0 : i32
      %dma_start3A_105 = tpu.memref_slice %arg7[%add3A_100, %dma_start3A_104] : memref<80x128xi32, #tpu.memory_space<vmem>> -> memref<1x128xi32, #tpu.memory_space<vmem>>
      %dma_start3A_106 = tpu.memref_squeeze %dma_start3A_105 : memref<1x128xi32, #tpu.memory_space<vmem>> -> memref<128xi32, #tpu.memory_space<vmem>>
      %dma_start3A_107 = arith.constant 0 : i32
      %dma_start3A_108 = arith.constant 0 : i32
      %dma_start3A_109 = tpu.memref_slice %arg10[%dma_start3A_107, %dma_start3A_108] : memref<10240x16xf32, #tpu.memory_space<vmem_shared>> -> memref<10240x16xf32, #tpu.memory_space<vmem_shared>>
      tpu.enqueue_indirect_dma source(%dma_start3A_109 : memref<10240x16xf32, #tpu.memory_space<vmem_shared>>) target(%dma_start3A_103 : memref<128x16xf32, #tpu.memory_space<vmem>>) offsets(%dma_start3A_106 : memref<128xi32, #tpu.memory_space<vmem>>) semaphore(%arg12 : memref<!tpu.dma_semaphore, #tpu.memory_space<semaphore_mem>>)
      %dma_wait3A = arith.constant 0 : i32
      %dma_wait3A_110 = arith.constant 0 : i32
      %dma_wait3A_111 = tpu.memref_slice %arg9[%dma_wait3A, %dma_wait3A_110] : memref<1024x16xf32, #tpu.memory_space<vmem>> -> memref<128x16xf32, #tpu.memory_space<vmem>>
      %dma_wait3A_112 = arith.constant 0 : i32
      %dma_wait3A_113 = tpu.memref_slice %arg7[%add3A_24, %dma_wait3A_112] : memref<80x128xi32, #tpu.memory_space<vmem>> -> memref<1x128xi32, #tpu.memory_space<vmem>>
      %dma_wait3A_114 = tpu.memref_squeeze %dma_wait3A_113 : memref<1x128xi32, #tpu.memory_space<vmem>> -> memref<128xi32, #tpu.memory_space<vmem>>
      %dma_wait3A_115 = arith.constant 0 : i32
      %dma_wait3A_116 = arith.constant 0 : i32
      %dma_wait3A_117 = tpu.memref_slice %arg10[%dma_wait3A_115, %dma_wait3A_116] : memref<10240x16xf32, #tpu.memory_space<vmem_shared>> -> memref<10240x16xf32, #tpu.memory_space<vmem_shared>>
      tpu.wait_indirect_dma semaphore(%arg12 : memref<!tpu.dma_semaphore, #tpu.memory_space<semaphore_mem>>) src(%dma_wait3A_117 : memref<10240x16xf32, #tpu.memory_space<vmem_shared>>) dst(%dma_wait3A_111 : memref<128x16xf32, #tpu.memory_space<vmem>>)
      %dma_wait3A_118 = arith.constant 128 : i32
      %dma_wait3A_119 = arith.constant 0 : i32
      %dma_wait3A_120 = tpu.memref_slice %arg9[%dma_wait3A_118, %dma_wait3A_119] : memref<1024x16xf32, #tpu.memory_space<vmem>> -> memref<128x16xf32, #tpu.memory_space<vmem>>
      %dma_wait3A_121 = arith.constant 0 : i32
      %dma_wait3A_122 = tpu.memref_slice %arg7[%add3A_34, %dma_wait3A_121] : memref<80x128xi32, #tpu.memory_space<vmem>> -> memref<1x128xi32, #tpu.memory_space<vmem>>
      %dma_wait3A_123 = tpu.memref_squeeze %dma_wait3A_122 : memref<1x128xi32, #tpu.memory_space<vmem>> -> memref<128xi32, #tpu.memory_space<vmem>>
      %dma_wait3A_124 = arith.constant 0 : i32
      %dma_wait3A_125 = arith.constant 0 : i32
      %dma_wait3A_126 = tpu.memref_slice %arg10[%dma_wait3A_124, %dma_wait3A_125] : memref<10240x16xf32, #tpu.memory_space<vmem_shared>> -> memref<10240x16xf32, #tpu.memory_space<vmem_shared>>
      tpu.wait_indirect_dma semaphore(%arg12 : memref<!tpu.dma_semaphore, #tpu.memory_space<semaphore_mem>>) src(%dma_wait3A_126 : memref<10240x16xf32, #tpu.memory_space<vmem_shared>>) dst(%dma_wait3A_120 : memref<128x16xf32, #tpu.memory_space<vmem>>)
      %dma_wait3A_127 = arith.constant 256 : i32
      %dma_wait3A_128 = arith.constant 0 : i32
      %dma_wait3A_129 = tpu.memref_slice %arg9[%dma_wait3A_127, %dma_wait3A_128] : memref<1024x16xf32, #tpu.memory_space<vmem>> -> memref<128x16xf32, #tpu.memory_space<vmem>>
      %dma_wait3A_130 = arith.constant 0 : i32
      %dma_wait3A_131 = tpu.memref_slice %arg7[%add3A_45, %dma_wait3A_130] : memref<80x128xi32, #tpu.memory_space<vmem>> -> memref<1x128xi32, #tpu.memory_space<vmem>>
      %dma_wait3A_132 = tpu.memref_squeeze %dma_wait3A_131 : memref<1x128xi32, #tpu.memory_space<vmem>> -> memref<128xi32, #tpu.memory_space<vmem>>
      %dma_wait3A_133 = arith.constant 0 : i32
      %dma_wait3A_134 = arith.constant 0 : i32
      %dma_wait3A_135 = tpu.memref_slice %arg10[%dma_wait3A_133, %dma_wait3A_134] : memref<10240x16xf32, #tpu.memory_space<vmem_shared>> -> memref<10240x16xf32, #tpu.memory_space<vmem_shared>>
      tpu.wait_indirect_dma semaphore(%arg12 : memref<!tpu.dma_semaphore, #tpu.memory_space<semaphore_mem>>) src(%dma_wait3A_135 : memref<10240x16xf32, #tpu.memory_space<vmem_shared>>) dst(%dma_wait3A_129 : memref<128x16xf32, #tpu.memory_space<vmem>>)
      %dma_wait3A_136 = arith.constant 384 : i32
      %dma_wait3A_137 = arith.constant 0 : i32
      %dma_wait3A_138 = tpu.memref_slice %arg9[%dma_wait3A_136, %dma_wait3A_137] : memref<1024x16xf32, #tpu.memory_space<vmem>> -> memref<128x16xf32, #tpu.memory_space<vmem>>
      %dma_wait3A_139 = arith.constant 0 : i32
      %dma_wait3A_140 = tpu.memref_slice %arg7[%add3A_56, %dma_wait3A_139] : memref<80x128xi32, #tpu.memory_space<vmem>> -> memref<1x128xi32, #tpu.memory_space<vmem>>
      %dma_wait3A_141 = tpu.memref_squeeze %dma_wait3A_140 : memref<1x128xi32, #tpu.memory_space<vmem>> -> memref<128xi32, #tpu.memory_space<vmem>>
      %dma_wait3A_142 = arith.constant 0 : i32
      %dma_wait3A_143 = arith.constant 0 : i32
      %dma_wait3A_144 = tpu.memref_slice %arg10[%dma_wait3A_142, %dma_wait3A_143] : memref<10240x16xf32, #tpu.memory_space<vmem_shared>> -> memref<10240x16xf32, #tpu.memory_space<vmem_shared>>
      tpu.wait_indirect_dma semaphore(%arg12 : memref<!tpu.dma_semaphore, #tpu.memory_space<semaphore_mem>>) src(%dma_wait3A_144 : memref<10240x16xf32, #tpu.memory_space<vmem_shared>>) dst(%dma_wait3A_138 : memref<128x16xf32, #tpu.memory_space<vmem>>)
      %dma_wait3A_145 = arith.constant 512 : i32
      %dma_wait3A_146 = arith.constant 0 : i32
      %dma_wait3A_147 = tpu.memref_slice %arg9[%dma_wait3A_145, %dma_wait3A_146] : memref<1024x16xf32, #tpu.memory_space<vmem>> -> memref<128x16xf32, #tpu.memory_space<vmem>>
      %dma_wait3A_148 = arith.constant 0 : i32
      %dma_wait3A_149 = tpu.memref_slice %arg7[%add3A_67, %dma_wait3A_148] : memref<80x128xi32, #tpu.memory_space<vmem>> -> memref<1x128xi32, #tpu.memory_space<vmem>>
      %dma_wait3A_150 = tpu.memref_squeeze %dma_wait3A_149 : memref<1x128xi32, #tpu.memory_space<vmem>> -> memref<128xi32, #tpu.memory_space<vmem>>
      %dma_wait3A_151 = arith.constant 0 : i32
      %dma_wait3A_152 = arith.constant 0 : i32
      %dma_wait3A_153 = tpu.memref_slice %arg10[%dma_wait3A_151, %dma_wait3A_152] : memref<10240x16xf32, #tpu.memory_space<vmem_shared>> -> memref<10240x16xf32, #tpu.memory_space<vmem_shared>>
      tpu.wait_indirect_dma semaphore(%arg12 : memref<!tpu.dma_semaphore, #tpu.memory_space<semaphore_mem>>) src(%dma_wait3A_153 : memref<10240x16xf32, #tpu.memory_space<vmem_shared>>) dst(%dma_wait3A_147 : memref<128x16xf32, #tpu.memory_space<vmem>>)
      %dma_wait3A_154 = arith.constant 640 : i32
      %dma_wait3A_155 = arith.constant 0 : i32
      %dma_wait3A_156 = tpu.memref_slice %arg9[%dma_wait3A_154, %dma_wait3A_155] : memref<1024x16xf32, #tpu.memory_space<vmem>> -> memref<128x16xf32, #tpu.memory_space<vmem>>
      %dma_wait3A_157 = arith.constant 0 : i32
      %dma_wait3A_158 = tpu.memref_slice %arg7[%add3A_78, %dma_wait3A_157] : memref<80x128xi32, #tpu.memory_space<vmem>> -> memref<1x128xi32, #tpu.memory_space<vmem>>
      %dma_wait3A_159 = tpu.memref_squeeze %dma_wait3A_158 : memref<1x128xi32, #tpu.memory_space<vmem>> -> memref<128xi32, #tpu.memory_space<vmem>>
      %dma_wait3A_160 = arith.constant 0 : i32
      %dma_wait3A_161 = arith.constant 0 : i32
      %dma_wait3A_162 = tpu.memref_slice %arg10[%dma_wait3A_160, %dma_wait3A_161] : memref<10240x16xf32, #tpu.memory_space<vmem_shared>> -> memref<10240x16xf32, #tpu.memory_space<vmem_shared>>
      tpu.wait_indirect_dma semaphore(%arg12 : memref<!tpu.dma_semaphore, #tpu.memory_space<semaphore_mem>>) src(%dma_wait3A_162 : memref<10240x16xf32, #tpu.memory_space<vmem_shared>>) dst(%dma_wait3A_156 : memref<128x16xf32, #tpu.memory_space<vmem>>)
      %dma_wait3A_163 = arith.constant 768 : i32
      %dma_wait3A_164 = arith.constant 0 : i32
      %dma_wait3A_165 = tpu.memref_slice %arg9[%dma_wait3A_163, %dma_wait3A_164] : memref<1024x16xf32, #tpu.memory_space<vmem>> -> memref<128x16xf32, #tpu.memory_space<vmem>>
      %dma_wait3A_166 = arith.constant 0 : i32
      %dma_wait3A_167 = tpu.memref_slice %arg7[%add3A_89, %dma_wait3A_166] : memref<80x128xi32, #tpu.memory_space<vmem>> -> memref<1x128xi32, #tpu.memory_space<vmem>>
      %dma_wait3A_168 = tpu.memref_squeeze %dma_wait3A_167 : memref<1x128xi32, #tpu.memory_space<vmem>> -> memref<128xi32, #tpu.memory_space<vmem>>
      %dma_wait3A_169 = arith.constant 0 : i32
      %dma_wait3A_170 = arith.constant 0 : i32
      %dma_wait3A_171 = tpu.memref_slice %arg10[%dma_wait3A_169, %dma_wait3A_170] : memref<10240x16xf32, #tpu.memory_space<vmem_shared>> -> memref<10240x16xf32, #tpu.memory_space<vmem_shared>>
      tpu.wait_indirect_dma semaphore(%arg12 : memref<!tpu.dma_semaphore, #tpu.memory_space<semaphore_mem>>) src(%dma_wait3A_171 : memref<10240x16xf32, #tpu.memory_space<vmem_shared>>) dst(%dma_wait3A_165 : memref<128x16xf32, #tpu.memory_space<vmem>>)
      %dma_wait3A_172 = arith.constant 896 : i32
      %dma_wait3A_173 = arith.constant 0 : i32
      %dma_wait3A_174 = tpu.memref_slice %arg9[%dma_wait3A_172, %dma_wait3A_173] : memref<1024x16xf32, #tpu.memory_space<vmem>> -> memref<128x16xf32, #tpu.memory_space<vmem>>
      %dma_wait3A_175 = arith.constant 0 : i32
      %dma_wait3A_176 = tpu.memref_slice %arg7[%add3A_100, %dma_wait3A_175] : memref<80x128xi32, #tpu.memory_space<vmem>> -> memref<1x128xi32, #tpu.memory_space<vmem>>
      %dma_wait3A_177 = tpu.memref_squeeze %dma_wait3A_176 : memref<1x128xi32, #tpu.memory_space<vmem>> -> memref<128xi32, #tpu.memory_space<vmem>>
      %dma_wait3A_178 = arith.constant 0 : i32
      %dma_wait3A_179 = arith.constant 0 : i32
      %dma_wait3A_180 = tpu.memref_slice %arg10[%dma_wait3A_178, %dma_wait3A_179] : memref<10240x16xf32, #tpu.memory_space<vmem_shared>> -> memref<10240x16xf32, #tpu.memory_space<vmem_shared>>
      tpu.wait_indirect_dma semaphore(%arg12 : memref<!tpu.dma_semaphore, #tpu.memory_space<semaphore_mem>>) src(%dma_wait3A_180 : memref<10240x16xf32, #tpu.memory_space<vmem_shared>>) dst(%dma_wait3A_174 : memref<128x16xf32, #tpu.memory_space<vmem>>)
      %add3A_181 = arith.constant 0 : i32
      %add3A_182 = arith.addi %mul3A_22, %add3A_181 : i32
      %dma_start3A_183 = arith.constant 0 : i32
      %dma_start3A_184 = arith.constant 0 : i32
      %dma_start3A_185 = tpu.memref_slice %arg9[%dma_start3A_183, %dma_start3A_184] : memref<1024x16xf32, #tpu.memory_space<vmem>> -> memref<128x16xf32, #tpu.memory_space<vmem>>
      %dma_start3A_186 = arith.constant 0 : i32
      %dma_start3A_187 = tpu.memref_slice %arg8[%add3A_182, %dma_start3A_186] : memref<80x128xi32, #tpu.memory_space<vmem>> -> memref<1x128xi32, #tpu.memory_space<vmem>>
      %dma_start3A_188 = tpu.memref_squeeze %dma_start3A_187 : memref<1x128xi32, #tpu.memory_space<vmem>> -> memref<128xi32, #tpu.memory_space<vmem>>
      %dma_start3A_189 = arith.constant 0 : i32
      %dma_start3A_190 = arith.constant 0 : i32
      %dma_start3A_191 = tpu.memref_slice %arg11[%dma_start3A_189, %dma_start3A_190] : memref<10240x16xf32, #tpu.memory_space<vmem_shared>> -> memref<10240x16xf32, #tpu.memory_space<vmem_shared>>
      tpu.enqueue_indirect_dma source(%dma_start3A_185 : memref<128x16xf32, #tpu.memory_space<vmem>>) target(%dma_start3A_191 : memref<10240x16xf32, #tpu.memory_space<vmem_shared>>) offsets(%dma_start3A_188 : memref<128xi32, #tpu.memory_space<vmem>>) semaphore(%arg13 : memref<!tpu.dma_semaphore, #tpu.memory_space<semaphore_mem>>) {add = true}
      %add3A_192 = arith.constant 1 : i32
      %add3A_193 = arith.addi %mul3A_22, %add3A_192 : i32
      %dma_start3A_194 = arith.constant 128 : i32
      %dma_start3A_195 = arith.constant 0 : i32
      %dma_start3A_196 = tpu.memref_slice %arg9[%dma_start3A_194, %dma_start3A_195] : memref<1024x16xf32, #tpu.memory_space<vmem>> -> memref<128x16xf32, #tpu.memory_space<vmem>>
      %dma_start3A_197 = arith.constant 0 : i32
      %dma_start3A_198 = tpu.memref_slice %arg8[%add3A_193, %dma_start3A_197] : memref<80x128xi32, #tpu.memory_space<vmem>> -> memref<1x128xi32, #tpu.memory_space<vmem>>
      %dma_start3A_199 = tpu.memref_squeeze %dma_start3A_198 : memref<1x128xi32, #tpu.memory_space<vmem>> -> memref<128xi32, #tpu.memory_space<vmem>>
      %dma_start3A_200 = arith.constant 0 : i32
      %dma_start3A_201 = arith.constant 0 : i32
      %dma_start3A_202 = tpu.memref_slice %arg11[%dma_start3A_200, %dma_start3A_201] : memref<10240x16xf32, #tpu.memory_space<vmem_shared>> -> memref<10240x16xf32, #tpu.memory_space<vmem_shared>>
      tpu.enqueue_indirect_dma source(%dma_start3A_196 : memref<128x16xf32, #tpu.memory_space<vmem>>) target(%dma_start3A_202 : memref<10240x16xf32, #tpu.memory_space<vmem_shared>>) offsets(%dma_start3A_199 : memref<128xi32, #tpu.memory_space<vmem>>) semaphore(%arg13 : memref<!tpu.dma_semaphore, #tpu.memory_space<semaphore_mem>>) {add = true}
      %add3A_203 = arith.constant 2 : i32
      %add3A_204 = arith.addi %mul3A_22, %add3A_203 : i32
      %dma_start3A_205 = arith.constant 256 : i32
      %dma_start3A_206 = arith.constant 0 : i32
      %dma_start3A_207 = tpu.memref_slice %arg9[%dma_start3A_205, %dma_start3A_206] : memref<1024x16xf32, #tpu.memory_space<vmem>> -> memref<128x16xf32, #tpu.memory_space<vmem>>
      %dma_start3A_208 = arith.constant 0 : i32
      %dma_start3A_209 = tpu.memref_slice %arg8[%add3A_204, %dma_start3A_208] : memref<80x128xi32, #tpu.memory_space<vmem>> -> memref<1x128xi32, #tpu.memory_space<vmem>>
      %dma_start3A_210 = tpu.memref_squeeze %dma_start3A_209 : memref<1x128xi32, #tpu.memory_space<vmem>> -> memref<128xi32, #tpu.memory_space<vmem>>
      %dma_start3A_211 = arith.constant 0 : i32
      %dma_start3A_212 = arith.constant 0 : i32
      %dma_start3A_213 = tpu.memref_slice %arg11[%dma_start3A_211, %dma_start3A_212] : memref<10240x16xf32, #tpu.memory_space<vmem_shared>> -> memref<10240x16xf32, #tpu.memory_space<vmem_shared>>
      tpu.enqueue_indirect_dma source(%dma_start3A_207 : memref<128x16xf32, #tpu.memory_space<vmem>>) target(%dma_start3A_213 : memref<10240x16xf32, #tpu.memory_space<vmem_shared>>) offsets(%dma_start3A_210 : memref<128xi32, #tpu.memory_space<vmem>>) semaphore(%arg13 : memref<!tpu.dma_semaphore, #tpu.memory_space<semaphore_mem>>) {add = true}
      %add3A_214 = arith.constant 3 : i32
      %add3A_215 = arith.addi %mul3A_22, %add3A_214 : i32
      %dma_start3A_216 = arith.constant 384 : i32
      %dma_start3A_217 = arith.constant 0 : i32
      %dma_start3A_218 = tpu.memref_slice %arg9[%dma_start3A_216, %dma_start3A_217] : memref<1024x16xf32, #tpu.memory_space<vmem>> -> memref<128x16xf32, #tpu.memory_space<vmem>>
      %dma_start3A_219 = arith.constant 0 : i32
      %dma_start3A_220 = tpu.memref_slice %arg8[%add3A_215, %dma_start3A_219] : memref<80x128xi32, #tpu.memory_space<vmem>> -> memref<1x128xi32, #tpu.memory_space<vmem>>
      %dma_start3A_221 = tpu.memref_squeeze %dma_start3A_220 : memref<1x128xi32, #tpu.memory_space<vmem>> -> memref<128xi32, #tpu.memory_space<vmem>>
      %dma_start3A_222 = arith.constant 0 : i32
      %dma_start3A_223 = arith.constant 0 : i32
      %dma_start3A_224 = tpu.memref_slice %arg11[%dma_start3A_222, %dma_start3A_223] : memref<10240x16xf32, #tpu.memory_space<vmem_shared>> -> memref<10240x16xf32, #tpu.memory_space<vmem_shared>>
      tpu.enqueue_indirect_dma source(%dma_start3A_218 : memref<128x16xf32, #tpu.memory_space<vmem>>) target(%dma_start3A_224 : memref<10240x16xf32, #tpu.memory_space<vmem_shared>>) offsets(%dma_start3A_221 : memref<128xi32, #tpu.memory_space<vmem>>) semaphore(%arg13 : memref<!tpu.dma_semaphore, #tpu.memory_space<semaphore_mem>>) {add = true}
      %add3A_225 = arith.constant 4 : i32
      %add3A_226 = arith.addi %mul3A_22, %add3A_225 : i32
      %dma_start3A_227 = arith.constant 512 : i32
      %dma_start3A_228 = arith.constant 0 : i32
      %dma_start3A_229 = tpu.memref_slice %arg9[%dma_start3A_227, %dma_start3A_228] : memref<1024x16xf32, #tpu.memory_space<vmem>> -> memref<128x16xf32, #tpu.memory_space<vmem>>
      %dma_start3A_230 = arith.constant 0 : i32
      %dma_start3A_231 = tpu.memref_slice %arg8[%add3A_226, %dma_start3A_230] : memref<80x128xi32, #tpu.memory_space<vmem>> -> memref<1x128xi32, #tpu.memory_space<vmem>>
      %dma_start3A_232 = tpu.memref_squeeze %dma_start3A_231 : memref<1x128xi32, #tpu.memory_space<vmem>> -> memref<128xi32, #tpu.memory_space<vmem>>
      %dma_start3A_233 = arith.constant 0 : i32
      %dma_start3A_234 = arith.constant 0 : i32
      %dma_start3A_235 = tpu.memref_slice %arg11[%dma_start3A_233, %dma_start3A_234] : memref<10240x16xf32, #tpu.memory_space<vmem_shared>> -> memref<10240x16xf32, #tpu.memory_space<vmem_shared>>
      tpu.enqueue_indirect_dma source(%dma_start3A_229 : memref<128x16xf32, #tpu.memory_space<vmem>>) target(%dma_start3A_235 : memref<10240x16xf32, #tpu.memory_space<vmem_shared>>) offsets(%dma_start3A_232 : memref<128xi32, #tpu.memory_space<vmem>>) semaphore(%arg13 : memref<!tpu.dma_semaphore, #tpu.memory_space<semaphore_mem>>) {add = true}
      %add3A_236 = arith.constant 5 : i32
      %add3A_237 = arith.addi %mul3A_22, %add3A_236 : i32
      %dma_start3A_238 = arith.constant 640 : i32
      %dma_start3A_239 = arith.constant 0 : i32
      %dma_start3A_240 = tpu.memref_slice %arg9[%dma_start3A_238, %dma_start3A_239] : memref<1024x16xf32, #tpu.memory_space<vmem>> -> memref<128x16xf32, #tpu.memory_space<vmem>>
      %dma_start3A_241 = arith.constant 0 : i32
      %dma_start3A_242 = tpu.memref_slice %arg8[%add3A_237, %dma_start3A_241] : memref<80x128xi32, #tpu.memory_space<vmem>> -> memref<1x128xi32, #tpu.memory_space<vmem>>
      %dma_start3A_243 = tpu.memref_squeeze %dma_start3A_242 : memref<1x128xi32, #tpu.memory_space<vmem>> -> memref<128xi32, #tpu.memory_space<vmem>>
      %dma_start3A_244 = arith.constant 0 : i32
      %dma_start3A_245 = arith.constant 0 : i32
      %dma_start3A_246 = tpu.memref_slice %arg11[%dma_start3A_244, %dma_start3A_245] : memref<10240x16xf32, #tpu.memory_space<vmem_shared>> -> memref<10240x16xf32, #tpu.memory_space<vmem_shared>>
      tpu.enqueue_indirect_dma source(%dma_start3A_240 : memref<128x16xf32, #tpu.memory_space<vmem>>) target(%dma_start3A_246 : memref<10240x16xf32, #tpu.memory_space<vmem_shared>>) offsets(%dma_start3A_243 : memref<128xi32, #tpu.memory_space<vmem>>) semaphore(%arg13 : memref<!tpu.dma_semaphore, #tpu.memory_space<semaphore_mem>>) {add = true}
      %add3A_247 = arith.constant 6 : i32
      %add3A_248 = arith.addi %mul3A_22, %add3A_247 : i32
      %dma_start3A_249 = arith.constant 768 : i32
      %dma_start3A_250 = arith.constant 0 : i32
      %dma_start3A_251 = tpu.memref_slice %arg9[%dma_start3A_249, %dma_start3A_250] : memref<1024x16xf32, #tpu.memory_space<vmem>> -> memref<128x16xf32, #tpu.memory_space<vmem>>
      %dma_start3A_252 = arith.constant 0 : i32
      %dma_start3A_253 = tpu.memref_slice %arg8[%add3A_248, %dma_start3A_252] : memref<80x128xi32, #tpu.memory_space<vmem>> -> memref<1x128xi32, #tpu.memory_space<vmem>>
      %dma_start3A_254 = tpu.memref_squeeze %dma_start3A_253 : memref<1x128xi32, #tpu.memory_space<vmem>> -> memref<128xi32, #tpu.memory_space<vmem>>
      %dma_start3A_255 = arith.constant 0 : i32
      %dma_start3A_256 = arith.constant 0 : i32
      %dma_start3A_257 = tpu.memref_slice %arg11[%dma_start3A_255, %dma_start3A_256] : memref<10240x16xf32, #tpu.memory_space<vmem_shared>> -> memref<10240x16xf32, #tpu.memory_space<vmem_shared>>
      tpu.enqueue_indirect_dma source(%dma_start3A_251 : memref<128x16xf32, #tpu.memory_space<vmem>>) target(%dma_start3A_257 : memref<10240x16xf32, #tpu.memory_space<vmem_shared>>) offsets(%dma_start3A_254 : memref<128xi32, #tpu.memory_space<vmem>>) semaphore(%arg13 : memref<!tpu.dma_semaphore, #tpu.memory_space<semaphore_mem>>) {add = true}
      %add3A_258 = arith.constant 7 : i32
      %add3A_259 = arith.addi %mul3A_22, %add3A_258 : i32
      %dma_start3A_260 = arith.constant 896 : i32
      %dma_start3A_261 = arith.constant 0 : i32
      %dma_start3A_262 = tpu.memref_slice %arg9[%dma_start3A_260, %dma_start3A_261] : memref<1024x16xf32, #tpu.memory_space<vmem>> -> memref<128x16xf32, #tpu.memory_space<vmem>>
      %dma_start3A_263 = arith.constant 0 : i32
      %dma_start3A_264 = tpu.memref_slice %arg8[%add3A_259, %dma_start3A_263] : memref<80x128xi32, #tpu.memory_space<vmem>> -> memref<1x128xi32, #tpu.memory_space<vmem>>
      %dma_start3A_265 = tpu.memref_squeeze %dma_start3A_264 : memref<1x128xi32, #tpu.memory_space<vmem>> -> memref<128xi32, #tpu.memory_space<vmem>>
      %dma_start3A_266 = arith.constant 0 : i32
      %dma_start3A_267 = arith.constant 0 : i32
      %dma_start3A_268 = tpu.memref_slice %arg11[%dma_start3A_266, %dma_start3A_267] : memref<10240x16xf32, #tpu.memory_space<vmem_shared>> -> memref<10240x16xf32, #tpu.memory_space<vmem_shared>>
      tpu.enqueue_indirect_dma source(%dma_start3A_262 : memref<128x16xf32, #tpu.memory_space<vmem>>) target(%dma_start3A_268 : memref<10240x16xf32, #tpu.memory_space<vmem_shared>>) offsets(%dma_start3A_265 : memref<128xi32, #tpu.memory_space<vmem>>) semaphore(%arg13 : memref<!tpu.dma_semaphore, #tpu.memory_space<semaphore_mem>>) {add = true}
      %dma_wait3A_269 = arith.constant 0 : i32
      %dma_wait3A_270 = arith.constant 0 : i32
      %dma_wait3A_271 = tpu.memref_slice %arg9[%dma_wait3A_269, %dma_wait3A_270] : memref<1024x16xf32, #tpu.memory_space<vmem>> -> memref<128x16xf32, #tpu.memory_space<vmem>>
      %dma_wait3A_272 = arith.constant 0 : i32
      %dma_wait3A_273 = tpu.memref_slice %arg8[%add3A_182, %dma_wait3A_272] : memref<80x128xi32, #tpu.memory_space<vmem>> -> memref<1x128xi32, #tpu.memory_space<vmem>>
      %dma_wait3A_274 = tpu.memref_squeeze %dma_wait3A_273 : memref<1x128xi32, #tpu.memory_space<vmem>> -> memref<128xi32, #tpu.memory_space<vmem>>
      %dma_wait3A_275 = arith.constant 0 : i32
      %dma_wait3A_276 = arith.constant 0 : i32
      %dma_wait3A_277 = tpu.memref_slice %arg11[%dma_wait3A_275, %dma_wait3A_276] : memref<10240x16xf32, #tpu.memory_space<vmem_shared>> -> memref<10240x16xf32, #tpu.memory_space<vmem_shared>>
      tpu.wait_indirect_dma semaphore(%arg13 : memref<!tpu.dma_semaphore, #tpu.memory_space<semaphore_mem>>) src(%dma_wait3A_271 : memref<128x16xf32, #tpu.memory_space<vmem>>) dst(%dma_wait3A_277 : memref<10240x16xf32, #tpu.memory_space<vmem_shared>>)
      %dma_wait3A_278 = arith.constant 128 : i32
      %dma_wait3A_279 = arith.constant 0 : i32
      %dma_wait3A_280 = tpu.memref_slice %arg9[%dma_wait3A_278, %dma_wait3A_279] : memref<1024x16xf32, #tpu.memory_space<vmem>> -> memref<128x16xf32, #tpu.memory_space<vmem>>
      %dma_wait3A_281 = arith.constant 0 : i32
      %dma_wait3A_282 = tpu.memref_slice %arg8[%add3A_193, %dma_wait3A_281] : memref<80x128xi32, #tpu.memory_space<vmem>> -> memref<1x128xi32, #tpu.memory_space<vmem>>
      %dma_wait3A_283 = tpu.memref_squeeze %dma_wait3A_282 : memref<1x128xi32, #tpu.memory_space<vmem>> -> memref<128xi32, #tpu.memory_space<vmem>>
      %dma_wait3A_284 = arith.constant 0 : i32
      %dma_wait3A_285 = arith.constant 0 : i32
      %dma_wait3A_286 = tpu.memref_slice %arg11[%dma_wait3A_284, %dma_wait3A_285] : memref<10240x16xf32, #tpu.memory_space<vmem_shared>> -> memref<10240x16xf32, #tpu.memory_space<vmem_shared>>
      tpu.wait_indirect_dma semaphore(%arg13 : memref<!tpu.dma_semaphore, #tpu.memory_space<semaphore_mem>>) src(%dma_wait3A_280 : memref<128x16xf32, #tpu.memory_space<vmem>>) dst(%dma_wait3A_286 : memref<10240x16xf32, #tpu.memory_space<vmem_shared>>)
      %dma_wait3A_287 = arith.constant 256 : i32
      %dma_wait3A_288 = arith.constant 0 : i32
      %dma_wait3A_289 = tpu.memref_slice %arg9[%dma_wait3A_287, %dma_wait3A_288] : memref<1024x16xf32, #tpu.memory_space<vmem>> -> memref<128x16xf32, #tpu.memory_space<vmem>>
      %dma_wait3A_290 = arith.constant 0 : i32
      %dma_wait3A_291 = tpu.memref_slice %arg8[%add3A_204, %dma_wait3A_290] : memref<80x128xi32, #tpu.memory_space<vmem>> -> memref<1x128xi32, #tpu.memory_space<vmem>>
      %dma_wait3A_292 = tpu.memref_squeeze %dma_wait3A_291 : memref<1x128xi32, #tpu.memory_space<vmem>> -> memref<128xi32, #tpu.memory_space<vmem>>
      %dma_wait3A_293 = arith.constant 0 : i32
      %dma_wait3A_294 = arith.constant 0 : i32
      %dma_wait3A_295 = tpu.memref_slice %arg11[%dma_wait3A_293, %dma_wait3A_294] : memref<10240x16xf32, #tpu.memory_space<vmem_shared>> -> memref<10240x16xf32, #tpu.memory_space<vmem_shared>>
      tpu.wait_indirect_dma semaphore(%arg13 : memref<!tpu.dma_semaphore, #tpu.memory_space<semaphore_mem>>) src(%dma_wait3A_289 : memref<128x16xf32, #tpu.memory_space<vmem>>) dst(%dma_wait3A_295 : memref<10240x16xf32, #tpu.memory_space<vmem_shared>>)
      %dma_wait3A_296 = arith.constant 384 : i32
      %dma_wait3A_297 = arith.constant 0 : i32
      %dma_wait3A_298 = tpu.memref_slice %arg9[%dma_wait3A_296, %dma_wait3A_297] : memref<1024x16xf32, #tpu.memory_space<vmem>> -> memref<128x16xf32, #tpu.memory_space<vmem>>
      %dma_wait3A_299 = arith.constant 0 : i32
      %dma_wait3A_300 = tpu.memref_slice %arg8[%add3A_215, %dma_wait3A_299] : memref<80x128xi32, #tpu.memory_space<vmem>> -> memref<1x128xi32, #tpu.memory_space<vmem>>
      %dma_wait3A_301 = tpu.memref_squeeze %dma_wait3A_300 : memref<1x128xi32, #tpu.memory_space<vmem>> -> memref<128xi32, #tpu.memory_space<vmem>>
      %dma_wait3A_302 = arith.constant 0 : i32
      %dma_wait3A_303 = arith.constant 0 : i32
      %dma_wait3A_304 = tpu.memref_slice %arg11[%dma_wait3A_302, %dma_wait3A_303] : memref<10240x16xf32, #tpu.memory_space<vmem_shared>> -> memref<10240x16xf32, #tpu.memory_space<vmem_shared>>
      tpu.wait_indirect_dma semaphore(%arg13 : memref<!tpu.dma_semaphore, #tpu.memory_space<semaphore_mem>>) src(%dma_wait3A_298 : memref<128x16xf32, #tpu.memory_space<vmem>>) dst(%dma_wait3A_304 : memref<10240x16xf32, #tpu.memory_space<vmem_shared>>)
      %dma_wait3A_305 = arith.constant 512 : i32
      %dma_wait3A_306 = arith.constant 0 : i32
      %dma_wait3A_307 = tpu.memref_slice %arg9[%dma_wait3A_305, %dma_wait3A_306] : memref<1024x16xf32, #tpu.memory_space<vmem>> -> memref<128x16xf32, #tpu.memory_space<vmem>>
      %dma_wait3A_308 = arith.constant 0 : i32
      %dma_wait3A_309 = tpu.memref_slice %arg8[%add3A_226, %dma_wait3A_308] : memref<80x128xi32, #tpu.memory_space<vmem>> -> memref<1x128xi32, #tpu.memory_space<vmem>>
      %dma_wait3A_310 = tpu.memref_squeeze %dma_wait3A_309 : memref<1x128xi32, #tpu.memory_space<vmem>> -> memref<128xi32, #tpu.memory_space<vmem>>
      %dma_wait3A_311 = arith.constant 0 : i32
      %dma_wait3A_312 = arith.constant 0 : i32
      %dma_wait3A_313 = tpu.memref_slice %arg11[%dma_wait3A_311, %dma_wait3A_312] : memref<10240x16xf32, #tpu.memory_space<vmem_shared>> -> memref<10240x16xf32, #tpu.memory_space<vmem_shared>>
      tpu.wait_indirect_dma semaphore(%arg13 : memref<!tpu.dma_semaphore, #tpu.memory_space<semaphore_mem>>) src(%dma_wait3A_307 : memref<128x16xf32, #tpu.memory_space<vmem>>) dst(%dma_wait3A_313 : memref<10240x16xf32, #tpu.memory_space<vmem_shared>>)
      %dma_wait3A_314 = arith.constant 640 : i32
      %dma_wait3A_315 = arith.constant 0 : i32
      %dma_wait3A_316 = tpu.memref_slice %arg9[%dma_wait3A_314, %dma_wait3A_315] : memref<1024x16xf32, #tpu.memory_space<vmem>> -> memref<128x16xf32, #tpu.memory_space<vmem>>
      %dma_wait3A_317 = arith.constant 0 : i32
      %dma_wait3A_318 = tpu.memref_slice %arg8[%add3A_237, %dma_wait3A_317] : memref<80x128xi32, #tpu.memory_space<vmem>> -> memref<1x128xi32, #tpu.memory_space<vmem>>
      %dma_wait3A_319 = tpu.memref_squeeze %dma_wait3A_318 : memref<1x128xi32, #tpu.memory_space<vmem>> -> memref<128xi32, #tpu.memory_space<vmem>>
      %dma_wait3A_320 = arith.constant 0 : i32
      %dma_wait3A_321 = arith.constant 0 : i32
      %dma_wait3A_322 = tpu.memref_slice %arg11[%dma_wait3A_320, %dma_wait3A_321] : memref<10240x16xf32, #tpu.memory_space<vmem_shared>> -> memref<10240x16xf32, #tpu.memory_space<vmem_shared>>
      tpu.wait_indirect_dma semaphore(%arg13 : memref<!tpu.dma_semaphore, #tpu.memory_space<semaphore_mem>>) src(%dma_wait3A_316 : memref<128x16xf32, #tpu.memory_space<vmem>>) dst(%dma_wait3A_322 : memref<10240x16xf32, #tpu.memory_space<vmem_shared>>)
      %dma_wait3A_323 = arith.constant 768 : i32
      %dma_wait3A_324 = arith.constant 0 : i32
      %dma_wait3A_325 = tpu.memref_slice %arg9[%dma_wait3A_323, %dma_wait3A_324] : memref<1024x16xf32, #tpu.memory_space<vmem>> -> memref<128x16xf32, #tpu.memory_space<vmem>>
      %dma_wait3A_326 = arith.constant 0 : i32
      %dma_wait3A_327 = tpu.memref_slice %arg8[%add3A_248, %dma_wait3A_326] : memref<80x128xi32, #tpu.memory_space<vmem>> -> memref<1x128xi32, #tpu.memory_space<vmem>>
      %dma_wait3A_328 = tpu.memref_squeeze %dma_wait3A_327 : memref<1x128xi32, #tpu.memory_space<vmem>> -> memref<128xi32, #tpu.memory_space<vmem>>
      %dma_wait3A_329 = arith.constant 0 : i32
      %dma_wait3A_330 = arith.constant 0 : i32
      %dma_wait3A_331 = tpu.memref_slice %arg11[%dma_wait3A_329, %dma_wait3A_330] : memref<10240x16xf32, #tpu.memory_space<vmem_shared>> -> memref<10240x16xf32, #tpu.memory_space<vmem_shared>>
      tpu.wait_indirect_dma semaphore(%arg13 : memref<!tpu.dma_semaphore, #tpu.memory_space<semaphore_mem>>) src(%dma_wait3A_325 : memref<128x16xf32, #tpu.memory_space<vmem>>) dst(%dma_wait3A_331 : memref<10240x16xf32, #tpu.memory_space<vmem_shared>>)
      %dma_wait3A_332 = arith.constant 896 : i32
      %dma_wait3A_333 = arith.constant 0 : i32
      %dma_wait3A_334 = tpu.memref_slice %arg9[%dma_wait3A_332, %dma_wait3A_333] : memref<1024x16xf32, #tpu.memory_space<vmem>> -> memref<128x16xf32, #tpu.memory_space<vmem>>
      %dma_wait3A_335 = arith.constant 0 : i32
      %dma_wait3A_336 = tpu.memref_slice %arg8[%add3A_259, %dma_wait3A_335] : memref<80x128xi32, #tpu.memory_space<vmem>> -> memref<1x128xi32, #tpu.memory_space<vmem>>
      %dma_wait3A_337 = tpu.memref_squeeze %dma_wait3A_336 : memref<1x128xi32, #tpu.memory_space<vmem>> -> memref<128xi32, #tpu.memory_space<vmem>>
      %dma_wait3A_338 = arith.constant 0 : i32
      %dma_wait3A_339 = arith.constant 0 : i32
      %dma_wait3A_340 = tpu.memref_slice %arg11[%dma_wait3A_338, %dma_wait3A_339] : memref<10240x16xf32, #tpu.memory_space<vmem_shared>> -> memref<10240x16xf32, #tpu.memory_space<vmem_shared>>
      tpu.wait_indirect_dma semaphore(%arg13 : memref<!tpu.dma_semaphore, #tpu.memory_space<semaphore_mem>>) src(%dma_wait3A_334 : memref<128x16xf32, #tpu.memory_space<vmem>>) dst(%dma_wait3A_340 : memref<10240x16xf32, #tpu.memory_space<vmem_shared>>)
    }
    %scan3A_10 = arith.constant 10 : i32
    %barrier3A_11 = arith.constant 0 : index
    tpu.barrier barrier_id(%barrier3A_11)
    %mul3A_12 = arith.constant 640 : i32
    %mul3A_13 = arith.muli %arg1, %mul3A_12 : i32
    %mul3A_14 = arith.constant 640 : i32
    %mul3A_15 = arith.muli %arg1, %mul3A_14 : i32
    "tpu.region"() ({
      %run_scoped3A = tpu.sem_alloc : memref<!tpu.dma_semaphore, #tpu.memory_space<semaphore_mem>>
      %dma_start3A = arith.constant 0 : i32
      %dma_start3A_16 = tpu.memref_slice %arg6[%arg0, %mul3A_15, %dma_start3A] : memref<2x10240x16xf32, #tpu.memory_space<hbm>> -> memref<1x640x16xf32, #tpu.memory_space<hbm>>
      %dma_start3A_17 = tpu.memref_squeeze %dma_start3A_16 : memref<1x640x16xf32, #tpu.memory_space<hbm>> -> memref<640x16xf32, #tpu.memory_space<hbm>>
      %dma_start3A_18 = arith.constant 0 : i32
      %dma_start3A_19 = tpu.memref_slice %arg11[%mul3A_13, %dma_start3A_18] : memref<10240x16xf32, #tpu.memory_space<vmem_shared>> -> memref<640x16xf32, #tpu.memory_space<vmem_shared>>
      tpu.enqueue_dma source(%dma_start3A_19 : memref<640x16xf32, #tpu.memory_space<vmem_shared>>) target(%dma_start3A_17 : memref<640x16xf32, #tpu.memory_space<hbm>>) target_semaphore(%run_scoped3A : memref<!tpu.dma_semaphore, #tpu.memory_space<semaphore_mem>>)
      %dma_wait3A = arith.constant 0 : i32
      %dma_wait3A_20 = tpu.memref_slice %arg6[%arg0, %mul3A_15, %dma_wait3A] : memref<2x10240x16xf32, #tpu.memory_space<hbm>> -> memref<1x640x16xf32, #tpu.memory_space<hbm>>
      %dma_wait3A_21 = tpu.memref_squeeze %dma_wait3A_20 : memref<1x640x16xf32, #tpu.memory_space<hbm>> -> memref<640x16xf32, #tpu.memory_space<hbm>>
      %dma_wait3A_22 = arith.constant 0 : i32
      %dma_wait3A_23 = tpu.memref_slice %arg11[%mul3A_13, %dma_wait3A_22] : memref<10240x16xf32, #tpu.memory_space<vmem_shared>> -> memref<640x16xf32, #tpu.memory_space<vmem_shared>>
      tpu.wait_dma2 semaphore(%run_scoped3A : memref<!tpu.dma_semaphore, #tpu.memory_space<semaphore_mem>>) src(%dma_wait3A_23 : memref<640x16xf32, #tpu.memory_space<vmem_shared>>) dst(%dma_wait3A_21 : memref<640x16xf32, #tpu.memory_space<hbm>>)
      tpu.yield
    }) : () -> ()
    return
  }
}

module attributes {stable_mosaic.version = 14 : i64} {
  func.func @_mm1_body(%arg0: i32, %arg1: memref<1280x128xf32, #tpu.memory_space<vmem>>, %arg2: memref<128x16xf32, #tpu.memory_space<vmem>>, %arg3: memref<1280x16xf32, #tpu.memory_space<vmem>>) attributes {dimension_semantics = [#tpu.dimension_semantics<arbitrary>], iteration_bounds = array<i64: 8>, scalar_prefetch = 0 : i64, scratch_operands = 0 : i64, tpu.core_type = #tpu.core_type<tc>, window_params = [{transform_indices = @transform_0, window_bounds = array<i64: 1280, 128>}, {pipeline_mode = #tpu.pipeline_mode<synchronous>, transform_indices = @transform_1, window_bounds = array<i64: 128, 16>}, {transform_indices = @transform_2, window_bounds = array<i64: 1280, 16>}]} {
    %get3A = arith.constant 0 : index
    %get3A_0 = arith.constant 0 : index
    %get3A_1 = vector.load %arg1[%get3A, %get3A_0] : memref<1280x128xf32, #tpu.memory_space<vmem>>, vector<1280x128xf32>
    %get3A_2 = arith.constant 0 : index
    %get3A_3 = arith.constant 0 : index
    %get3A_4 = vector.load %arg2[%get3A_2, %get3A_3] : memref<128x16xf32, #tpu.memory_space<vmem>>, vector<128x16xf32>
    %dot_general3A = arith.constant dense<0.000000e+00> : vector<1280x16xf32>
    %dot_general3A_5 = tpu.matmul %get3A_1, %get3A_4, %dot_general3A {dimension_numbers = #tpu.dot_dimension_numbers<[1], [0], [0], [1], [0, 0, 1, 1], [], []>, transpose_lhs_hint = false} : vector<1280x128xf32>, vector<128x16xf32>, vector<1280x16xf32> -> vector<1280x16xf32>
    %swap3A = arith.constant 0 : index
    %swap3A_6 = arith.constant 0 : index
    %swap3A_7 = vector.load %arg3[%swap3A, %swap3A_6] : memref<1280x16xf32, #tpu.memory_space<vmem>>, vector<1280x16xf32>
    tpu.vector_store %arg3[%swap3A, %swap3A_6], %dot_general3A_5 {strides = array<i32>} : memref<1280x16xf32, #tpu.memory_space<vmem>>, vector<1280x16xf32>,
    return
  }
  func.func @transform_0(%arg0: i32) -> (i32, i32) {
    %c0_i32 = arith.constant 0 : i32
    %c0_i32_0 = arith.constant 0 : i32
    return %arg0, %c0_i32 : i32, i32
  }
  func.func @transform_1(%arg0: i32) -> (i32, i32) {
    %c0_i32 = arith.constant 0 : i32
    %c0_i32_0 = arith.constant 0 : i32
    %c0_i32_1 = arith.constant 0 : i32
    return %c0_i32, %c0_i32_0 : i32, i32
  }
  func.func @transform_2(%arg0: i32) -> (i32, i32) {
    %c0_i32 = arith.constant 0 : i32
    %c0_i32_0 = arith.constant 0 : i32
    return %arg0, %c0_i32 : i32, i32
  }
}

module attributes {stable_mosaic.version = 14 : i64} {
  func.func @_layer2_body(%arg0: memref<2x10240x1xf32, #tpu.memory_space<vmem>>, %arg1: memref<10240x16xf32, #tpu.memory_space<vmem>>, %arg2: memref<2x10240x16xf32, #tpu.memory_space<vmem>>, %arg3: memref<1x16xf32, #tpu.memory_space<vmem>>, %arg4: memref<16x8xf32, #tpu.memory_space<vmem>>, %arg5: memref<10240x16xf32, #tpu.memory_space<vmem>>) attributes {dimension_semantics = [], scalar_prefetch = 0 : i64, scratch_operands = 0 : i64, tpu.core_type = #tpu.core_type<tc>} {
    %get3A = arith.constant 0 : index
    %get3A_0 = arith.constant 0 : index
    %get3A_1 = arith.constant 0 : index
    %get3A_2 = vector.load %arg0[%get3A, %get3A_0, %get3A_1] : memref<2x10240x1xf32, #tpu.memory_space<vmem>>, vector<1x10240x1xf32>
    %get3A_3 = vector.shape_cast %get3A_2 : vector<1x10240x1xf32> to vector<10240x1xf32>
    %get3A_4 = arith.constant 1 : index
    %get3A_5 = arith.constant 0 : index
    %get3A_6 = arith.constant 0 : index
    %get3A_7 = vector.load %arg0[%get3A_4, %get3A_5, %get3A_6] : memref<2x10240x1xf32, #tpu.memory_space<vmem>>, vector<1x10240x1xf32>
    %get3A_8 = vector.shape_cast %get3A_7 : vector<1x10240x1xf32> to vector<10240x1xf32>
    %add3A = arith.addf %get3A_3, %get3A_8 : vector<10240x1xf32>
    %add3A_9 = arith.constant 1.000000e+00 : f32
    %add3A_10 = vector.broadcast %add3A_9 : f32 to vector<10240x1xf32>
    %add3A_11 = arith.addf %add3A, %add3A_10 : vector<10240x1xf32>
    %rsqrt3A = math.rsqrt %add3A_11 : vector<10240x1xf32>
    %broadcast_in_dim3A = vector.shape_cast %rsqrt3A : vector<10240x1xf32> to vector<10240x1xf32>
    %broadcast_in_dim3A_12 = vector.broadcast %broadcast_in_dim3A : vector<10240x1xf32> to vector<10240x16xf32>
    %get3A_13 = arith.constant 0 : index
    %get3A_14 = arith.constant 0 : index
    %get3A_15 = vector.load %arg1[%get3A_13, %get3A_14] : memref<10240x16xf32, #tpu.memory_space<vmem>>, vector<10240x16xf32>
    %mul3A = arith.mulf %get3A_15, %broadcast_in_dim3A_12 : vector<10240x16xf32>
    %get3A_16 = arith.constant 0 : index
    %get3A_17 = arith.constant 0 : index
    %get3A_18 = arith.constant 0 : index
    %get3A_19 = vector.load %arg2[%get3A_16, %get3A_17, %get3A_18] : memref<2x10240x16xf32, #tpu.memory_space<vmem>>, vector<1x10240x16xf32>
    %get3A_20 = vector.shape_cast %get3A_19 : vector<1x10240x16xf32> to vector<10240x16xf32>
    %get3A_21 = arith.constant 1 : index
    %get3A_22 = arith.constant 0 : index
    %get3A_23 = arith.constant 0 : index
    %get3A_24 = vector.load %arg2[%get3A_21, %get3A_22, %get3A_23] : memref<2x10240x16xf32, #tpu.memory_space<vmem>>, vector<1x10240x16xf32>
    %get3A_25 = vector.shape_cast %get3A_24 : vector<1x10240x16xf32> to vector<10240x16xf32>
    %add3A_26 = arith.addf %get3A_20, %get3A_25 : vector<10240x16xf32>
    %add3A_27 = arith.addf %add3A_26, %mul3A : vector<10240x16xf32>
    %mul3A_28 = arith.mulf %add3A_27, %broadcast_in_dim3A_12 : vector<10240x16xf32>
    %get3A_29 = arith.constant 0 : index
    %get3A_30 = arith.constant 0 : index
    %get3A_31 = vector.load %arg3[%get3A_29, %get3A_30] : memref<1x16xf32, #tpu.memory_space<vmem>>, vector<1x16xf32>
    %add3A_32 = vector.broadcast %get3A_31 : vector<1x16xf32> to vector<10240x16xf32>
    %add3A_33 = arith.addf %mul3A_28, %add3A_32 : vector<10240x16xf32>
    %max3A = arith.constant 0.000000e+00 : f32
    %max3A_34 = vector.broadcast %max3A : f32 to vector<10240x16xf32>
    %max3A_35 = arith.maximumf %add3A_33, %max3A_34 : vector<10240x16xf32>
    %get3A_36 = arith.constant 0 : index
    %get3A_37 = arith.constant 0 : index
    %get3A_38 = vector.load %arg4[%get3A_36, %get3A_37] : memref<16x8xf32, #tpu.memory_space<vmem>>, vector<16x8xf32>
    %dot_general3A = arith.constant dense<0.000000e+00> : vector<10240x8xf32>
    %dot_general3A_39 = tpu.matmul %max3A_35, %get3A_38, %dot_general3A {dimension_numbers = #tpu.dot_dimension_numbers<[1], [0], [0], [1], [0, 0, 1, 1], [], []>, transpose_lhs_hint = false} : vector<10240x16xf32>, vector<16x8xf32>, vector<10240x8xf32> -> vector<10240x8xf32>
    %slice3A = vector.extract_strided_slice %broadcast_in_dim3A_12 {offsets = [0, 0], sizes = [10240, 8], strides = [1, 1]} : vector<10240x16xf32> to vector<10240x8xf32>
    %mul3A_40 = arith.mulf %dot_general3A_39, %slice3A : vector<10240x8xf32>
    %broadcast_in_dim3A_41 = arith.constant 0.000000e+00 : f32
    %broadcast_in_dim3A_42 = vector.broadcast %broadcast_in_dim3A_41 : f32 to vector<10240x8xf32>
    %concatenate3A = tpu.concatenate %mul3A_40, %broadcast_in_dim3A_42 in 1 : vector<10240x8xf32>, vector<10240x8xf32> -> vector<10240x16xf32>
    %swap3A = arith.constant 0 : index
    %swap3A_43 = arith.constant 0 : index
    %swap3A_44 = vector.load %arg5[%swap3A, %swap3A_43] : memref<10240x16xf32, #tpu.memory_space<vmem>>, vector<10240x16xf32>
    tpu.vector_store %arg5[%swap3A, %swap3A_43], %concatenate3A {strides = array<i32>} : memref<10240x16xf32, #tpu.memory_space<vmem>>, vector<10240x16xf32>,
    return
  }
}

module attributes {stable_mosaic.version = 14 : i64} {
  func.func @_final_body(%arg0: memref<2x10240x1xf32, #tpu.memory_space<vmem>>, %arg1: memref<2x10240x16xf32, #tpu.memory_space<vmem>>, %arg2: memref<10240x16xf32, #tpu.memory_space<vmem>>, %arg3: memref<1x8xf32, #tpu.memory_space<vmem>>, %arg4: memref<8x2xf32, #tpu.memory_space<vmem>>, %arg5: memref<1x2xf32, #tpu.memory_space<vmem>>, %arg6: memref<10240x2xf32, #tpu.memory_space<vmem>>) attributes {dimension_semantics = [], scalar_prefetch = 0 : i64, scratch_operands = 0 : i64, tpu.core_type = #tpu.core_type<tc>} {
    %get3A = arith.constant 0 : index
    %get3A_0 = arith.constant 0 : index
    %get3A_1 = arith.constant 0 : index
    %get3A_2 = vector.load %arg0[%get3A, %get3A_0, %get3A_1] : memref<2x10240x1xf32, #tpu.memory_space<vmem>>, vector<1x10240x1xf32>
    %get3A_3 = vector.shape_cast %get3A_2 : vector<1x10240x1xf32> to vector<10240x1xf32>
    %get3A_4 = arith.constant 1 : index
    %get3A_5 = arith.constant 0 : index
    %get3A_6 = arith.constant 0 : index
    %get3A_7 = vector.load %arg0[%get3A_4, %get3A_5, %get3A_6] : memref<2x10240x1xf32, #tpu.memory_space<vmem>>, vector<1x10240x1xf32>
    %get3A_8 = vector.shape_cast %get3A_7 : vector<1x10240x1xf32> to vector<10240x1xf32>
    %add3A = arith.addf %get3A_3, %get3A_8 : vector<10240x1xf32>
    %add3A_9 = arith.constant 1.000000e+00 : f32
    %add3A_10 = vector.broadcast %add3A_9 : f32 to vector<10240x1xf32>
    %add3A_11 = arith.addf %add3A, %add3A_10 : vector<10240x1xf32>
    %rsqrt3A = math.rsqrt %add3A_11 : vector<10240x1xf32>
    %broadcast_in_dim3A = vector.shape_cast %rsqrt3A : vector<10240x1xf32> to vector<10240x1xf32>
    %broadcast_in_dim3A_12 = vector.broadcast %broadcast_in_dim3A : vector<10240x1xf32> to vector<10240x8xf32>
    %get3A_13 = arith.constant 0 : index
    %get3A_14 = arith.constant 0 : index
    %get3A_15 = arith.constant 0 : index
    %get3A_16 = vector.load %arg1[%get3A_13, %get3A_14, %get3A_15] : memref<2x10240x16xf32, #tpu.memory_space<vmem>>, vector<1x10240x8xf32>
    %get3A_17 = vector.shape_cast %get3A_16 : vector<1x10240x8xf32> to vector<10240x8xf32>
    %get3A_18 = arith.constant 1 : index
    %get3A_19 = arith.constant 0 : index
    %get3A_20 = arith.constant 0 : index
    %get3A_21 = vector.load %arg1[%get3A_18, %get3A_19, %get3A_20] : memref<2x10240x16xf32, #tpu.memory_space<vmem>>, vector<1x10240x8xf32>
    %get3A_22 = vector.shape_cast %get3A_21 : vector<1x10240x8xf32> to vector<10240x8xf32>
    %add3A_23 = arith.addf %get3A_17, %get3A_22 : vector<10240x8xf32>
    %get3A_24 = arith.constant 0 : index
    %get3A_25 = arith.constant 0 : index
    %get3A_26 = vector.load %arg2[%get3A_24, %get3A_25] : memref<10240x16xf32, #tpu.memory_space<vmem>>, vector<10240x8xf32>
    %add3A_27 = arith.addf %add3A_23, %get3A_26 : vector<10240x8xf32>
    %mul3A = arith.mulf %add3A_27, %broadcast_in_dim3A_12 : vector<10240x8xf32>
    %get3A_28 = arith.constant 0 : index
    %get3A_29 = arith.constant 0 : index
    %get3A_30 = vector.load %arg3[%get3A_28, %get3A_29] : memref<1x8xf32, #tpu.memory_space<vmem>>, vector<1x8xf32>
    %add3A_31 = vector.broadcast %get3A_30 : vector<1x8xf32> to vector<10240x8xf32>
    %add3A_32 = arith.addf %mul3A, %add3A_31 : vector<10240x8xf32>
    %max3A = arith.constant 0.000000e+00 : f32
    %max3A_33 = vector.broadcast %max3A : f32 to vector<10240x8xf32>
    %max3A_34 = arith.maximumf %add3A_32, %max3A_33 : vector<10240x8xf32>
    %get3A_35 = arith.constant 0 : index
    %get3A_36 = arith.constant 0 : index
    %get3A_37 = vector.load %arg4[%get3A_35, %get3A_36] : memref<8x2xf32, #tpu.memory_space<vmem>>, vector<8x2xf32>
    %dot_general3A = arith.constant dense<0.000000e+00> : vector<10240x2xf32>
    %dot_general3A_38 = tpu.matmul %max3A_34, %get3A_37, %dot_general3A {dimension_numbers = #tpu.dot_dimension_numbers<[1], [0], [0], [1], [0, 0, 1, 1], [], []>, transpose_lhs_hint = false} : vector<10240x8xf32>, vector<8x2xf32>, vector<10240x2xf32> -> vector<10240x2xf32>
    %get3A_39 = arith.constant 0 : index
    %get3A_40 = arith.constant 0 : index
    %get3A_41 = vector.load %arg5[%get3A_39, %get3A_40] : memref<1x2xf32, #tpu.memory_space<vmem>>, vector<1x2xf32>
    %add3A_42 = vector.broadcast %get3A_41 : vector<1x2xf32> to vector<10240x2xf32>
    %add3A_43 = arith.addf %dot_general3A_38, %add3A_42 : vector<10240x2xf32>
    %reduce_max3A = arith.constant dense<0xFF800000> : vector<10240xf32>
    %reduce_max3A_44 = vector.multi_reduction <maximumf>, %add3A_43, %reduce_max3A [1] : vector<10240x2xf32> to vector<10240xf32>
    %broadcast_in_dim3A_45 = vector.shape_cast %reduce_max3A_44 : vector<10240xf32> to vector<10240x1xf32>
    %sub3A = vector.broadcast %broadcast_in_dim3A_45 : vector<10240x1xf32> to vector<10240x2xf32>
    %sub3A_46 = arith.subf %add3A_43, %sub3A : vector<10240x2xf32>
    %exp3A = math.exp %sub3A_46 : vector<10240x2xf32>
    %reduce_sum3A = arith.constant dense<0.000000e+00> : vector<10240xf32>
    %reduce_sum3A_47 = vector.multi_reduction <add>, %exp3A, %reduce_sum3A [1] : vector<10240x2xf32> to vector<10240xf32>
    %broadcast_in_dim3A_48 = vector.shape_cast %reduce_sum3A_47 : vector<10240xf32> to vector<10240x1xf32>
    %log3A = math.log %broadcast_in_dim3A_48 : vector<10240x1xf32>
    %add3A_49 = arith.addf %log3A, %broadcast_in_dim3A_45 : vector<10240x1xf32>
    %sub3A_50 = vector.broadcast %add3A_49 : vector<10240x1xf32> to vector<10240x2xf32>
    %sub3A_51 = arith.subf %add3A_43, %sub3A_50 : vector<10240x2xf32>
    %swap3A = arith.constant 0 : index
    %swap3A_52 = arith.constant 0 : index
    %swap3A_53 = vector.load %arg6[%swap3A, %swap3A_52] : memref<10240x2xf32, #tpu.memory_space<vmem>>, vector<10240x2xf32>
    tpu.vector_store %arg6[%swap3A, %swap3A_52], %sub3A_51 {strides = array<i32>} : memref<10240x2xf32, #tpu.memory_space<vmem>>, vector<10240x2xf32>,
    return
  }
}

</mosaic_0001>

<sc_bundles>
// kernel: kernel.11.cloned.1.call-start
scs
__scs_entry_jumppad:
0x0: {  	(pc) =	sbr.rel $0x88, $3  }
0x1: {  	(tag) =	ssettag $0x0;
	lr =	simm.s32 $0x1  }
0x2: {  	[smem:$0x3F99] =	sst lr;
	_ =	strace $0xD0000000  }
0x3: {  	_ = 	snop  }
0x4: {  	_ = 	snop  }
0x5: {  	_ = 	snop  }
0x6: {  	_ = 	snop  }
0x7: {  	_ = 	snop  }
__scs_overlays_trampoline_lowered:
0x8: {  	[smem:$0x3FA8] =	sst s0  }
0x9: {  	[smem:$0x3FA9] =	sst s1  }
0xa: {  	[smem:$0x3FAA] =	sst s2  }
0xb: {  	[smem:$0x3FAB] =	sst s3  }
0xc: {  	[smem:$0x3FAC] =	sst s4  }
0xd: {  	[smem:$0x3FAD] =	sst s5  }
0xe: {  	[smem:$0x3FAE] =	sst s6  }
0xf: {  	[smem:$0x3FAF] =	sst s7  }
0x10: {  	[smem:$0x3FB0] =	sst s8  }
0x11: {  	[smem:$0x3FB1] =	sst s9;
	s0 =	simm.s32 @!p0 $0x0  }
0x12: {  	s1 =	sld [smem:$0x3F97];
	s0 =	simm.s32 @p0 $0x1  }
0x13: {  	[smem:$0x3FB2] =	sst s0;
	s0 =	simm.s32 @!p1 $0x0  }
0x14: {  	s2 =	sld [smem:$0x3F96];
	s0 =	simm.s32 @p1 $0x1  }
0x15: {  	[smem:$0x3FB3] =	sst s0;
	s0 =	simm.s32 @!p2 $0x0  }
0x16: {  	s3 =	sld [smem:$0x3FDB];
	s0 =	simm.s32 @p2 $0x1  }
0x17: {  	s4 =	simm.s32 $0x1BF5;
	[smem:$0x3FB5] =	sst s0  }
0x18: {  	s0 =	sld [smem:$0x3F98];
	_ =	swait.ge [sflag:s4], $0x0  }
0x19: {  	s7 =	sld [smem:$0x3F99]  }
0x1a: {  	s8 =	sadd.s32 $0xFFFFE003, lr  }
0x1b: {  	s9 =	sadd.s32 $0xFFFFFEF7, lr;
	s5 =	simm.s32 $0xFFFFFFFF;
	p2 =	slt.u32 s8, $0xFFFFF086  }
0x1c: {  	p1 =	slt.u32 s9, $0xF7A;
	s5 =	simm.s32 @!p2 $0x0  }
0x1d: {  	s5 =	simm.s32 @p1 $0x1;
	p0 =	seq.s32 s7, s2  }
0x1e: {  	s7 =	smul.u32 @!p0 $0xF7A, s2;
	p2 =	seq.s32 @!p0 s5, $0x0  }
0x1f: {  	s9 =	smul.u32 $0xF7A, s1;
	s8 =	simm.s32 @!p0 $0x1BF5;
	p2 =	por !p2, p0  }
0x20: {  	[sflag:s8] =	ssyncset.s32 @!p0 $0xFFFFF086;
	s6 =	sadd.s32 @!p0 s3, s7;
	s7 =	simm.s32 @!p0 $0x108  }
0x21: {  	s3 =	sadd.s32 s3, s9;
	s6 =	sadd.s32 @!p0 $0x88, s6;
	s7 =	simm.s32 @p2 $0x1082  }
0x22: {  	[simem:s7], [sflag:s8] =	dma.local @!p0 [hbm:s6], $0xF7A  }
0x23: {  	s9 =	sor.u32 $0xD0000000, s2;
	s6 =	simm.s32 $0x108;
	_ =	swait.ge @!p0 [sflag:s8], $0x0  }
0x24: {  	s3 =	sadd.s32 $0x88, s3;
	s6 =	simm.s32 @!p1 $0x1082;
	[sflag:s4] =	ssyncset.s32 $0xFFFFF086  }
0x25: {  	[simem:s6], [sflag:s4] =	dma.local [hbm:s3], $0xF7A  }
0x26: {  	[smem:$0x3F99] =	sst s1;
	(tag) =	ssettag s2;
	_ =	strace s9  }
0x27: {  	s1 =	sld [smem:$0x3FA9]  }
0x28: {  	s2 =	sld [smem:$0x3FAA]  }
0x29: {  	s4 =	sld [smem:$0x3FAC]  }
0x2a: {  	p0 =	seq.s32 s5, $0x0;
	s5 =	sld [smem:$0x3FAD]  }
0x2b: {  	s6 =	sld [smem:$0x3FAE]  }
0x2c: {  	s7 =	sld [smem:$0x3FAF]  }
0x2d: {  	s3 =	simm.s32 $0x108;
	s8 =	sld [smem:$0x3FB0]  }
0x2e: {  	s3 =	simm.s32 @!p0 $0x1082;
	s9 =	sld [smem:$0x3FB1]  }
0x2f: {  	lr =	sadd.s32 s0, s3;
	s0 =	sld [smem:$0x3FA8]  }
0x30: {  	s3 =	sld [smem:$0x3FAB]  }
0x31: {  	[smem:$0x3FB4] =	sst s10  }
0x32: {  	s10 =	sld [smem:$0x3FB2];
	_ =	sdelay $0x3  }
0x33: {  	p0 =	seq.s32 s10, $0x1;
	s10 =	sld [smem:$0x3FB4];
	_ =	sdelay $0x3  }
0x34: {  	[smem:$0x3FB4] =	sst s10  }
0x35: {  	s10 =	sld [smem:$0x3FB3];
	_ =	sdelay $0x3  }
0x36: {  	p1 =	seq.s32 s10, $0x1;
	s10 =	sld [smem:$0x3FB4];
	_ =	sdelay $0x3  }
0x37: {  	[smem:$0x3FB4] =	sst s10  }
0x38: {  	s10 =	sld [smem:$0x3FB5]  }
0x39: {  	_ = 	snop;
	(pc) =	sbr.ind lr, $3  }
0x3a: {  	_ = 	snop  }
0x3b: {  	_ = 	snop  }
0x3c: {  	p2 =	seq.s32 s10, $0x1;
	s10 =	sld [smem:$0x3FB4]  }
0x3d: {  	_ =	shalt  }
0x3e: {  	_ =	shalt  }
0x3f: {  	_ =	shalt  }
0x40: {  	_ =	shalt  }
0x41: {  	_ =	shalt  }
0x42: {  	_ =	shalt  }
0x43: {  	_ =	shalt  }
0x44: {  	_ =	shalt  }
0x45: {  	_ =	shalt  }
0x46: {  	_ =	shalt  }
0x47: {  	_ =	shalt  }
0x48: {  	_ =	shalt  }
0x49: {  	_ =	shalt  }
0x4a: {  	_ =	shalt  }
0x4b: {  	_ =	shalt  }
0x4c: {  	_ =	shalt  }
0x4d: {  	_ =	shalt  }
0x4e: {  	_ =	shalt  }
0x4f: {  	_ =	shalt  }
0x50: {  	_ =	shalt  }
0x51: {  	_ =	shalt  }
0x52: {  	_ =	shalt  }
0x53: {  	_ =	shalt  }
0x54: {  	_ =	shalt  }
0x55: {  	_ =	shalt  }
0x56: {  	_ =	shalt  }
0x57: {  	_ =	shalt  }
0x58: {  	_ =	shalt  }
0x59: {  	_ =	shalt  }
0x5a: {  	_ =	shalt  }
0x5b: {  	_ =	shalt  }
0x5c: {  	_ =	shalt  }
0x5d: {  	_ =	shalt  }
0x5e: {  	_ =	shalt  }
0x5f: {  	_ =	shalt  }
0x60: {  	_ =	shalt  }
0x61: {  	_ =	shalt  }
0x62: {  	_ =	shalt  }
0x63: {  	_ =	shalt  }
0x64: {  	_ =	shalt  }
0x65: {  	_ =	shalt  }
0x66: {  	_ =	shalt  }
0x67: {  	_ =	shalt  }
0x68: {  	_ =	shalt  }
0x69: {  	_ =	shalt  }
0x6a: {  	_ =	shalt  }
0x6b: {  	_ =	shalt  }
0x6c: {  	_ =	shalt  }
0x6d: {  	_ =	shalt  }
0x6e: {  	_ =	shalt  }
0x6f: {  	_ =	shalt  }
0x70: {  	_ =	shalt  }
0x71: {  	_ =	shalt  }
0x72: {  	_ =	shalt  }
0x73: {  	_ =	shalt  }
0x74: {  	_ =	shalt  }
0x75: {  	_ =	shalt  }
0x76: {  	_ =	shalt  }
0x77: {  	_ =	shalt  }
0x78: {  	_ =	shalt  }
0x79: {  	_ =	shalt  }
0x7a: {  	_ =	shalt  }
0x7b: {  	_ =	shalt  }
0x7c: {  	_ =	shalt  }
0x7d: {  	_ =	shalt  }
0x7e: {  	_ =	shalt  }
0x7f: {  	_ =	shalt  }
0x80: {  	_ =	shalt  }
0x81: {  	_ =	shalt  }
0x82: {  	_ =	shalt  }
0x83: {  	_ =	shalt  }
0x84: {  	_ =	shalt  }
0x85: {  	_ =	shalt  }
0x86: {  	_ =	shalt  }
0x87: {  	_ =	shalt  }
.Lfunc_end0:
.L_simem_size_0:
called_computation.1_lowered:
.L_overlay_start_0:
0x88: {  	s2 =	sld [smem:$0x3FD9]  }
0x89: {  	s3 =	sld [smem:$0x3FFE];
	_ =	sdelay $0x1  }
0x8a: {  	s1 =	srdreg.scid  }
0x8b: {  	s0 =	sand.u32 $0x1, s1  }
0x8c: {  	s17 =	sshll.u32 s0, $0xA;
	s2 =	sadd.s32 s3, s2  }
0x8d: {  	s2 =	sadd.s32 s2, s17  }
0x8e: {  	[smem:$0x3FC0] =	sst s2  }
0x8f: {  	_ = 	snop  }
0x90: {  	s2 =	sld [smem:$0x3FD0];
	(tm) =	ssettm $0x1  }
0x91: {  	s18 =	sld [smem:$0x3FFB];
	_ =	sdelay $0x3  }
0x92: {  	_ =	strace s18  }
0x93: {  	s3 =	sld [smem:$0x3FFC];
	_ =	sdelay $0x3  }
0x94: {  	_ =	strace s3  }
0x95: {  	s3 =	sld [smem:$0x3FFD];
	_ =	sdelay $0x3  }
0x96: {  	_ =	strace s3  }
0x97: {  	_ =	strace $0x8FFFFFFF  }
0x98: {  	s19 =	sld [smem:$0x3FDB];
	_ =	sdelay $0x1  }
0x99: {  	s4 =	simm.s32 $_scs_section_size  }
0x9a: {  	s5 =	simm.s32 $_size__tile_overlayer_lowered;
	s6 =	simm.s32 $_tile_overlayer_lowered  }
0x9b: {  	s22 =	simm.s32 $0x1BFF;
	s21 =	sshll.u32 s6, $0x1;
	s3 =	sadd.s32 s4, s19  }
0x9c: {  	s7 =	simm.s32 $0x0;
	s20 =	sshll.u32 s5, $0x1;
	s5 =	sadd.s32 s21, s3  }
0x9d: {  	[timem:s7], [sflag:s22] =	dma.local [hbm:s5], s20  }
0x9e: {  	_ =	swait.ge [sflag:s22], s20  }
0x9f: {  	s4 =	ssub.s32 $0x0, s20;
	[sflag:s22] =	ssyncset.done $0x0  }
0xa0: {  	[sflag:s22] =	ssyncadd.s32 s4;
	_ =	sdelay $0x1  }
0xa1: {  	s23 =	simm.s32 $0x1B8B  }
0xa2: {  	_ =	swait.ge [sflag:s23], $0x1  }
0xa3: {  	[sflag:s23] =	ssyncset.done $0x0  }
0xa4: {  	s25 =	simm.s32 $0x1B8E;
	s24 =	sld [smem:$0x3FFE];
	[sflag:s23] =	ssyncadd.s32 $0xFFFFFFFF  }
0xa5: {  	s26 =	simm.s32 $execute0_lowered;
	[smem:$0x3FD2] =	sst s25  }
0xa6: {  	s5 =	sshll.u32 s26, $0x1;
	_ =	strace $0x80000049;
	[dreg:$0x1] =	wrdreg $0xFFFFFFFF  }
0xa7: {  	s28 =	simm.s32 $_size_execute0_lowered;
	s3 =	sadd.s32 s3, s5;
	[dreg:$0x0] =	wrdreg $0x0  }
0xa8: {  	s5 =	sshll.u32 s28, $0x1;
	[dreg:$0x2] =	wrdreg s3  }
0xa9: {  	[dreg:$0x3] =	wrdreg s5  }
0xaa: {  	[dreg:$0x4] =	wrdreg $0xC0  }
0xab: {  	_ =	task [dreg:s7], $0x5FFFF  }
0xac: {  	[dreg:$0x1] =	wrdreg $0xFFFFFFFF  }
0xad: {  	[dreg:$0x0] =	wrdreg $0x60  }
0xae: {  	[dreg:$0x2] =	wrdreg s24  }
0xaf: {  	[dreg:$0x3] =	wrdreg s2  }
0xb0: {  	[dreg:$0x4] =	wrdreg $0xE5000  }
0xb1: {  	[dreg:$0x5] =	wrdreg $0xBD000  }
0xb2: {  	[dreg:$0x6] =	wrdreg $0x9  }
0xb3: {  	_ =	task.clear_ibuf [dreg:s7], $0x7FFFF;
	_ =	strace $0x90000049  }
0xb4: {  	s29 =	simm.s32 $0x9;
	_ =	strace $0x8000004B  }
0xb5: {  	_ =	swait.ge [sflag:s29], $0x1  }
0xb6: {  	[sflag:s29] =	ssyncadd.s32 $0xFFFFFFFF  }
0xb7: {  	_ =	strace $0x9000004B  }
0xb8: {  	_ =	sfence  }
0xb9: {  	s30 =	sld [smem:$0x0];
	_ =	sdelay $0x2  }
0xba: {  	s31 =	sshll.u32 s1, $0xD;
	s1 =	sshrl.u32 s1, $0x2  }
0xbb: {  	s3 =	sand.u32 $0x4000, s31;
	s1 =	sadd.s32 s1, s30  }
0xbc: {  	s0 =	sor.u32 s3, s0;
	s1 =	sshll.u32 s1, $0x11  }
0xbd: {  	s0 =	sor.u32 s1, s0  }
0xbe: {  	s0 =	sadd.s32 $0x8F2B, s0  }
0xbf: {  	[sflag:s0] =	ssyncadd.remote.s32 $0x1  }
0xc0: {  	_ =	sfence.sel $0xFFFF  }
0xc1: {  	[dreg:$0x0] =	wrdreg $0xFFFFFFFF;
	(pc) =	sbr.abs _section_cstart, $3  }
0xc2: {  	[dreg:$0x1] =	wrdreg $0xFFFFFFFF  }
0xc3: {  	_ =	task.clear_ibuf [dreg:s7], $0x2FFFF;
	_ =	strace $0x9FFFFFFF  }
0xc4: {  	(tm) =	ssettm $0x7FFFFFFF  }
0xc5: {  	_ =	shalt  }
tec
execute0_lowered:
.L_overlay_start_1:
0x0: {  	(tag) =	ssettag $0x1  }
0x1: {  	s0 =	srdreg.scid;
	s1 =	rddreg [dreg:$0x0]  }
0x2: {  	s10 =	stileid.u32;
	s3 =	rddreg [dreg:$0x2]  }
0x3: {  	s4 =	rddreg [dreg:$0x3];
	s5 =	simm.s32 $0x0;
	s16 =	simm.s32 $0x3  }
0x4: {  	s17 =	simm.s32 $0x9000;
	s21 =	simm.s32 $0x80;
	s22 =	simm.s32 $0x5000  }
0x5: {  	s23 =	simm.s32 $0x5800;
	s24 =	simm.s32 $0x6000;
	s28 =	simm.s32 $0x7800  }
0x6: {  	s29 =	simm.s32 $0x8000;
	s30 =	simm.s32 $0x8800;
	s31 =	simm.s32 $0x1  }
0x7: {  	s0 =	sand.u32 $0x1, s0;
	s12 =	smul.u32 $0x2800, s10;
	[smem:$0x7FF] =	sst s5  }
0x8: {  	s8 =	smul.u32 $0x280, s10;
	s26 =	sshll.u32 s10, $0x6;
	s2 =	sshll.u32 s0, $0x4  }
0x9: {  	s6 =	smul.u32 $0x28000, s0;
	_ =	strace $0x8000004A;
	s0 =	ssub.s32 $0x2, s0  }
0xa: {  	s2 =	sor.u32 s10, s2;
	s7 =	sshrl.u32 s12, $0x3;
	s8 =	sshrl.u32 s8, $0x3  }
0xb: {  	s25 =	sshrl.u32 s0, $0x1;
	s15 =	sadd.s32 s12, s3;
	s2 =	smul.u32 $0x500, s2  }
0xc: {  	s7 =	sadd.s32 s7, s1;
	s6 =	sadd.s32 s12, s6;
	s9 =	sadd.s32 s8, s1  }
0xd: {  	s0 =	ssub.s32 s0, s25;
	s12 =	sadd.s32 s12, s4;
	s15 =	sshrl.u32 s15, $0x3  }
0xe: {  	s25 =	simm.s32 $0x6800;
	s6 =	sshrl.u32 s6, $0x3;
	s7 =	sadd.s32 $0x16800, s7  }
0xf: {  	s8 =	sadd.s32 $0x1B800, s9;
	s9 =	sadd.s32 $0x1BD00, s9;
	s14 =	smax.u32 s0, $0x1  }
0x10: {  	s0 =	simm.s32 $0x0;
	s2 =	sadd.s32 s2, s1;
	s1 =	sadd.s32 s6, s1  }
0x11: {  	s6 =	sor.u32 $0x1C03, s26;
	s26 =	simm.s32 $0x7000;
	s10 =	sadd.s32 $0xBC00, s2  }
0x12: {  	s11 =	sadd.s32 $0x1C00, s2;
	s13 =	sadd.s32 $0x1C200, s1;
	s2 =	simm.s32 $0x2  }
.LBB2_1:
0x13: {  	s1 =	rddreg [dreg:$0x1]  }
0x14: {  	[spmem:s15], [sflag:s6] =	dma.local [hbm:s1], $0x500  }
0x15: {  	_ =	swait.ge [sflag:s16], $0x500  }
0x16: {  	[sflag:s16] =	ssyncset.done $0x0  }
0x17: {  	[sflag:s16] =	ssyncadd.s32 $0xFFFFFB00  }
0x18: {  	[tilespmem:s17], [sflag:$0x3] =	stream.linear.gather [hbm4b:s7+s5], $0x2800, $0x38;
	[tilespmem:$0x10D00] =	vst v63  }
0x19: {  	_ =	swait.ge [sflag:s16], $0x2800  }
0x1a: {  	[sflag:s16] =	ssyncset.done $0x0  }
0x1b: {  	s20 =	simm.s32 $0xB800;
	[sflag:s16] =	ssyncadd.s32 $0xFFFFD800  }
0x1c: {  	[tilespmem:s20], [sflag:$0x3] =	stream.linear.gather [hbm4b:s8+s5], $0x280, $0x38;
	[tilespmem:$0x10D00] =	vst v63  }
0x1d: {  	_ =	swait.ge [sflag:s16], $0x280  }
0x1e: {  	[sflag:s16] =	ssyncset.done $0x0  }
0x1f: {  	s18 =	simm.s32 $0xBA80;
	[sflag:s16] =	ssyncadd.s32 $0xFFFFFD80  }
0x20: {  	[tilespmem:s18], [sflag:$0x3] =	stream.linear.gather [hbm4b:s9+s5], $0x280, $0x38;
	[tilespmem:$0x10D00] =	vst v63  }
0x21: {  	_ =	swait.ge [sflag:s16], $0x280  }
0x22: {  	[sflag:s16] =	ssyncset.done $0x0  }
0x23: {  	[sflag:s16] =	ssyncadd.s32 $0xFFFFFD80  }
0x24: {  	[tilespmem:s5], [sflag:$0x3] =	stream.linear.gather [hbm4b:s10+s5], $0x2800, $0x38;
	[tilespmem:$0x10D00] =	vst v63  }
0x25: {  	_ =	swait.ge [sflag:s16], $0x2800  }
0x26: {  	[sflag:s16] =	ssyncset.done $0x0  }
0x27: {  	s19 =	simm.s32 $0x2800;
	[sflag:s16] =	ssyncadd.s32 $0xFFFFD800  }
0x28: {  	[tilespmem:s19], [sflag:$0x3] =	stream.linear.gather [hbm4b:s11+s5], $0x2800, $0x38;
	[tilespmem:$0x10D00] =	vst v63  }
0x29: {  	_ =	swait.ge [sflag:s16], $0x2800  }
0x2a: {  	[sflag:s16] =	ssyncset.done $0x0  }
0x2b: {  	s20 =	simm.s32 $0x0;
	[sflag:s16] =	ssyncadd.s32 $0xFFFFD800  }
0x2c: {  	v0 =	vld [tilespmem:s20+$0xBA80]  }
0x2d: {  	v1 =	vld [tilespmem:s20+$0xB800];
	_ =	sdelay $0x4  }
0x2e: {  	v0 =	vadd.f32 v0, v1;
	_ =	sdelay $0x1  }
0x2f: {  	v0 =	vadd.f32 $1.000000000e+00, v0;
	_ =	sdelay $0x1  }
0x30: {  	v1 =	vshrl.u32 v0, $0x1;
	v0 =	vmul.f32 $5.000000000e-01, v0  }
0x31: {  	v1 =	vsub.s32 $0x5F3759DF, v1  }
0x32: {  	v2 =	vmul.f32 v1, v0;
	_ =	sdelay $0x1  }
0x33: {  	v2 =	vmul.f32 v1, v2;
	_ =	sdelay $0x1  }
0x34: {  	v2 =	vsub.f32 $1.500000000e+00, v2;
	_ =	sdelay $0x1  }
0x35: {  	v1 =	vmul.f32 v1, v2;
	_ =	sdelay $0x1  }
0x36: {  	v2 =	vmul.f32 v1, v0;
	_ =	sdelay $0x1  }
0x37: {  	v2 =	vmul.f32 v2, v1;
	_ =	sdelay $0x1  }
0x38: {  	v2 =	vsub.f32 $1.500000000e+00, v2;
	_ =	sdelay $0x1  }
0x39: {  	v1 =	vmul.f32 v2, v1;
	_ =	sdelay $0x1  }
0x3a: {  	v0 =	vmul.f32 v1, v0;
	_ =	sdelay $0x1  }
0x3b: {  	v0 =	vmul.f32 v0, v1;
	_ =	sdelay $0x1  }
0x3c: {  	s1 =	simm.s32 $0x9080;
	v0 =	vsub.f32 $1.500000000e+00, v0  }
0x3d: {  	v2 =	vld [tilespmem:s1+$0x70]  }
0x3e: {  	v3 =	vld [tilespmem:s1+$0x60];
	v0 =	vmul.f32 v0, v1  }
0x3f: {  	v4 =	vld [tilespmem:s1+$0x40]  }
0x40: {  	v6 =	vld [tilespmem:s1+$0x30];
	v5 =	vbroadcast v0, $0xF  }
0x41: {  	v1 =	vld [tilespmem:s1+$0x50];
	v7 =	vbroadcast v0, $0xE  }
0x42: {  	v8 =	vld [tilespmem:s1+$0x20];
	v10 =	vbroadcast v0, $0xC;
	v2 =	vmul.f32 v2, v5  }
0x43: {  	v46 =	vld [tilespmem:s1+$0x10];
	v48 =	vbroadcast v0, $0xB;
	v3 =	vmul.f32 v3, v7  }
0x44: {  	v47 =	vld [tilespmem:s1+$0x0];
	v9 =	vbroadcast v0, $0xD;
	v4 =	vmul.f32 v4, v10;
	[tilespmem:s1+$0x70] =	vst v2  }
0x45: {  	v54 =	vld [tilespmem:s1+$0xFFFFFFB0];
	v49 =	vbroadcast v0, $0xA;
	v6 =	vmul.f32 v6, v48;
	[tilespmem:s1+$0x60] =	vst v3  }
0x46: {  	v11 =	vbroadcast v0, $0x9;
	v1 =	vmul.f32 v1, v9;
	v2 =	vld [tilespmem:s1+$0xFFFFFFF0];
	[tilespmem:s1+$0x40] =	vst v4  }
0x47: {  	v50 =	vbroadcast v0, $0x8;
	v8 =	vmul.f32 v8, v49;
	v3 =	vld [tilespmem:s1+$0xFFFFFFE0];
	[tilespmem:s1+$0x30] =	vst v6  }
0x48: {  	v61 =	vbroadcast v0, $0x3;
	v5 =	vmul.f32 v11, v46;
	[tilespmem:s1+$0x50] =	vst v1;
	v1 =	vld [tilespmem:s1+$0xFFFFFFD0]  }
0x49: {  	v51 =	vld [tilespmem:s1+$0xFFFFFFC0];
	v52 =	vbroadcast v0, $0x7;
	v53 =	vmul.f32 v50, v47;
	[tilespmem:s1+$0x20] =	vst v8  }
0x4a: {  	v56 =	vld [tilespmem:s1+$0xFFFFFFA0];
	v55 =	vbroadcast v0, $0x6;
	v63 =	vmul.f32 v61, v54;
	[tilespmem:s1+$0x10] =	vst v5  }
0x4b: {  	v59 =	vld [tilespmem:s1+$0xFFFFFF90];
	v57 =	vbroadcast v0, $0x5;
	[tilespmem:s1+$0x0] =	vst v53;
	v2 =	vmul.f32 v52, v2  }
0x4c: {  	v60 =	vld [tilespmem:s1+$0xFFFFFF80];
	v58 =	vbroadcast v0, $0x4;
	[tilespmem:s1+$0xFFFFFFB0] =	vst v63;
	v3 =	vmul.f32 v55, v3  }
0x4d: {  	v62 =	vbroadcast v0, $0x2;
	v1 =	vmul.f32 v57, v1;
	[tilespmem:s1+$0xFFFFFFF0] =	vst v2  }
0x4e: {  	v2 =	vmul.f32 v58, v51;
	[tilespmem:s1+$0xFFFFFFE0] =	vst v3;
	v3 =	vbroadcast v0, $0x1  }
0x4f: {  	v0 =	vbroadcast v0, $0x0;
	[tilespmem:s1+$0xFFFFFFD0] =	vst v1;
	v1 =	vmul.f32 v62, v56  }
0x50: {  	[tilespmem:s1+$0xFFFFFFC0] =	vst v2;
	v2 =	vmul.f32 v3, v59  }
0x51: {  	v0 =	vmul.f32 v0, v60;
	[tilespmem:s1+$0xFFFFFFA0] =	vst v1  }
0x52: {  	[tilespmem:s1+$0xFFFFFF90] =	vst v2  }
0x53: {  	s19 =	simm.s32 $0x10;
	[tilespmem:s1+$0xFFFFFF80] =	vst v0  }
0x54: {  	s18 =	simm.s32 $0x80;
	v0 =	vld [tilespmem:s19+$0xBA80]  }
.LBB2_2:
0x55: {  	p0 =	sne.s32 s18, $0x9C0;
	v1 =	vld [tilespmem:s19+$0xB800];
	_ =	sdelay $0x4  }
0x56: {  	v0 =	vadd.f32 v0, v1;
	_ =	sdelay $0x1  }
0x57: {  	v0 =	vadd.f32 $1.000000000e+00, v0;
	_ =	sdelay $0x1  }
0x58: {  	v1 =	vshrl.u32 v0, $0x1;
	v0 =	vmul.f32 $5.000000000e-01, v0  }
0x59: {  	v1 =	vsub.s32 $0x5F3759DF, v1  }
0x5a: {  	v2 =	vmul.f32 v1, v0;
	_ =	sdelay $0x1  }
0x5b: {  	v2 =	vmul.f32 v1, v2;
	_ =	sdelay $0x1  }
0x5c: {  	v2 =	vsub.f32 $1.500000000e+00, v2;
	_ =	sdelay $0x1  }
0x5d: {  	v1 =	vmul.f32 v1, v2;
	_ =	sdelay $0x1  }
0x5e: {  	v2 =	vmul.f32 v1, v0;
	_ =	sdelay $0x1  }
0x5f: {  	v2 =	vmul.f32 v2, v1;
	_ =	sdelay $0x1  }
0x60: {  	v2 =	vsub.f32 $1.500000000e+00, v2;
	_ =	sdelay $0x1  }
0x61: {  	v1 =	vmul.f32 v2, v1;
	_ =	sdelay $0x1  }
0x62: {  	v0 =	vmul.f32 v1, v0;
	_ =	sdelay $0x1  }
0x63: {  	s1 =	sadd.s32 $0x100, s1;
	v0 =	vmul.f32 v0, v1  }
0x64: {  	v2 =	vld [tilespmem:s1+$0x70]  }
0x65: {  	v0 =	vsub.f32 $1.500000000e+00, v0;
	v3 =	vld [tilespmem:s1+$0x60]  }
0x66: {  	v4 =	vld [tilespmem:s1+$0x50]  }
0x67: {  	v0 =	vmul.f32 v0, v1;
	v1 =	vld [tilespmem:s1+$0x40]  }
0x68: {  	v5 =	vld [tilespmem:s1+$0x30]  }
0x69: {  	v6 =	vld [tilespmem:s1+$0x20];
	v7 =	vbroadcast v0, $0xE;
	v8 =	vbroadcast v0, $0xF  }
0x6a: {  	v10 =	vbroadcast v0, $0xC;
	v11 =	vbroadcast v0, $0xD;
	v9 =	vld [tilespmem:s1+$0x10]  }
0x6b: {  	v12 =	vld [tilespmem:s1+$0x0];
	v3 =	vmul.f32 v3, v7;
	v2 =	vmul.f32 v2, v8  }
0x6c: {  	v4 =	vmul.f32 v4, v11;
	v7 =	vld [tilespmem:s1+$0xFFFFFFF0];
	v1 =	vmul.f32 v1, v10  }
0x6d: {  	v11 =	vbroadcast v0, $0xB;
	v10 =	vbroadcast v0, $0xA;
	v8 =	vld [tilespmem:s1+$0xFFFFFFE0];
	[tilespmem:s1+$0x70] =	vst v2  }
0x6e: {  	v13 =	vbroadcast v0, $0x8;
	v14 =	vbroadcast v0, $0x9;
	v2 =	vld [tilespmem:s1+$0xFFFFFFD0];
	[tilespmem:s1+$0x60] =	vst v3  }
0x6f: {  	v5 =	vmul.f32 v5, v11;
	v6 =	vmul.f32 v6, v10;
	v3 =	vld [tilespmem:s1+$0xFFFFFFC0];
	[tilespmem:s1+$0x50] =	vst v4  }
0x70: {  	v9 =	vmul.f32 v14, v9;
	v4 =	vld [tilespmem:s1+$0xFFFFFF80];
	v10 =	vmul.f32 v13, v12;
	[tilespmem:s1+$0x40] =	vst v1  }
0x71: {  	v11 =	vbroadcast v0, $0x6;
	v12 =	vbroadcast v0, $0x7;
	v1 =	vld [tilespmem:s1+$0xFFFFFFB0];
	[tilespmem:s1+$0x30] =	vst v5  }
0x72: {  	v14 =	vbroadcast v0, $0x5;
	v13 =	vbroadcast v0, $0x4;
	v5 =	vld [tilespmem:s1+$0xFFFFFFA0];
	[tilespmem:s1+$0x20] =	vst v6  }
0x73: {  	v8 =	vmul.f32 v11, v8;
	v7 =	vmul.f32 v12, v7;
	v6 =	vld [tilespmem:s1+$0xFFFFFF90];
	[tilespmem:s1+$0x10] =	vst v9  }
0x74: {  	v2 =	vmul.f32 v14, v2;
	v3 =	vmul.f32 v13, v3;
	[tilespmem:s1+$0x0] =	vst v10  }
0x75: {  	v9 =	vbroadcast v0, $0x2;
	v10 =	vbroadcast v0, $0x3;
	[tilespmem:s1+$0xFFFFFFF0] =	vst v7  }
0x76: {  	v7 =	vbroadcast v0, $0x0;
	v0 =	vbroadcast v0, $0x1;
	[tilespmem:s1+$0xFFFFFFE0] =	vst v8  }
0x77: {  	v1 =	vmul.f32 v10, v1;
	v5 =	vmul.f32 v9, v5;
	[tilespmem:s1+$0xFFFFFFD0] =	vst v2  }
0x78: {  	v2 =	vmul.f32 v7, v4;
	v0 =	vmul.f32 v0, v6;
	[tilespmem:s1+$0xFFFFFFC0] =	vst v3  }
.Ltmp0:
0x79: {  	[tilespmem:s1+$0xFFFFFFB0] =	vst v1;
	(pc) =	sbr.rel @p0 .LBB2_2-.Ltmp0, $4  }
0x7a: {  	[tilespmem:s1+$0xFFFFFFA0] =	vst v5  }
0x7b: {  	[tilespmem:s1+$0xFFFFFF90] =	vst v0  }
0x7c: {  	s19 =	sshra.s32 s18, $0x2;
	[tilespmem:s1+$0xFFFFFF80] =	vst v2  }
0x7d: {  	s18 =	sadd.s32 $0x40, s18;
	v0 =	vld [tilespmem:s19+$0xBA80]  }
0x7e: {  	v1 =	vld [tilespmem:s19+$0xB800];
	_ =	sdelay $0x4  }
0x7f: {  	v0 =	vadd.f32 v0, v1;
	_ =	sdelay $0x1  }
0x80: {  	v0 =	vadd.f32 $1.000000000e+00, v0;
	_ =	sdelay $0x1  }
0x81: {  	v36 =	vshrl.u32 v0, $0x1;
	v0 =	vmul.f32 $5.000000000e-01, v0  }
0x82: {  	v1 =	vsub.s32 $0x5F3759DF, v36  }
0x83: {  	v2 =	vmul.f32 v1, v0;
	_ =	sdelay $0x1  }
0x84: {  	v2 =	vmul.f32 v1, v2;
	_ =	sdelay $0x1  }
0x85: {  	v2 =	vsub.f32 $1.500000000e+00, v2;
	_ =	sdelay $0x1  }
0x86: {  	v1 =	vmul.f32 v1, v2;
	_ =	sdelay $0x1  }
0x87: {  	v2 =	vmul.f32 v1, v0;
	_ =	sdelay $0x1  }
0x88: {  	v2 =	vmul.f32 v2, v1;
	_ =	sdelay $0x1  }
0x89: {  	v2 =	vsub.f32 $1.500000000e+00, v2;
	_ =	sdelay $0x1  }
0x8a: {  	v1 =	vmul.f32 v2, v1;
	_ =	sdelay $0x1  }
0x8b: {  	v0 =	vmul.f32 v1, v0;
	_ =	sdelay $0x1  }
0x8c: {  	v0 =	vmul.f32 v0, v1;
	_ =	sdelay $0x1  }
0x8d: {  	v0 =	vsub.f32 $1.500000000e+00, v0  }
0x8e: {  	s1 =	sadd.s32 $0x100, s1  }
0x8f: {  	v37 =	vld [tilespmem:s1+$0x70];
	v0 =	vmul.f32 v0, v1  }
0x90: {  	v3 =	vld [tilespmem:s1+$0x60]  }
0x91: {  	v38 =	vld [tilespmem:s1+$0x50];
	v5 =	vbroadcast v0, $0xF  }
0x92: {  	v4 =	vld [tilespmem:s1+$0x40];
	v7 =	vbroadcast v0, $0xE;
	v9 =	vbroadcast v0, $0xD  }
0x93: {  	v6 =	vld [tilespmem:s1+$0x30];
	v10 =	vbroadcast v0, $0xC;
	v41 =	vbroadcast v0, $0xB  }
0x94: {  	v8 =	vld [tilespmem:s1+$0x20];
	v43 =	vbroadcast v0, $0xA;
	v2 =	vmul.f32 v37, v5  }
0x95: {  	v39 =	vld [tilespmem:s1+$0x10];
	v11 =	vbroadcast v0, $0x9;
	v3 =	vmul.f32 v3, v7  }
0x96: {  	v40 =	vld [tilespmem:s1+$0x0];
	v46 =	vbroadcast v0, $0x8;
	v1 =	vmul.f32 v38, v9;
	[tilespmem:s1+$0x70] =	vst v2  }
0x97: {  	v47 =	vld [tilespmem:s1+$0xFFFFFFC0];
	v48 =	vbroadcast v0, $0x7;
	v4 =	vmul.f32 v4, v10;
	[tilespmem:s1+$0x60] =	vst v3  }
0x98: {  	v50 =	vld [tilespmem:s1+$0xFFFFFFB0];
	v51 =	vbroadcast v0, $0x6;
	v6 =	vmul.f32 v6, v41;
	[tilespmem:s1+$0x50] =	vst v1  }
0x99: {  	v52 =	vld [tilespmem:s1+$0xFFFFFFA0];
	v53 =	vbroadcast v0, $0x5;
	v8 =	vmul.f32 v8, v43;
	[tilespmem:s1+$0x40] =	vst v4  }
0x9a: {  	v55 =	vld [tilespmem:s1+$0xFFFFFF90];
	v54 =	vbroadcast v0, $0x4;
	v5 =	vmul.f32 v11, v39;
	[tilespmem:s1+$0x30] =	vst v6  }
0x9b: {  	v56 =	vld [tilespmem:s1+$0xFFFFFF80];
	v57 =	vbroadcast v0, $0x3;
	v49 =	vmul.f32 v46, v40;
	[tilespmem:s1+$0x20] =	vst v8  }
0x9c: {  	v42 =	vld [tilespmem:s1+$0xFFFFFFF0];
	v59 =	vbroadcast v0, $0x2;
	v58 =	vmul.f32 v54, v47;
	[tilespmem:s1+$0x10] =	vst v5  }
0x9d: {  	v44 =	vld [tilespmem:s1+$0xFFFFFFE0];
	v60 =	vbroadcast v0, $0x1;
	v61 =	vmul.f32 v57, v50;
	[tilespmem:s1+$0x0] =	vst v49  }
0x9e: {  	v45 =	vld [tilespmem:s1+$0xFFFFFFD0];
	v0 =	vbroadcast v0, $0x0;
	v62 =	vmul.f32 v59, v52;
	[tilespmem:s1+$0xFFFFFFC0] =	vst v58  }
0x9f: {  	v63 =	vmul.f32 v60, v55;
	[tilespmem:s1+$0xFFFFFFB0] =	vst v61  }
0xa0: {  	v0 =	vmul.f32 v0, v56;
	[tilespmem:s1+$0xFFFFFFA0] =	vst v62  }
0xa1: {  	v2 =	vmul.f32 v48, v42;
	[tilespmem:s1+$0xFFFFFF90] =	vst v63  }
0xa2: {  	v3 =	vmul.f32 v51, v44;
	[tilespmem:s1+$0xFFFFFF80] =	vst v0  }
0xa3: {  	v1 =	vmul.f32 v53, v45;
	[tilespmem:s1+$0xFFFFFFF0] =	vst v2  }
0xa4: {  	[tilespmem:s1+$0xFFFFFFE0] =	vst v3  }
0xa5: {  	[tilespmem:s1+$0xFFFFFFD0] =	vst v1  }
0xa6: {  	[spmem:s12] =	stream.linear.scatter [tilespmem:s17], [sflag:$0x3], $0x2800, $0x38;
	[tilespmem:$0x10D00] =	vst v63  }
0xa7: {  	_ =	swait.ge [sflag:s16], $0x2800  }
0xa8: {  	[sflag:s16] =	ssyncset.done $0x0  }
0xa9: {  	[sflag:s16] =	ssyncadd.s32 $0xFFFFD800  }
0xaa: {  	s20 =	simm.s32 $0x0;
	[bflag:$0x0] =	sbarrier.arrive $0xFFFF  }
0xab: {  	[tilespmem:s22], [sflag:$0x1] =	stream.indirect.gather [spmem:s4], $0x10, s20, s21, $0xb8;
	[tilespmem:$0x10D00] =	vst v63  }
0xac: {  	s18 =	simm.s32 $0x80  }
0xad: {  	[tilespmem:s23], [sflag:$0x1] =	stream.indirect.gather [spmem:s4], $0x10, s18, s21, $0xb8;
	[tilespmem:$0x10D00] =	vst v63  }
0xae: {  	s19 =	simm.s32 $0x100  }
0xaf: {  	[tilespmem:s24], [sflag:$0x1] =	stream.indirect.gather [spmem:s4], $0x10, s19, s21, $0xb8;
	[tilespmem:$0x10D00] =	vst v63  }
0xb0: {  	s20 =	simm.s32 $0x180  }
0xb1: {  	[tilespmem:s25], [sflag:$0x1] =	stream.indirect.gather [spmem:s4], $0x10, s20, s21, $0xb8;
	[tilespmem:$0x10D00] =	vst v63  }
0xb2: {  	s18 =	simm.s32 $0x200  }
0xb3: {  	[tilespmem:s26], [sflag:$0x1] =	stream.indirect.gather [spmem:s4], $0x10, s18, s21, $0xb8;
	[tilespmem:$0x10D00] =	vst v63  }
0xb4: {  	s19 =	simm.s32 $0x280  }
0xb5: {  	[tilespmem:s28], [sflag:$0x1] =	stream.indirect.gather [spmem:s4], $0x10, s19, s21, $0xb8;
	[tilespmem:$0x10D00] =	vst v63  }
0xb6: {  	s20 =	simm.s32 $0x300  }
0xb7: {  	[tilespmem:s29], [sflag:$0x1] =	stream.indirect.gather [spmem:s4], $0x10, s20, s21, $0xb8;
	[tilespmem:$0x10D00] =	vst v63  }
0xb8: {  	s18 =	simm.s32 $0x380  }
0xb9: {  	[tilespmem:s30], [sflag:$0x1] =	stream.indirect.gather [spmem:s4], $0x10, s18, s21, $0xb8;
	[tilespmem:$0x10D00] =	vst v63  }
0xba: {  	_ =	swait.ge [sflag:s31], $0x800  }
0xbb: {  	[sflag:s31] =	ssyncset.done $0x0  }
0xbc: {  	[sflag:s31] =	ssyncadd.s32 $0xFFFFF800  }
0xbd: {  	_ =	swait.ge [sflag:s31], $0x800  }
0xbe: {  	[sflag:s31] =	ssyncset.done $0x0  }
0xbf: {  	[sflag:s31] =	ssyncadd.s32 $0xFFFFF800  }
0xc0: {  	_ =	swait.ge [sflag:s31], $0x800  }
0xc1: {  	[sflag:s31] =	ssyncset.done $0x0  }
0xc2: {  	[sflag:s31] =	ssyncadd.s32 $0xFFFFF800  }
0xc3: {  	_ =	swait.ge [sflag:s31], $0x800  }
0xc4: {  	[sflag:s31] =	ssyncset.done $0x0  }
0xc5: {  	[sflag:s31] =	ssyncadd.s32 $0xFFFFF800  }
0xc6: {  	_ =	swait.ge [sflag:s31], $0x800  }
0xc7: {  	[sflag:s31] =	ssyncset.done $0x0  }
0xc8: {  	[sflag:s31] =	ssyncadd.s32 $0xFFFFF800  }
0xc9: {  	_ =	swait.ge [sflag:s31], $0x800  }
0xca: {  	[sflag:s31] =	ssyncset.done $0x0  }
0xcb: {  	[sflag:s31] =	ssyncadd.s32 $0xFFFFF800  }
0xcc: {  	_ =	swait.ge [sflag:s31], $0x800  }
0xcd: {  	[sflag:s31] =	ssyncset.done $0x0  }
0xce: {  	[sflag:s31] =	ssyncadd.s32 $0xFFFFF800  }
0xcf: {  	_ =	swait.ge [sflag:s31], $0x800  }
0xd0: {  	[sflag:s31] =	ssyncset.done $0x0  }
0xd1: {  	s19 =	simm.s32 $0x2800;
	[sflag:s31] =	ssyncadd.s32 $0xFFFFF800  }
0xd2: {  	[spmem:s3] =	stream.indirect.scatter.add.f32 [tilespmem:s22], [sflag:$0x2], $0x10, s19, s21, $0xb8;
	[tilespmem:$0x10D00] =	vst v63  }
0xd3: {  	s20 =	simm.s32 $0x2880  }
0xd4: {  	[spmem:s3] =	stream.indirect.scatter.add.f32 [tilespmem:s23], [sflag:$0x2], $0x10, s20, s21, $0xb8;
	[tilespmem:$0x10D00] =	vst v63  }
0xd5: {  	s18 =	simm.s32 $0x2900  }
0xd6: {  	[spmem:s3] =	stream.indirect.scatter.add.f32 [tilespmem:s24], [sflag:$0x2], $0x10, s18, s21, $0xb8;
	[tilespmem:$0x10D00] =	vst v63  }
0xd7: {  	s19 =	simm.s32 $0x2980  }
0xd8: {  	[spmem:s3] =	stream.indirect.scatter.add.f32 [tilespmem:s25], [sflag:$0x2], $0x10, s19, s21, $0xb8;
	[tilespmem:$0x10D00] =	vst v63  }
0xd9: {  	s20 =	simm.s32 $0x2A00  }
0xda: {  	[spmem:s3] =	stream.indirect.scatter.add.f32 [tilespmem:s26], [sflag:$0x2], $0x10, s20, s21, $0xb8;
	[tilespmem:$0x10D00] =	vst v63  }
0xdb: {  	s18 =	simm.s32 $0x2A80  }
0xdc: {  	[spmem:s3] =	stream.indirect.scatter.add.f32 [tilespmem:s28], [sflag:$0x2], $0x10, s18, s21, $0xb8;
	[tilespmem:$0x10D00] =	vst v63  }
0xdd: {  	s19 =	simm.s32 $0x2B00  }
0xde: {  	[spmem:s3] =	stream.indirect.scatter.add.f32 [tilespmem:s29], [sflag:$0x2], $0x10, s19, s21, $0xb8;
	[tilespmem:$0x10D00] =	vst v63  }
0xdf: {  	s20 =	simm.s32 $0x2B80  }
0xe0: {  	[spmem:s3] =	stream.indirect.scatter.add.f32 [tilespmem:s30], [sflag:$0x2], $0x10, s20, s21, $0xb8;
	[tilespmem:$0x10D00] =	vst v63  }
0xe1: {  	_ =	swait.ge [sflag:s2], $0x800  }
0xe2: {  	[sflag:s2] =	ssyncset.done $0x0  }
0xe3: {  	[sflag:s2] =	ssyncadd.s32 $0xFFFFF800  }
0xe4: {  	_ =	swait.ge [sflag:s2], $0x800  }
0xe5: {  	[sflag:s2] =	ssyncset.done $0x0  }
0xe6: {  	[sflag:s2] =	ssyncadd.s32 $0xFFFFF800  }
0xe7: {  	_ =	swait.ge [sflag:s2], $0x800  }
0xe8: {  	[sflag:s2] =	ssyncset.done $0x0  }
0xe9: {  	[sflag:s2] =	ssyncadd.s32 $0xFFFFF800  }
0xea: {  	_ =	swait.ge [sflag:s2], $0x800  }
0xeb: {  	[sflag:s2] =	ssyncset.done $0x0  }
0xec: {  	[sflag:s2] =	ssyncadd.s32 $0xFFFFF800  }
0xed: {  	_ =	swait.ge [sflag:s2], $0x800  }
0xee: {  	[sflag:s2] =	ssyncset.done $0x0  }
0xef: {  	[sflag:s2] =	ssyncadd.s32 $0xFFFFF800  }
0xf0: {  	_ =	swait.ge [sflag:s2], $0x800  }
0xf1: {  	[sflag:s2] =	ssyncset.done $0x0  }
0xf2: {  	[sflag:s2] =	ssyncadd.s32 $0xFFFFF800  }
0xf3: {  	_ =	swait.ge [sflag:s2], $0x800  }
0xf4: {  	[sflag:s2] =	ssyncset.done $0x0  }
0xf5: {  	[sflag:s2] =	ssyncadd.s32 $0xFFFFF800  }
0xf6: {  	_ =	swait.ge [sflag:s2], $0x800  }
0xf7: {  	s1 =	simm.s32 $0x1000;
	s18 =	simm.s32 $0x2000;
	[sflag:s2] =	ssyncset.done $0x0  }
.LBB2_4:
0xf8: {  	s19 =	sshra.s32 s1, $0x2  }
0xf9: {  	[sflag:s2] =	ssyncadd.s32 $0xFFFFF800;
	s1 =	smov.u32 s18;
	s20 =	sadd.s32 $0x1000, s18  }
0xfa: {  	[tilespmem:s22], [sflag:$0x1] =	stream.indirect.gather [spmem:s4], $0x10, s19, s21, $0xb8;
	[tilespmem:$0x10D00] =	vst v63  }
0xfb: {  	p0 =	sne.s32 s18, $0x9000;
	s18 =	sadd.s32 $0x80, s19  }
0xfc: {  	[tilespmem:s23], [sflag:$0x1] =	stream.indirect.gather [spmem:s4], $0x10, s18, s21, $0xb8;
	[tilespmem:$0x10D00] =	vst v63  }
0xfd: {  	s18 =	sadd.s32 $0x100, s19  }
0xfe: {  	[tilespmem:s24], [sflag:$0x1] =	stream.indirect.gather [spmem:s4], $0x10, s18, s21, $0xb8;
	[tilespmem:$0x10D00] =	vst v63  }
0xff: {  	s18 =	sadd.s32 $0x180, s19  }
0x100: {  	[tilespmem:s25], [sflag:$0x1] =	stream.indirect.gather [spmem:s4], $0x10, s18, s21, $0xb8;
	[tilespmem:$0x10D00] =	vst v63  }
0x101: {  	s18 =	sadd.s32 $0x200, s19  }
0x102: {  	[tilespmem:s26], [sflag:$0x1] =	stream.indirect.gather [spmem:s4], $0x10, s18, s21, $0xb8;
	[tilespmem:$0x10D00] =	vst v63  }
0x103: {  	s18 =	sadd.s32 $0x280, s19  }
0x104: {  	[tilespmem:s28], [sflag:$0x1] =	stream.indirect.gather [spmem:s4], $0x10, s18, s21, $0xb8;
	[tilespmem:$0x10D00] =	vst v63  }
0x105: {  	s18 =	sadd.s32 $0x300, s19  }
0x106: {  	[tilespmem:s29], [sflag:$0x1] =	stream.indirect.gather [spmem:s4], $0x10, s18, s21, $0xb8;
	[tilespmem:$0x10D00] =	vst v63  }
0x107: {  	s18 =	sadd.s32 $0x380, s19  }
0x108: {  	[tilespmem:s30], [sflag:$0x1] =	stream.indirect.gather [spmem:s4], $0x10, s18, s21, $0xb8;
	[tilespmem:$0x10D00] =	vst v63  }
0x109: {  	_ =	swait.ge [sflag:s31], $0x800  }
0x10a: {  	[sflag:s31] =	ssyncset.done $0x0  }
0x10b: {  	[sflag:s31] =	ssyncadd.s32 $0xFFFFF800  }
0x10c: {  	_ =	swait.ge [sflag:s31], $0x800  }
0x10d: {  	[sflag:s31] =	ssyncset.done $0x0  }
0x10e: {  	[sflag:s31] =	ssyncadd.s32 $0xFFFFF800  }
0x10f: {  	_ =	swait.ge [sflag:s31], $0x800  }
0x110: {  	[sflag:s31] =	ssyncset.done $0x0  }
0x111: {  	[sflag:s31] =	ssyncadd.s32 $0xFFFFF800  }
0x112: {  	_ =	swait.ge [sflag:s31], $0x800  }
0x113: {  	[sflag:s31] =	ssyncset.done $0x0  }
0x114: {  	[sflag:s31] =	ssyncadd.s32 $0xFFFFF800  }
0x115: {  	_ =	swait.ge [sflag:s31], $0x800  }
0x116: {  	[sflag:s31] =	ssyncset.done $0x0  }
0x117: {  	[sflag:s31] =	ssyncadd.s32 $0xFFFFF800  }
0x118: {  	_ =	swait.ge [sflag:s31], $0x800  }
0x119: {  	[sflag:s31] =	ssyncset.done $0x0  }
0x11a: {  	[sflag:s31] =	ssyncadd.s32 $0xFFFFF800  }
0x11b: {  	_ =	swait.ge [sflag:s31], $0x800  }
0x11c: {  	[sflag:s31] =	ssyncset.done $0x0  }
0x11d: {  	[sflag:s31] =	ssyncadd.s32 $0xFFFFF800  }
0x11e: {  	_ =	swait.ge [sflag:s31], $0x800  }
0x11f: {  	[sflag:s31] =	ssyncset.done $0x0  }
0x120: {  	s18 =	sadd.s32 $0x2800, s19;
	[sflag:s31] =	ssyncadd.s32 $0xFFFFF800  }
0x121: {  	[spmem:s3] =	stream.indirect.scatter.add.f32 [tilespmem:s22], [sflag:$0x2], $0x10, s18, s21, $0xb8;
	[tilespmem:$0x10D00] =	vst v63  }
0x122: {  	s18 =	sadd.s32 $0x2880, s19  }
0x123: {  	[spmem:s3] =	stream.indirect.scatter.add.f32 [tilespmem:s23], [sflag:$0x2], $0x10, s18, s21, $0xb8;
	[tilespmem:$0x10D00] =	vst v63  }
0x124: {  	s18 =	sadd.s32 $0x2900, s19  }
0x125: {  	[spmem:s3] =	stream.indirect.scatter.add.f32 [tilespmem:s24], [sflag:$0x2], $0x10, s18, s21, $0xb8;
	[tilespmem:$0x10D00] =	vst v63  }
0x126: {  	s18 =	sadd.s32 $0x2980, s19  }
0x127: {  	[spmem:s3] =	stream.indirect.scatter.add.f32 [tilespmem:s25], [sflag:$0x2], $0x10, s18, s21, $0xb8;
	[tilespmem:$0x10D00] =	vst v63  }
0x128: {  	s18 =	sadd.s32 $0x2A00, s19  }
0x129: {  	[spmem:s3] =	stream.indirect.scatter.add.f32 [tilespmem:s26], [sflag:$0x2], $0x10, s18, s21, $0xb8;
	[tilespmem:$0x10D00] =	vst v63  }
0x12a: {  	s18 =	sadd.s32 $0x2A80, s19  }
0x12b: {  	[spmem:s3] =	stream.indirect.scatter.add.f32 [tilespmem:s28], [sflag:$0x2], $0x10, s18, s21, $0xb8;
	[tilespmem:$0x10D00] =	vst v63  }
0x12c: {  	s18 =	sadd.s32 $0x2B00, s19  }
0x12d: {  	[spmem:s3] =	stream.indirect.scatter.add.f32 [tilespmem:s29], [sflag:$0x2], $0x10, s18, s21, $0xb8;
	[tilespmem:$0x10D00] =	vst v63  }
0x12e: {  	s18 =	sadd.s32 $0x2B80, s19  }
0x12f: {  	[spmem:s3] =	stream.indirect.scatter.add.f32 [tilespmem:s30], [sflag:$0x2], $0x10, s18, s21, $0xb8;
	[tilespmem:$0x10D00] =	vst v63  }
0x130: {  	_ =	swait.ge [sflag:s2], $0x800  }
0x131: {  	[sflag:s2] =	ssyncset.done $0x0  }
0x132: {  	[sflag:s2] =	ssyncadd.s32 $0xFFFFF800  }
0x133: {  	_ =	swait.ge [sflag:s2], $0x800  }
0x134: {  	[sflag:s2] =	ssyncset.done $0x0  }
0x135: {  	[sflag:s2] =	ssyncadd.s32 $0xFFFFF800  }
0x136: {  	_ =	swait.ge [sflag:s2], $0x800  }
0x137: {  	[sflag:s2] =	ssyncset.done $0x0  }
0x138: {  	[sflag:s2] =	ssyncadd.s32 $0xFFFFF800  }
0x139: {  	_ =	swait.ge [sflag:s2], $0x800  }
0x13a: {  	[sflag:s2] =	ssyncset.done $0x0  }
0x13b: {  	[sflag:s2] =	ssyncadd.s32 $0xFFFFF800  }
0x13c: {  	_ =	swait.ge [sflag:s2], $0x800  }
0x13d: {  	[sflag:s2] =	ssyncset.done $0x0  }
0x13e: {  	[sflag:s2] =	ssyncadd.s32 $0xFFFFF800  }
0x13f: {  	_ =	swait.ge [sflag:s2], $0x800  }
0x140: {  	[sflag:s2] =	ssyncset.done $0x0  }
0x141: {  	[sflag:s2] =	ssyncadd.s32 $0xFFFFF800  }
.Ltmp1:
0x142: {  	_ =	swait.ge [sflag:s2], $0x800;
	(pc) =	sbr.rel @p0 .LBB2_4-.Ltmp1, $4  }
0x143: {  	[sflag:s2] =	ssyncset.done $0x0  }
0x144: {  	[sflag:s2] =	ssyncadd.s32 $0xFFFFF800  }
0x145: {  	_ =	swait.ge [sflag:s2], $0x800  }
0x146: {  	s18 =	smov.u32 s20;
	[sflag:s2] =	ssyncset.done $0x0  }
0x147: {  	s1 =	sshra.s32 s1, $0x2;
	[sflag:s2] =	ssyncadd.s32 $0xFFFFF800  }
0x148: {  	[tilespmem:s22], [sflag:$0x1] =	stream.indirect.gather [spmem:s4], $0x10, s1, s21, $0xb8;
	[tilespmem:$0x10D00] =	vst v63  }
0x149: {  	s18 =	sadd.s32 $0x80, s1  }
0x14a: {  	[tilespmem:s23], [sflag:$0x1] =	stream.indirect.gather [spmem:s4], $0x10, s18, s21, $0xb8;
	[tilespmem:$0x10D00] =	vst v63  }
0x14b: {  	s20 =	sadd.s32 $0x100, s1  }
0x14c: {  	[tilespmem:s24], [sflag:$0x1] =	stream.indirect.gather [spmem:s4], $0x10, s20, s21, $0xb8;
	[tilespmem:$0x10D00] =	vst v63  }
0x14d: {  	s19 =	sadd.s32 $0x180, s1  }
0x14e: {  	[tilespmem:s25], [sflag:$0x1] =	stream.indirect.gather [spmem:s4], $0x10, s19, s21, $0xb8;
	[tilespmem:$0x10D00] =	vst v63  }
0x14f: {  	s20 =	sadd.s32 $0x200, s1  }
0x150: {  	[tilespmem:s26], [sflag:$0x1] =	stream.indirect.gather [spmem:s4], $0x10, s20, s21, $0xb8;
	[tilespmem:$0x10D00] =	vst v63  }
0x151: {  	s19 =	sadd.s32 $0x280, s1  }
0x152: {  	[tilespmem:s28], [sflag:$0x1] =	stream.indirect.gather [spmem:s4], $0x10, s19, s21, $0xb8;
	[tilespmem:$0x10D00] =	vst v63  }
0x153: {  	s20 =	sadd.s32 $0x300, s1  }
0x154: {  	[tilespmem:s29], [sflag:$0x1] =	stream.indirect.gather [spmem:s4], $0x10, s20, s21, $0xb8;
	[tilespmem:$0x10D00] =	vst v63  }
0x155: {  	s19 =	sadd.s32 $0x380, s1  }
0x156: {  	[tilespmem:s30], [sflag:$0x1] =	stream.indirect.gather [spmem:s4], $0x10, s19, s21, $0xb8;
	[tilespmem:$0x10D00] =	vst v63  }
0x157: {  	_ =	swait.ge [sflag:s31], $0x800  }
0x158: {  	[sflag:s31] =	ssyncset.done $0x0  }
0x159: {  	[sflag:s31] =	ssyncadd.s32 $0xFFFFF800  }
0x15a: {  	_ =	swait.ge [sflag:s31], $0x800  }
0x15b: {  	[sflag:s31] =	ssyncset.done $0x0  }
0x15c: {  	[sflag:s31] =	ssyncadd.s32 $0xFFFFF800  }
0x15d: {  	_ =	swait.ge [sflag:s31], $0x800  }
0x15e: {  	[sflag:s31] =	ssyncset.done $0x0  }
0x15f: {  	[sflag:s31] =	ssyncadd.s32 $0xFFFFF800  }
0x160: {  	_ =	swait.ge [sflag:s31], $0x800  }
0x161: {  	[sflag:s31] =	ssyncset.done $0x0  }
0x162: {  	[sflag:s31] =	ssyncadd.s32 $0xFFFFF800  }
0x163: {  	_ =	swait.ge [sflag:s31], $0x800  }
0x164: {  	[sflag:s31] =	ssyncset.done $0x0  }
0x165: {  	[sflag:s31] =	ssyncadd.s32 $0xFFFFF800  }
0x166: {  	_ =	swait.ge [sflag:s31], $0x800  }
0x167: {  	[sflag:s31] =	ssyncset.done $0x0  }
0x168: {  	[sflag:s31] =	ssyncadd.s32 $0xFFFFF800  }
0x169: {  	_ =	swait.ge [sflag:s31], $0x800  }
0x16a: {  	[sflag:s31] =	ssyncset.done $0x0  }
0x16b: {  	[sflag:s31] =	ssyncadd.s32 $0xFFFFF800  }
0x16c: {  	_ =	swait.ge [sflag:s31], $0x800  }
0x16d: {  	[sflag:s31] =	ssyncset.done $0x0  }
0x16e: {  	s20 =	sadd.s32 $0x2800, s1;
	[sflag:s31] =	ssyncadd.s32 $0xFFFFF800  }
0x16f: {  	[spmem:s3] =	stream.indirect.scatter.add.f32 [tilespmem:s22], [sflag:$0x2], $0x10, s20, s21, $0xb8;
	[tilespmem:$0x10D00] =	vst v63  }
0x170: {  	s19 =	sadd.s32 $0x2880, s1  }
0x171: {  	[spmem:s3] =	stream.indirect.scatter.add.f32 [tilespmem:s23], [sflag:$0x2], $0x10, s19, s21, $0xb8;
	[tilespmem:$0x10D00] =	vst v63  }
0x172: {  	s20 =	sadd.s32 $0x2900, s1  }
0x173: {  	[spmem:s3] =	stream.indirect.scatter.add.f32 [tilespmem:s24], [sflag:$0x2], $0x10, s20, s21, $0xb8;
	[tilespmem:$0x10D00] =	vst v63  }
0x174: {  	s19 =	sadd.s32 $0x2980, s1  }
0x175: {  	[spmem:s3] =	stream.indirect.scatter.add.f32 [tilespmem:s25], [sflag:$0x2], $0x10, s19, s21, $0xb8;
	[tilespmem:$0x10D00] =	vst v63  }
0x176: {  	s20 =	sadd.s32 $0x2A00, s1  }
0x177: {  	[spmem:s3] =	stream.indirect.scatter.add.f32 [tilespmem:s26], [sflag:$0x2], $0x10, s20, s21, $0xb8;
	[tilespmem:$0x10D00] =	vst v63  }
0x178: {  	s19 =	sadd.s32 $0x2A80, s1  }
0x179: {  	[spmem:s3] =	stream.indirect.scatter.add.f32 [tilespmem:s28], [sflag:$0x2], $0x10, s19, s21, $0xb8;
	[tilespmem:$0x10D00] =	vst v63  }
0x17a: {  	s20 =	sadd.s32 $0x2B00, s1  }
0x17b: {  	[spmem:s3] =	stream.indirect.scatter.add.f32 [tilespmem:s29], [sflag:$0x2], $0x10, s20, s21, $0xb8;
	[tilespmem:$0x10D00] =	vst v63  }
0x17c: {  	s1 =	sadd.s32 $0x2B80, s1  }
0x17d: {  	[spmem:s3] =	stream.indirect.scatter.add.f32 [tilespmem:s30], [sflag:$0x2], $0x10, s1, s21, $0xb8;
	[tilespmem:$0x10D00] =	vst v63  }
0x17e: {  	_ =	swait.ge [sflag:s2], $0x800  }
0x17f: {  	[sflag:s2] =	ssyncset.done $0x0  }
0x180: {  	[sflag:s2] =	ssyncadd.s32 $0xFFFFF800  }
0x181: {  	_ =	swait.ge [sflag:s2], $0x800  }
0x182: {  	[sflag:s2] =	ssyncset.done $0x0  }
0x183: {  	[sflag:s2] =	ssyncadd.s32 $0xFFFFF800  }
0x184: {  	_ =	swait.ge [sflag:s2], $0x800  }
0x185: {  	[sflag:s2] =	ssyncset.done $0x0  }
0x186: {  	[sflag:s2] =	ssyncadd.s32 $0xFFFFF800  }
0x187: {  	_ =	swait.ge [sflag:s2], $0x800  }
0x188: {  	[sflag:s2] =	ssyncset.done $0x0  }
0x189: {  	[sflag:s2] =	ssyncadd.s32 $0xFFFFF800  }
0x18a: {  	_ =	swait.ge [sflag:s2], $0x800  }
0x18b: {  	[sflag:s2] =	ssyncset.done $0x0  }
0x18c: {  	[sflag:s2] =	ssyncadd.s32 $0xFFFFF800  }
0x18d: {  	_ =	swait.ge [sflag:s2], $0x800  }
0x18e: {  	[sflag:s2] =	ssyncset.done $0x0  }
0x18f: {  	[sflag:s2] =	ssyncadd.s32 $0xFFFFF800  }
0x190: {  	_ =	swait.ge [sflag:s2], $0x800  }
0x191: {  	[sflag:s2] =	ssyncset.done $0x0  }
0x192: {  	[sflag:s2] =	ssyncadd.s32 $0xFFFFF800  }
0x193: {  	_ =	swait.ge [sflag:s2], $0x800  }
0x194: {  	s0 =	sadd.s32 $0x1, s0;
	[sflag:s2] =	ssyncset.done $0x0  }
0x195: {  	p0 =	sne.s32 s0, s14;
	[sflag:s2] =	ssyncadd.s32 $0xFFFFF800  }
.Ltmp2:
0x196: {  	[bflag:$0x0] =	sbarrier.arrive $0xFFFF;
	(pc) =	sbr.rel @p0 .LBB2_1-.Ltmp2, $4  }
0x197: {  	[hbm:s13], [sflag:s6] =	dma.local [spmem:s15], $0x500  }
0x198: {  	_ =	swait.ge [sflag:s16], $0x500  }
0x199: {  	[sflag:s16] =	ssyncset.done $0x0  }
0x19a: {  	[sflag:s16] =	ssyncadd.s32 $0xFFFFFB00  }
0x19b: {  	_ =	sfence.sel $0x180000  }
0x19c: {  	[bflag:$0x0] =	sbarrier.arrive $0xFFFF  }
0x19d: {  	_ =	strace $0x9000004A  }
0x19e: {  	s0 =	stileid.u32;
	[bflag:$0x2] =	sbarrier.arrive $0xFFFF  }
0x19f: {  	p0 =	sne.s32 s0, $0x0;
	s0 =	rddreg [dreg:$0x4]  }
0x1a0: {  	s0 =	sadd.s32 @!p0 $0x100000, s0  }
0x1a1: {  	[sflag:s0] =	ssyncadd.tile.s32 @!p0 $0x1;
	_ =	shalt  }
.Lfunc_end2:
_tile_overlayer_lowered:
.L_overlay_start_2:
0x1a2: {  	(tag) =	ssettag $0x2  }
0x1a3: {  	s0 =	rddreg [dreg:$0x0];
	s2 =	stileid.u32  }
0x1a4: {  	s1 =	rddreg [dreg:$0x1];
	p0 =	sne.s32 s2, $0x0  }
0x1a5: {  	s3 =	rddreg [dreg:$0x2];
	[bflag:$0x3] =	sbarrier.arrive $0xFFFF;
	s2 =	simm.s32 @!p0 $0x1C03  }
0x1a6: {  	[timem:s3], [sflag:s2] =	dma.local @!p0 [hbm:s0], s1  }
0x1a7: {  	s0 =	simm.s32 @!p0 $0x3  }
0x1a8: {  	_ =	swait.ge @!p0 [sflag:s0], s1  }
0x1a9: {  	s1 =	ssub.s32 @!p0 $0x0, s1;
	[sflag:s0] =	ssyncset.done @!p0 $0x0  }
0x1aa: {  	[sflag:s0] =	ssyncadd.s32 @!p0 s1  }
0x1ab: {  	[bflag:$0x3] =	sbarrier.arrive $0xFFFF  }
0x1ac: {  	_ =	shalt  }

// kernel: kernel.14.cloned.1.call-start
scs
__scs_entry_jumppad:
0x0: {  	(pc) =	sbr.rel $0x88, $3  }
0x1: {  	(tag) =	ssettag $0x0;
	lr =	simm.s32 $0x1  }
0x2: {  	[smem:$0x3F99] =	sst lr;
	_ =	strace $0xD0000000  }
0x3: {  	_ = 	snop  }
0x4: {  	_ = 	snop  }
0x5: {  	_ = 	snop  }
0x6: {  	_ = 	snop  }
0x7: {  	_ = 	snop  }
__scs_overlays_trampoline_lowered:
0x8: {  	[smem:$0x3FA8] =	sst s0  }
0x9: {  	[smem:$0x3FA9] =	sst s1  }
0xa: {  	[smem:$0x3FAA] =	sst s2  }
0xb: {  	[smem:$0x3FAB] =	sst s3  }
0xc: {  	[smem:$0x3FAC] =	sst s4  }
0xd: {  	[smem:$0x3FAD] =	sst s5  }
0xe: {  	[smem:$0x3FAE] =	sst s6  }
0xf: {  	[smem:$0x3FAF] =	sst s7  }
0x10: {  	[smem:$0x3FB0] =	sst s8  }
0x11: {  	[smem:$0x3FB1] =	sst s9;
	s0 =	simm.s32 @!p0 $0x0  }
0x12: {  	s1 =	sld [smem:$0x3F97];
	s0 =	simm.s32 @p0 $0x1  }
0x13: {  	[smem:$0x3FB2] =	sst s0;
	s0 =	simm.s32 @!p1 $0x0  }
0x14: {  	s2 =	sld [smem:$0x3F96];
	s0 =	simm.s32 @p1 $0x1  }
0x15: {  	[smem:$0x3FB3] =	sst s0;
	s0 =	simm.s32 @!p2 $0x0  }
0x16: {  	s3 =	sld [smem:$0x3FDB];
	s0 =	simm.s32 @p2 $0x1  }
0x17: {  	s4 =	simm.s32 $0x1BF5;
	[smem:$0x3FB5] =	sst s0  }
0x18: {  	s0 =	sld [smem:$0x3F98];
	_ =	swait.ge [sflag:s4], $0x0  }
0x19: {  	s7 =	sld [smem:$0x3F99]  }
0x1a: {  	s8 =	sadd.s32 $0xFFFFE003, lr  }
0x1b: {  	s9 =	sadd.s32 $0xFFFFFEF7, lr;
	s5 =	simm.s32 $0xFFFFFFFF;
	p2 =	slt.u32 s8, $0xFFFFF086  }
0x1c: {  	p1 =	slt.u32 s9, $0xF7A;
	s5 =	simm.s32 @!p2 $0x0  }
0x1d: {  	s5 =	simm.s32 @p1 $0x1;
	p0 =	seq.s32 s7, s2  }
0x1e: {  	s7 =	smul.u32 @!p0 $0xF7A, s2;
	p2 =	seq.s32 @!p0 s5, $0x0  }
0x1f: {  	s9 =	smul.u32 $0xF7A, s1;
	s8 =	simm.s32 @!p0 $0x1BF5;
	p2 =	por !p2, p0  }
0x20: {  	[sflag:s8] =	ssyncset.s32 @!p0 $0xFFFFF086;
	s6 =	sadd.s32 @!p0 s3, s7;
	s7 =	simm.s32 @!p0 $0x108  }
0x21: {  	s3 =	sadd.s32 s3, s9;
	s6 =	sadd.s32 @!p0 $0x88, s6;
	s7 =	simm.s32 @p2 $0x1082  }
0x22: {  	[simem:s7], [sflag:s8] =	dma.local @!p0 [hbm:s6], $0xF7A  }
0x23: {  	s9 =	sor.u32 $0xD0000000, s2;
	s6 =	simm.s32 $0x108;
	_ =	swait.ge @!p0 [sflag:s8], $0x0  }
0x24: {  	s3 =	sadd.s32 $0x88, s3;
	s6 =	simm.s32 @!p1 $0x1082;
	[sflag:s4] =	ssyncset.s32 $0xFFFFF086  }
0x25: {  	[simem:s6], [sflag:s4] =	dma.local [hbm:s3], $0xF7A  }
0x26: {  	[smem:$0x3F99] =	sst s1;
	(tag) =	ssettag s2;
	_ =	strace s9  }
0x27: {  	s1 =	sld [smem:$0x3FA9]  }
0x28: {  	s2 =	sld [smem:$0x3FAA]  }
0x29: {  	s4 =	sld [smem:$0x3FAC]  }
0x2a: {  	p0 =	seq.s32 s5, $0x0;
	s5 =	sld [smem:$0x3FAD]  }
0x2b: {  	s6 =	sld [smem:$0x3FAE]  }
0x2c: {  	s7 =	sld [smem:$0x3FAF]  }
0x2d: {  	s3 =	simm.s32 $0x108;
	s8 =	sld [smem:$0x3FB0]  }
0x2e: {  	s3 =	simm.s32 @!p0 $0x1082;
	s9 =	sld [smem:$0x3FB1]  }
0x2f: {  	lr =	sadd.s32 s0, s3;
	s0 =	sld [smem:$0x3FA8]  }
0x30: {  	s3 =	sld [smem:$0x3FAB]  }
0x31: {  	[smem:$0x3FB4] =	sst s10  }
0x32: {  	s10 =	sld [smem:$0x3FB2];
	_ =	sdelay $0x3  }
0x33: {  	p0 =	seq.s32 s10, $0x1;
	s10 =	sld [smem:$0x3FB4];
	_ =	sdelay $0x3  }
0x34: {  	[smem:$0x3FB4] =	sst s10  }
0x35: {  	s10 =	sld [smem:$0x3FB3];
	_ =	sdelay $0x3  }
0x36: {  	p1 =	seq.s32 s10, $0x1;
	s10 =	sld [smem:$0x3FB4];
	_ =	sdelay $0x3  }
0x37: {  	[smem:$0x3FB4] =	sst s10  }
0x38: {  	s10 =	sld [smem:$0x3FB5]  }
0x39: {  	_ = 	snop;
	(pc) =	sbr.ind lr, $3  }
0x3a: {  	_ = 	snop  }
0x3b: {  	_ = 	snop  }
0x3c: {  	p2 =	seq.s32 s10, $0x1;
	s10 =	sld [smem:$0x3FB4]  }
0x3d: {  	_ =	shalt  }
0x3e: {  	_ =	shalt  }
0x3f: {  	_ =	shalt  }
0x40: {  	_ =	shalt  }
0x41: {  	_ =	shalt  }
0x42: {  	_ =	shalt  }
0x43: {  	_ =	shalt  }
0x44: {  	_ =	shalt  }
0x45: {  	_ =	shalt  }
0x46: {  	_ =	shalt  }
0x47: {  	_ =	shalt  }
0x48: {  	_ =	shalt  }
0x49: {  	_ =	shalt  }
0x4a: {  	_ =	shalt  }
0x4b: {  	_ =	shalt  }
0x4c: {  	_ =	shalt  }
0x4d: {  	_ =	shalt  }
0x4e: {  	_ =	shalt  }
0x4f: {  	_ =	shalt  }
0x50: {  	_ =	shalt  }
0x51: {  	_ =	shalt  }
0x52: {  	_ =	shalt  }
0x53: {  	_ =	shalt  }
0x54: {  	_ =	shalt  }
0x55: {  	_ =	shalt  }
0x56: {  	_ =	shalt  }
0x57: {  	_ =	shalt  }
0x58: {  	_ =	shalt  }
0x59: {  	_ =	shalt  }
0x5a: {  	_ =	shalt  }
0x5b: {  	_ =	shalt  }
0x5c: {  	_ =	shalt  }
0x5d: {  	_ =	shalt  }
0x5e: {  	_ =	shalt  }
0x5f: {  	_ =	shalt  }
0x60: {  	_ =	shalt  }
0x61: {  	_ =	shalt  }
0x62: {  	_ =	shalt  }
0x63: {  	_ =	shalt  }
0x64: {  	_ =	shalt  }
0x65: {  	_ =	shalt  }
0x66: {  	_ =	shalt  }
0x67: {  	_ =	shalt  }
0x68: {  	_ =	shalt  }
0x69: {  	_ =	shalt  }
0x6a: {  	_ =	shalt  }
0x6b: {  	_ =	shalt  }
0x6c: {  	_ =	shalt  }
0x6d: {  	_ =	shalt  }
0x6e: {  	_ =	shalt  }
0x6f: {  	_ =	shalt  }
0x70: {  	_ =	shalt  }
0x71: {  	_ =	shalt  }
0x72: {  	_ =	shalt  }
0x73: {  	_ =	shalt  }
0x74: {  	_ =	shalt  }
0x75: {  	_ =	shalt  }
0x76: {  	_ =	shalt  }
0x77: {  	_ =	shalt  }
0x78: {  	_ =	shalt  }
0x79: {  	_ =	shalt  }
0x7a: {  	_ =	shalt  }
0x7b: {  	_ =	shalt  }
0x7c: {  	_ =	shalt  }
0x7d: {  	_ =	shalt  }
0x7e: {  	_ =	shalt  }
0x7f: {  	_ =	shalt  }
0x80: {  	_ =	shalt  }
0x81: {  	_ =	shalt  }
0x82: {  	_ =	shalt  }
0x83: {  	_ =	shalt  }
0x84: {  	_ =	shalt  }
0x85: {  	_ =	shalt  }
0x86: {  	_ =	shalt  }
0x87: {  	_ =	shalt  }
.Lfunc_end0:
.L_simem_size_0:
called_computation.2_lowered:
.L_overlay_start_0:
0x88: {  	s2 =	sld [smem:$0x3FD9]  }
0x89: {  	s3 =	sld [smem:$0x3FFE];
	_ =	sdelay $0x1  }
0x8a: {  	s1 =	srdreg.scid  }
0x8b: {  	s0 =	sand.u32 $0x1, s1  }
0x8c: {  	s17 =	sshll.u32 s0, $0xA;
	s2 =	sadd.s32 s3, s2  }
0x8d: {  	s2 =	sadd.s32 s2, s17  }
0x8e: {  	[smem:$0x3FC0] =	sst s2  }
0x8f: {  	_ = 	snop  }
0x90: {  	s2 =	sld [smem:$0x3FD0];
	(tm) =	ssettm $0x1  }
0x91: {  	s18 =	sld [smem:$0x3FFB];
	_ =	sdelay $0x3  }
0x92: {  	_ =	strace s18  }
0x93: {  	s3 =	sld [smem:$0x3FFC];
	_ =	sdelay $0x3  }
0x94: {  	_ =	strace s3  }
0x95: {  	s3 =	sld [smem:$0x3FFD];
	_ =	sdelay $0x3  }
0x96: {  	_ =	strace s3  }
0x97: {  	_ =	strace $0x8FFFFFFF  }
0x98: {  	s19 =	sld [smem:$0x3FDB];
	_ =	sdelay $0x1  }
0x99: {  	s4 =	simm.s32 $_scs_section_size  }
0x9a: {  	s5 =	simm.s32 $_size__tile_overlayer_lowered;
	s6 =	simm.s32 $_tile_overlayer_lowered  }
0x9b: {  	s22 =	simm.s32 $0x1BFF;
	s21 =	sshll.u32 s6, $0x1;
	s3 =	sadd.s32 s4, s19  }
0x9c: {  	s7 =	simm.s32 $0x0;
	s20 =	sshll.u32 s5, $0x1;
	s5 =	sadd.s32 s21, s3  }
0x9d: {  	[timem:s7], [sflag:s22] =	dma.local [hbm:s5], s20  }
0x9e: {  	_ =	swait.ge [sflag:s22], s20  }
0x9f: {  	s4 =	ssub.s32 $0x0, s20;
	[sflag:s22] =	ssyncset.done $0x0  }
0xa0: {  	[sflag:s22] =	ssyncadd.s32 s4;
	_ =	sdelay $0x1  }
0xa1: {  	s23 =	simm.s32 $0x1B8B  }
0xa2: {  	_ =	swait.ge [sflag:s23], $0x1  }
0xa3: {  	[sflag:s23] =	ssyncset.done $0x0  }
0xa4: {  	s25 =	simm.s32 $0x1B8E;
	s24 =	sld [smem:$0x3FFE];
	[sflag:s23] =	ssyncadd.s32 $0xFFFFFFFF  }
0xa5: {  	s26 =	simm.s32 $execute0_lowered;
	[smem:$0x3FD2] =	sst s25  }
0xa6: {  	s5 =	sshll.u32 s26, $0x1;
	_ =	strace $0x8000004C;
	[dreg:$0x1] =	wrdreg $0xFFFFFFFF  }
0xa7: {  	s28 =	simm.s32 $_size_execute0_lowered;
	s3 =	sadd.s32 s3, s5;
	[dreg:$0x0] =	wrdreg $0x0  }
0xa8: {  	s5 =	sshll.u32 s28, $0x1;
	[dreg:$0x2] =	wrdreg s3  }
0xa9: {  	[dreg:$0x3] =	wrdreg s5  }
0xaa: {  	[dreg:$0x4] =	wrdreg $0xC0  }
0xab: {  	_ =	task [dreg:s7], $0x5FFFF  }
0xac: {  	[dreg:$0x1] =	wrdreg $0xFFFFFFFF  }
0xad: {  	[dreg:$0x0] =	wrdreg $0x60  }
0xae: {  	[dreg:$0x2] =	wrdreg s24  }
0xaf: {  	[dreg:$0x3] =	wrdreg s2  }
0xb0: {  	[dreg:$0x4] =	wrdreg $0xB8000  }
0xb1: {  	[dreg:$0x5] =	wrdreg $0x90000  }
0xb2: {  	[dreg:$0x6] =	wrdreg $0x9  }
0xb3: {  	_ =	task.clear_ibuf [dreg:s7], $0x7FFFF;
	_ =	strace $0x9000004C  }
0xb4: {  	s29 =	simm.s32 $0x9;
	_ =	strace $0x8000004E  }
0xb5: {  	_ =	swait.ge [sflag:s29], $0x1  }
0xb6: {  	[sflag:s29] =	ssyncadd.s32 $0xFFFFFFFF  }
0xb7: {  	_ =	strace $0x9000004E  }
0xb8: {  	_ =	sfence  }
0xb9: {  	s30 =	sld [smem:$0x0];
	_ =	sdelay $0x2  }
0xba: {  	s31 =	sshll.u32 s1, $0xD;
	s1 =	sshrl.u32 s1, $0x2  }
0xbb: {  	s3 =	sand.u32 $0x4000, s31;
	s1 =	sadd.s32 s1, s30  }
0xbc: {  	s0 =	sor.u32 s3, s0;
	s1 =	sshll.u32 s1, $0x11  }
0xbd: {  	s0 =	sor.u32 s1, s0  }
0xbe: {  	s0 =	sadd.s32 $0x8F2B, s0  }
0xbf: {  	[sflag:s0] =	ssyncadd.remote.s32 $0x1  }
0xc0: {  	_ =	sfence.sel $0xFFFF  }
0xc1: {  	[dreg:$0x0] =	wrdreg $0xFFFFFFFF;
	(pc) =	sbr.abs _section_cstart, $3  }
0xc2: {  	[dreg:$0x1] =	wrdreg $0xFFFFFFFF  }
0xc3: {  	_ =	task.clear_ibuf [dreg:s7], $0x2FFFF;
	_ =	strace $0x9FFFFFFF  }
0xc4: {  	(tm) =	ssettm $0x7FFFFFFF  }
0xc5: {  	_ =	shalt  }
tec
execute0_lowered:
.L_overlay_start_1:
0x0: {  	(tag) =	ssettag $0x1  }
0x1: {  	s2 =	rddreg [dreg:$0x0]  }
0x2: {  	s1 =	rddreg [dreg:$0x1]  }
0x3: {  	s0 =	srdreg.scid;
	s3 =	rddreg [dreg:$0x2]  }
0x4: {  	s13 =	simm.s32 $0x3;
	s15 =	simm.s32 $0x2800;
	s16 =	simm.s32 $0x80  }
0x5: {  	s17 =	simm.s32 $0x5000;
	s18 =	simm.s32 $0x5800;
	s19 =	simm.s32 $0x6000  }
0x6: {  	s20 =	simm.s32 $0x6800;
	s21 =	simm.s32 $0x7000;
	s22 =	simm.s32 $0x7800  }
0x7: {  	s23 =	simm.s32 $0x8000;
	s24 =	simm.s32 $0x8800;
	s25 =	simm.s32 $0x1  }
0x8: {  	s26 =	simm.s32 $0x2;
	s6 =	sand.u32 $0x1, s0;
	s0 =	stileid.u32  }
0x9: {  	s28 =	simm.s32 $0x0;
	s4 =	sshll.u32 s6, $0x4;
	s8 =	smul.u32 $0x2800, s0  }
0xa: {  	s9 =	smul.u32 $0x28000, s6;
	s6 =	ssub.s32 $0x2, s6;
	s31 =	sshll.u32 s0, $0x6  }
0xb: {  	s5 =	sor.u32 s0, s4;
	s4 =	rddreg [dreg:$0x3];
	s11 =	sshrl.u32 s6, $0x1  }
0xc: {  	s7 =	smul.u32 $0x500, s5;
	s5 =	simm.s32 $0x0;
	s30 =	sshrl.u32 s8, $0x3  }
0xd: {  	s9 =	sadd.s32 s8, s9;
	s11 =	ssub.s32 s6, s11;
	s12 =	sadd.s32 s8, s3  }
0xe: {  	s6 =	sor.u32 $0x1C03, s31;
	s14 =	sadd.s32 s8, s4;
	[smem:$0x7FF] =	sst s5  }
0xf: {  	s9 =	sshrl.u32 s9, $0x3;
	s11 =	smax.u32 s11, $0x1;
	s12 =	sshrl.u32 s12, $0x3  }
0x10: {  	s14 =	sshrl.u32 s14, $0x3;
	s10 =	sadd.s32 s7, s2;
	s7 =	sadd.s32 s30, s2  }
0x11: {  	_ =	strace $0x8000004D;
	s2 =	sadd.s32 s9, s2;
	s7 =	sadd.s32 $0x15C00, s7  }
0x12: {  	s8 =	sadd.s32 $0xBC00, s10;
	s9 =	sadd.s32 $0x1C00, s10;
	s10 =	sadd.s32 $0x1AC00, s2  }
.LBB2_1:
0x13: {  	[spmem:s12], [sflag:s6] =	dma.local [hbm:s1], $0x500  }
0x14: {  	_ =	swait.ge [sflag:s13], $0x500  }
0x15: {  	[sflag:s13] =	ssyncset.done $0x0  }
0x16: {  	[sflag:s13] =	ssyncadd.s32 $0xFFFFFB00  }
0x17: {  	[spmem:s14], [sflag:s6] =	dma.local [hbm:s7], $0x500  }
0x18: {  	_ =	swait.ge [sflag:s13], $0x500  }
0x19: {  	[sflag:s13] =	ssyncset.done $0x0  }
0x1a: {  	[sflag:s13] =	ssyncadd.s32 $0xFFFFFB00  }
0x1b: {  	[tilespmem:s5], [sflag:$0x3] =	stream.linear.gather [hbm4b:s8+s5], $0x2800, $0x38;
	[tilespmem:$0xE000] =	vst v63  }
0x1c: {  	_ =	swait.ge [sflag:s13], $0x2800  }
0x1d: {  	[sflag:s13] =	ssyncset.done $0x0  }
0x1e: {  	[sflag:s13] =	ssyncadd.s32 $0xFFFFD800  }
0x1f: {  	[tilespmem:s15], [sflag:$0x3] =	stream.linear.gather [hbm4b:s9+s5], $0x2800, $0x38;
	[tilespmem:$0xE000] =	vst v63  }
0x20: {  	_ =	swait.ge [sflag:s13], $0x2800  }
0x21: {  	[sflag:s13] =	ssyncset.done $0x0  }
0x22: {  	[sflag:s13] =	ssyncadd.s32 $0xFFFFD800  }
0x23: {  	s2 =	simm.s32 $0x0;
	[bflag:$0x0] =	sbarrier.arrive $0xFFFF  }
0x24: {  	[tilespmem:s17], [sflag:$0x1] =	stream.indirect.gather [spmem:s4], $0x10, s2, s16, $0xb8;
	[tilespmem:$0xE000] =	vst v63  }
0x25: {  	s31 =	simm.s32 $0x80  }
0x26: {  	[tilespmem:s18], [sflag:$0x1] =	stream.indirect.gather [spmem:s4], $0x10, s31, s16, $0xb8;
	[tilespmem:$0xE000] =	vst v63  }
0x27: {  	s31 =	simm.s32 $0x100  }
0x28: {  	[tilespmem:s19], [sflag:$0x1] =	stream.indirect.gather [spmem:s4], $0x10, s31, s16, $0xb8;
	[tilespmem:$0xE000] =	vst v63  }
0x29: {  	s31 =	simm.s32 $0x180  }
0x2a: {  	[tilespmem:s20], [sflag:$0x1] =	stream.indirect.gather [spmem:s4], $0x10, s31, s16, $0xb8;
	[tilespmem:$0xE000] =	vst v63  }
0x2b: {  	s31 =	simm.s32 $0x200  }
0x2c: {  	[tilespmem:s21], [sflag:$0x1] =	stream.indirect.gather [spmem:s4], $0x10, s31, s16, $0xb8;
	[tilespmem:$0xE000] =	vst v63  }
0x2d: {  	s31 =	simm.s32 $0x280  }
0x2e: {  	[tilespmem:s22], [sflag:$0x1] =	stream.indirect.gather [spmem:s4], $0x10, s31, s16, $0xb8;
	[tilespmem:$0xE000] =	vst v63  }
0x2f: {  	s31 =	simm.s32 $0x300  }
0x30: {  	[tilespmem:s23], [sflag:$0x1] =	stream.indirect.gather [spmem:s4], $0x10, s31, s16, $0xb8;
	[tilespmem:$0xE000] =	vst v63  }
0x31: {  	s31 =	simm.s32 $0x380  }
0x32: {  	[tilespmem:s24], [sflag:$0x1] =	stream.indirect.gather [spmem:s4], $0x10, s31, s16, $0xb8;
	[tilespmem:$0xE000] =	vst v63  }
0x33: {  	_ =	swait.ge [sflag:s25], $0x800  }
0x34: {  	[sflag:s25] =	ssyncset.done $0x0  }
0x35: {  	[sflag:s25] =	ssyncadd.s32 $0xFFFFF800  }
0x36: {  	_ =	swait.ge [sflag:s25], $0x800  }
0x37: {  	[sflag:s25] =	ssyncset.done $0x0  }
0x38: {  	[sflag:s25] =	ssyncadd.s32 $0xFFFFF800  }
0x39: {  	_ =	swait.ge [sflag:s25], $0x800  }
0x3a: {  	[sflag:s25] =	ssyncset.done $0x0  }
0x3b: {  	[sflag:s25] =	ssyncadd.s32 $0xFFFFF800  }
0x3c: {  	_ =	swait.ge [sflag:s25], $0x800  }
0x3d: {  	[sflag:s25] =	ssyncset.done $0x0  }
0x3e: {  	[sflag:s25] =	ssyncadd.s32 $0xFFFFF800  }
0x3f: {  	_ =	swait.ge [sflag:s25], $0x800  }
0x40: {  	[sflag:s25] =	ssyncset.done $0x0  }
0x41: {  	[sflag:s25] =	ssyncadd.s32 $0xFFFFF800  }
0x42: {  	_ =	swait.ge [sflag:s25], $0x800  }
0x43: {  	[sflag:s25] =	ssyncset.done $0x0  }
0x44: {  	[sflag:s25] =	ssyncadd.s32 $0xFFFFF800  }
0x45: {  	_ =	swait.ge [sflag:s25], $0x800  }
0x46: {  	[sflag:s25] =	ssyncset.done $0x0  }
0x47: {  	[sflag:s25] =	ssyncadd.s32 $0xFFFFF800  }
0x48: {  	_ =	swait.ge [sflag:s25], $0x800  }
0x49: {  	[sflag:s25] =	ssyncset.done $0x0  }
0x4a: {  	s31 =	simm.s32 $0x2800;
	[sflag:s25] =	ssyncadd.s32 $0xFFFFF800  }
0x4b: {  	[spmem:s3] =	stream.indirect.scatter.add.f32 [tilespmem:s17], [sflag:$0x2], $0x10, s31, s16, $0xb8;
	[tilespmem:$0xE000] =	vst v63  }
0x4c: {  	s31 =	simm.s32 $0x2880  }
0x4d: {  	[spmem:s3] =	stream.indirect.scatter.add.f32 [tilespmem:s18], [sflag:$0x2], $0x10, s31, s16, $0xb8;
	[tilespmem:$0xE000] =	vst v63  }
0x4e: {  	s31 =	simm.s32 $0x2900  }
0x4f: {  	[spmem:s3] =	stream.indirect.scatter.add.f32 [tilespmem:s19], [sflag:$0x2], $0x10, s31, s16, $0xb8;
	[tilespmem:$0xE000] =	vst v63  }
0x50: {  	s31 =	simm.s32 $0x2980  }
0x51: {  	[spmem:s3] =	stream.indirect.scatter.add.f32 [tilespmem:s20], [sflag:$0x2], $0x10, s31, s16, $0xb8;
	[tilespmem:$0xE000] =	vst v63  }
0x52: {  	s31 =	simm.s32 $0x2A00  }
0x53: {  	[spmem:s3] =	stream.indirect.scatter.add.f32 [tilespmem:s21], [sflag:$0x2], $0x10, s31, s16, $0xb8;
	[tilespmem:$0xE000] =	vst v63  }
0x54: {  	s31 =	simm.s32 $0x2A80  }
0x55: {  	[spmem:s3] =	stream.indirect.scatter.add.f32 [tilespmem:s22], [sflag:$0x2], $0x10, s31, s16, $0xb8;
	[tilespmem:$0xE000] =	vst v63  }
0x56: {  	s31 =	simm.s32 $0x2B00  }
0x57: {  	[spmem:s3] =	stream.indirect.scatter.add.f32 [tilespmem:s23], [sflag:$0x2], $0x10, s31, s16, $0xb8;
	[tilespmem:$0xE000] =	vst v63  }
0x58: {  	s31 =	simm.s32 $0x2B80  }
0x59: {  	[spmem:s3] =	stream.indirect.scatter.add.f32 [tilespmem:s24], [sflag:$0x2], $0x10, s31, s16, $0xb8;
	[tilespmem:$0xE000] =	vst v63  }
0x5a: {  	_ =	swait.ge [sflag:s26], $0x800  }
0x5b: {  	[sflag:s26] =	ssyncset.done $0x0  }
0x5c: {  	[sflag:s26] =	ssyncadd.s32 $0xFFFFF800  }
0x5d: {  	_ =	swait.ge [sflag:s26], $0x800  }
0x5e: {  	[sflag:s26] =	ssyncset.done $0x0  }
0x5f: {  	[sflag:s26] =	ssyncadd.s32 $0xFFFFF800  }
0x60: {  	_ =	swait.ge [sflag:s26], $0x800  }
0x61: {  	[sflag:s26] =	ssyncset.done $0x0  }
0x62: {  	[sflag:s26] =	ssyncadd.s32 $0xFFFFF800  }
0x63: {  	_ =	swait.ge [sflag:s26], $0x800  }
0x64: {  	[sflag:s26] =	ssyncset.done $0x0  }
0x65: {  	[sflag:s26] =	ssyncadd.s32 $0xFFFFF800  }
0x66: {  	_ =	swait.ge [sflag:s26], $0x800  }
0x67: {  	[sflag:s26] =	ssyncset.done $0x0  }
0x68: {  	[sflag:s26] =	ssyncadd.s32 $0xFFFFF800  }
0x69: {  	_ =	swait.ge [sflag:s26], $0x800  }
0x6a: {  	[sflag:s26] =	ssyncset.done $0x0  }
0x6b: {  	[sflag:s26] =	ssyncadd.s32 $0xFFFFF800  }
0x6c: {  	_ =	swait.ge [sflag:s26], $0x800  }
0x6d: {  	[sflag:s26] =	ssyncset.done $0x0  }
0x6e: {  	[sflag:s26] =	ssyncadd.s32 $0xFFFFF800  }
0x6f: {  	_ =	swait.ge [sflag:s26], $0x800  }
0x70: {  	s29 =	simm.s32 $0x1000;
	s30 =	simm.s32 $0x2000;
	[sflag:s26] =	ssyncset.done $0x0  }
.LBB2_2:
0x71: {  	s31 =	sshra.s32 s29, $0x2  }
0x72: {  	[sflag:s26] =	ssyncadd.s32 $0xFFFFF800;
	s29 =	smov.u32 s30;
	s2 =	sadd.s32 $0x1000, s30  }
0x73: {  	[tilespmem:s17], [sflag:$0x1] =	stream.indirect.gather [spmem:s4], $0x10, s31, s16, $0xb8;
	[tilespmem:$0xE000] =	vst v63  }
0x74: {  	p0 =	sne.s32 s30, $0x9000;
	s30 =	sadd.s32 $0x80, s31  }
0x75: {  	[tilespmem:s18], [sflag:$0x1] =	stream.indirect.gather [spmem:s4], $0x10, s30, s16, $0xb8;
	[tilespmem:$0xE000] =	vst v63  }
0x76: {  	s30 =	sadd.s32 $0x100, s31  }
0x77: {  	[tilespmem:s19], [sflag:$0x1] =	stream.indirect.gather [spmem:s4], $0x10, s30, s16, $0xb8;
	[tilespmem:$0xE000] =	vst v63  }
0x78: {  	s30 =	sadd.s32 $0x180, s31  }
0x79: {  	[tilespmem:s20], [sflag:$0x1] =	stream.indirect.gather [spmem:s4], $0x10, s30, s16, $0xb8;
	[tilespmem:$0xE000] =	vst v63  }
0x7a: {  	s30 =	sadd.s32 $0x200, s31  }
0x7b: {  	[tilespmem:s21], [sflag:$0x1] =	stream.indirect.gather [spmem:s4], $0x10, s30, s16, $0xb8;
	[tilespmem:$0xE000] =	vst v63  }
0x7c: {  	s30 =	sadd.s32 $0x280, s31  }
0x7d: {  	[tilespmem:s22], [sflag:$0x1] =	stream.indirect.gather [spmem:s4], $0x10, s30, s16, $0xb8;
	[tilespmem:$0xE000] =	vst v63  }
0x7e: {  	s30 =	sadd.s32 $0x300, s31  }
0x7f: {  	[tilespmem:s23], [sflag:$0x1] =	stream.indirect.gather [spmem:s4], $0x10, s30, s16, $0xb8;
	[tilespmem:$0xE000] =	vst v63  }
0x80: {  	s30 =	sadd.s32 $0x380, s31  }
0x81: {  	[tilespmem:s24], [sflag:$0x1] =	stream.indirect.gather [spmem:s4], $0x10, s30, s16, $0xb8;
	[tilespmem:$0xE000] =	vst v63  }
0x82: {  	_ =	swait.ge [sflag:s25], $0x800  }
0x83: {  	[sflag:s25] =	ssyncset.done $0x0  }
0x84: {  	[sflag:s25] =	ssyncadd.s32 $0xFFFFF800  }
0x85: {  	_ =	swait.ge [sflag:s25], $0x800  }
0x86: {  	[sflag:s25] =	ssyncset.done $0x0  }
0x87: {  	[sflag:s25] =	ssyncadd.s32 $0xFFFFF800  }
0x88: {  	_ =	swait.ge [sflag:s25], $0x800  }
0x89: {  	[sflag:s25] =	ssyncset.done $0x0  }
0x8a: {  	[sflag:s25] =	ssyncadd.s32 $0xFFFFF800  }
0x8b: {  	_ =	swait.ge [sflag:s25], $0x800  }
0x8c: {  	[sflag:s25] =	ssyncset.done $0x0  }
0x8d: {  	[sflag:s25] =	ssyncadd.s32 $0xFFFFF800  }
0x8e: {  	_ =	swait.ge [sflag:s25], $0x800  }
0x8f: {  	[sflag:s25] =	ssyncset.done $0x0  }
0x90: {  	[sflag:s25] =	ssyncadd.s32 $0xFFFFF800  }
0x91: {  	_ =	swait.ge [sflag:s25], $0x800  }
0x92: {  	[sflag:s25] =	ssyncset.done $0x0  }
0x93: {  	[sflag:s25] =	ssyncadd.s32 $0xFFFFF800  }
0x94: {  	_ =	swait.ge [sflag:s25], $0x800  }
0x95: {  	[sflag:s25] =	ssyncset.done $0x0  }
0x96: {  	[sflag:s25] =	ssyncadd.s32 $0xFFFFF800  }
0x97: {  	_ =	swait.ge [sflag:s25], $0x800  }
0x98: {  	[sflag:s25] =	ssyncset.done $0x0  }
0x99: {  	s30 =	sadd.s32 $0x2800, s31;
	[sflag:s25] =	ssyncadd.s32 $0xFFFFF800  }
0x9a: {  	[spmem:s3] =	stream.indirect.scatter.add.f32 [tilespmem:s17], [sflag:$0x2], $0x10, s30, s16, $0xb8;
	[tilespmem:$0xE000] =	vst v63  }
0x9b: {  	s30 =	sadd.s32 $0x2880, s31  }
0x9c: {  	[spmem:s3] =	stream.indirect.scatter.add.f32 [tilespmem:s18], [sflag:$0x2], $0x10, s30, s16, $0xb8;
	[tilespmem:$0xE000] =	vst v63  }
0x9d: {  	s30 =	sadd.s32 $0x2900, s31  }
0x9e: {  	[spmem:s3] =	stream.indirect.scatter.add.f32 [tilespmem:s19], [sflag:$0x2], $0x10, s30, s16, $0xb8;
	[tilespmem:$0xE000] =	vst v63  }
0x9f: {  	s30 =	sadd.s32 $0x2980, s31  }
0xa0: {  	[spmem:s3] =	stream.indirect.scatter.add.f32 [tilespmem:s20], [sflag:$0x2], $0x10, s30, s16, $0xb8;
	[tilespmem:$0xE000] =	vst v63  }
0xa1: {  	s30 =	sadd.s32 $0x2A00, s31  }
0xa2: {  	[spmem:s3] =	stream.indirect.scatter.add.f32 [tilespmem:s21], [sflag:$0x2], $0x10, s30, s16, $0xb8;
	[tilespmem:$0xE000] =	vst v63  }
0xa3: {  	s30 =	sadd.s32 $0x2A80, s31  }
0xa4: {  	[spmem:s3] =	stream.indirect.scatter.add.f32 [tilespmem:s22], [sflag:$0x2], $0x10, s30, s16, $0xb8;
	[tilespmem:$0xE000] =	vst v63  }
0xa5: {  	s30 =	sadd.s32 $0x2B00, s31  }
0xa6: {  	[spmem:s3] =	stream.indirect.scatter.add.f32 [tilespmem:s23], [sflag:$0x2], $0x10, s30, s16, $0xb8;
	[tilespmem:$0xE000] =	vst v63  }
0xa7: {  	s30 =	sadd.s32 $0x2B80, s31  }
0xa8: {  	[spmem:s3] =	stream.indirect.scatter.add.f32 [tilespmem:s24], [sflag:$0x2], $0x10, s30, s16, $0xb8;
	[tilespmem:$0xE000] =	vst v63  }
0xa9: {  	_ =	swait.ge [sflag:s26], $0x800  }
0xaa: {  	[sflag:s26] =	ssyncset.done $0x0  }
0xab: {  	[sflag:s26] =	ssyncadd.s32 $0xFFFFF800  }
0xac: {  	_ =	swait.ge [sflag:s26], $0x800  }
0xad: {  	[sflag:s26] =	ssyncset.done $0x0  }
0xae: {  	[sflag:s26] =	ssyncadd.s32 $0xFFFFF800  }
0xaf: {  	_ =	swait.ge [sflag:s26], $0x800  }
0xb0: {  	[sflag:s26] =	ssyncset.done $0x0  }
0xb1: {  	[sflag:s26] =	ssyncadd.s32 $0xFFFFF800  }
0xb2: {  	_ =	swait.ge [sflag:s26], $0x800  }
0xb3: {  	[sflag:s26] =	ssyncset.done $0x0  }
0xb4: {  	[sflag:s26] =	ssyncadd.s32 $0xFFFFF800  }
0xb5: {  	_ =	swait.ge [sflag:s26], $0x800  }
0xb6: {  	[sflag:s26] =	ssyncset.done $0x0  }
0xb7: {  	[sflag:s26] =	ssyncadd.s32 $0xFFFFF800  }
0xb8: {  	_ =	swait.ge [sflag:s26], $0x800  }
0xb9: {  	[sflag:s26] =	ssyncset.done $0x0  }
0xba: {  	[sflag:s26] =	ssyncadd.s32 $0xFFFFF800  }
.Ltmp0:
0xbb: {  	_ =	swait.ge [sflag:s26], $0x800;
	(pc) =	sbr.rel @p0 .LBB2_2-.Ltmp0, $4  }
0xbc: {  	[sflag:s26] =	ssyncset.done $0x0  }
0xbd: {  	[sflag:s26] =	ssyncadd.s32 $0xFFFFF800  }
0xbe: {  	_ =	swait.ge [sflag:s26], $0x800  }
0xbf: {  	s30 =	smov.u32 s2;
	[sflag:s26] =	ssyncset.done $0x0  }
0xc0: {  	s2 =	sshra.s32 s29, $0x2;
	[sflag:s26] =	ssyncadd.s32 $0xFFFFF800  }
0xc1: {  	[tilespmem:s17], [sflag:$0x1] =	stream.indirect.gather [spmem:s4], $0x10, s2, s16, $0xb8;
	[tilespmem:$0xE000] =	vst v63  }
0xc2: {  	s29 =	sadd.s32 $0x80, s2  }
0xc3: {  	[tilespmem:s18], [sflag:$0x1] =	stream.indirect.gather [spmem:s4], $0x10, s29, s16, $0xb8;
	[tilespmem:$0xE000] =	vst v63  }
0xc4: {  	s31 =	sadd.s32 $0x100, s2  }
0xc5: {  	[tilespmem:s19], [sflag:$0x1] =	stream.indirect.gather [spmem:s4], $0x10, s31, s16, $0xb8;
	[tilespmem:$0xE000] =	vst v63  }
0xc6: {  	s30 =	sadd.s32 $0x180, s2  }
0xc7: {  	[tilespmem:s20], [sflag:$0x1] =	stream.indirect.gather [spmem:s4], $0x10, s30, s16, $0xb8;
	[tilespmem:$0xE000] =	vst v63  }
0xc8: {  	s31 =	sadd.s32 $0x200, s2  }
0xc9: {  	[tilespmem:s21], [sflag:$0x1] =	stream.indirect.gather [spmem:s4], $0x10, s31, s16, $0xb8;
	[tilespmem:$0xE000] =	vst v63  }
0xca: {  	s30 =	sadd.s32 $0x280, s2  }
0xcb: {  	[tilespmem:s22], [sflag:$0x1] =	stream.indirect.gather [spmem:s4], $0x10, s30, s16, $0xb8;
	[tilespmem:$0xE000] =	vst v63  }
0xcc: {  	s31 =	sadd.s32 $0x300, s2  }
0xcd: {  	[tilespmem:s23], [sflag:$0x1] =	stream.indirect.gather [spmem:s4], $0x10, s31, s16, $0xb8;
	[tilespmem:$0xE000] =	vst v63  }
0xce: {  	s30 =	sadd.s32 $0x380, s2  }
0xcf: {  	[tilespmem:s24], [sflag:$0x1] =	stream.indirect.gather [spmem:s4], $0x10, s30, s16, $0xb8;
	[tilespmem:$0xE000] =	vst v63  }
0xd0: {  	_ =	swait.ge [sflag:s25], $0x800  }
0xd1: {  	[sflag:s25] =	ssyncset.done $0x0  }
0xd2: {  	[sflag:s25] =	ssyncadd.s32 $0xFFFFF800  }
0xd3: {  	_ =	swait.ge [sflag:s25], $0x800  }
0xd4: {  	[sflag:s25] =	ssyncset.done $0x0  }
0xd5: {  	[sflag:s25] =	ssyncadd.s32 $0xFFFFF800  }
0xd6: {  	_ =	swait.ge [sflag:s25], $0x800  }
0xd7: {  	[sflag:s25] =	ssyncset.done $0x0  }
0xd8: {  	[sflag:s25] =	ssyncadd.s32 $0xFFFFF800  }
0xd9: {  	_ =	swait.ge [sflag:s25], $0x800  }
0xda: {  	[sflag:s25] =	ssyncset.done $0x0  }
0xdb: {  	[sflag:s25] =	ssyncadd.s32 $0xFFFFF800  }
0xdc: {  	_ =	swait.ge [sflag:s25], $0x800  }
0xdd: {  	[sflag:s25] =	ssyncset.done $0x0  }
0xde: {  	[sflag:s25] =	ssyncadd.s32 $0xFFFFF800  }
0xdf: {  	_ =	swait.ge [sflag:s25], $0x800  }
0xe0: {  	[sflag:s25] =	ssyncset.done $0x0  }
0xe1: {  	[sflag:s25] =	ssyncadd.s32 $0xFFFFF800  }
0xe2: {  	_ =	swait.ge [sflag:s25], $0x800  }
0xe3: {  	[sflag:s25] =	ssyncset.done $0x0  }
0xe4: {  	[sflag:s25] =	ssyncadd.s32 $0xFFFFF800  }
0xe5: {  	_ =	swait.ge [sflag:s25], $0x800  }
0xe6: {  	[sflag:s25] =	ssyncset.done $0x0  }
0xe7: {  	s31 =	sadd.s32 $0x2800, s2;
	[sflag:s25] =	ssyncadd.s32 $0xFFFFF800  }
0xe8: {  	[spmem:s3] =	stream.indirect.scatter.add.f32 [tilespmem:s17], [sflag:$0x2], $0x10, s31, s16, $0xb8;
	[tilespmem:$0xE000] =	vst v63  }
0xe9: {  	s30 =	sadd.s32 $0x2880, s2  }
0xea: {  	[spmem:s3] =	stream.indirect.scatter.add.f32 [tilespmem:s18], [sflag:$0x2], $0x10, s30, s16, $0xb8;
	[tilespmem:$0xE000] =	vst v63  }
0xeb: {  	s31 =	sadd.s32 $0x2900, s2  }
0xec: {  	[spmem:s3] =	stream.indirect.scatter.add.f32 [tilespmem:s19], [sflag:$0x2], $0x10, s31, s16, $0xb8;
	[tilespmem:$0xE000] =	vst v63  }
0xed: {  	s30 =	sadd.s32 $0x2980, s2  }
0xee: {  	[spmem:s3] =	stream.indirect.scatter.add.f32 [tilespmem:s20], [sflag:$0x2], $0x10, s30, s16, $0xb8;
	[tilespmem:$0xE000] =	vst v63  }
0xef: {  	s31 =	sadd.s32 $0x2A00, s2  }
0xf0: {  	[spmem:s3] =	stream.indirect.scatter.add.f32 [tilespmem:s21], [sflag:$0x2], $0x10, s31, s16, $0xb8;
	[tilespmem:$0xE000] =	vst v63  }
0xf1: {  	s30 =	sadd.s32 $0x2A80, s2  }
0xf2: {  	[spmem:s3] =	stream.indirect.scatter.add.f32 [tilespmem:s22], [sflag:$0x2], $0x10, s30, s16, $0xb8;
	[tilespmem:$0xE000] =	vst v63  }
0xf3: {  	s31 =	sadd.s32 $0x2B00, s2  }
0xf4: {  	[spmem:s3] =	stream.indirect.scatter.add.f32 [tilespmem:s23], [sflag:$0x2], $0x10, s31, s16, $0xb8;
	[tilespmem:$0xE000] =	vst v63  }
0xf5: {  	s2 =	sadd.s32 $0x2B80, s2  }
0xf6: {  	[spmem:s3] =	stream.indirect.scatter.add.f32 [tilespmem:s24], [sflag:$0x2], $0x10, s2, s16, $0xb8;
	[tilespmem:$0xE000] =	vst v63  }
0xf7: {  	_ =	swait.ge [sflag:s26], $0x800  }
0xf8: {  	[sflag:s26] =	ssyncset.done $0x0  }
0xf9: {  	[sflag:s26] =	ssyncadd.s32 $0xFFFFF800  }
0xfa: {  	_ =	swait.ge [sflag:s26], $0x800  }
0xfb: {  	[sflag:s26] =	ssyncset.done $0x0  }
0xfc: {  	[sflag:s26] =	ssyncadd.s32 $0xFFFFF800  }
0xfd: {  	_ =	swait.ge [sflag:s26], $0x800  }
0xfe: {  	[sflag:s26] =	ssyncset.done $0x0  }
0xff: {  	[sflag:s26] =	ssyncadd.s32 $0xFFFFF800  }
0x100: {  	_ =	swait.ge [sflag:s26], $0x800  }
0x101: {  	[sflag:s26] =	ssyncset.done $0x0  }
0x102: {  	[sflag:s26] =	ssyncadd.s32 $0xFFFFF800  }
0x103: {  	_ =	swait.ge [sflag:s26], $0x800  }
0x104: {  	[sflag:s26] =	ssyncset.done $0x0  }
0x105: {  	[sflag:s26] =	ssyncadd.s32 $0xFFFFF800  }
0x106: {  	_ =	swait.ge [sflag:s26], $0x800  }
0x107: {  	[sflag:s26] =	ssyncset.done $0x0  }
0x108: {  	[sflag:s26] =	ssyncadd.s32 $0xFFFFF800  }
0x109: {  	_ =	swait.ge [sflag:s26], $0x800  }
0x10a: {  	[sflag:s26] =	ssyncset.done $0x0  }
0x10b: {  	[sflag:s26] =	ssyncadd.s32 $0xFFFFF800  }
0x10c: {  	_ =	swait.ge [sflag:s26], $0x800  }
0x10d: {  	s28 =	sadd.s32 $0x1, s28;
	[sflag:s26] =	ssyncset.done $0x0  }
0x10e: {  	p0 =	sne.s32 s28, s11;
	[sflag:s26] =	ssyncadd.s32 $0xFFFFF800  }
.Ltmp1:
0x10f: {  	[bflag:$0x0] =	sbarrier.arrive $0xFFFF;
	(pc) =	sbr.rel @p0 .LBB2_1-.Ltmp1, $4  }
0x110: {  	[hbm:s10], [sflag:s6] =	dma.local [spmem:s12], $0x500  }
0x111: {  	_ =	swait.ge [sflag:s13], $0x500  }
0x112: {  	[sflag:s13] =	ssyncset.done $0x0  }
0x113: {  	[sflag:s13] =	ssyncadd.s32 $0xFFFFFB00  }
0x114: {  	_ =	sfence.sel $0x180000  }
0x115: {  	[bflag:$0x0] =	sbarrier.arrive $0xFFFF  }
0x116: {  	_ =	strace $0x9000004D  }
0x117: {  	[bflag:$0x2] =	sbarrier.arrive $0xFFFF  }
0x118: {  	p0 =	sne.s32 s0, $0x0;
	s0 =	rddreg [dreg:$0x4]  }
0x119: {  	s0 =	sadd.s32 @!p0 $0x100000, s0  }
0x11a: {  	[sflag:s0] =	ssyncadd.tile.s32 @!p0 $0x1;
	_ =	shalt  }
.Lfunc_end2:
_tile_overlayer_lowered:
.L_overlay_start_2:
0x11b: {  	(tag) =	ssettag $0x2  }
0x11c: {  	s0 =	rddreg [dreg:$0x0];
	s2 =	stileid.u32  }
0x11d: {  	s1 =	rddreg [dreg:$0x1];
	p0 =	sne.s32 s2, $0x0  }
0x11e: {  	s3 =	rddreg [dreg:$0x2];
	[bflag:$0x3] =	sbarrier.arrive $0xFFFF;
	s2 =	simm.s32 @!p0 $0x1C03  }
0x11f: {  	[timem:s3], [sflag:s2] =	dma.local @!p0 [hbm:s0], s1  }
0x120: {  	s0 =	simm.s32 @!p0 $0x3  }
0x121: {  	_ =	swait.ge @!p0 [sflag:s0], s1  }
0x122: {  	s1 =	ssub.s32 @!p0 $0x0, s1;
	[sflag:s0] =	ssyncset.done @!p0 $0x0  }
0x123: {  	[sflag:s0] =	ssyncadd.s32 @!p0 s1  }
0x124: {  	[bflag:$0x3] =	sbarrier.arrive $0xFFFF  }
0x125: {  	_ =	shalt  }

// kernel: kernel.8.cloned.1.call-start
scs
__scs_entry_jumppad:
0x0: {  	(pc) =	sbr.rel $0x88, $3  }
0x1: {  	(tag) =	ssettag $0x0;
	lr =	simm.s32 $0x1  }
0x2: {  	[smem:$0x3F99] =	sst lr;
	_ =	strace $0xD0000000  }
0x3: {  	_ = 	snop  }
0x4: {  	_ = 	snop  }
0x5: {  	_ = 	snop  }
0x6: {  	_ = 	snop  }
0x7: {  	_ = 	snop  }
__scs_overlays_trampoline_lowered:
0x8: {  	[smem:$0x3FA8] =	sst s0  }
0x9: {  	[smem:$0x3FA9] =	sst s1  }
0xa: {  	[smem:$0x3FAA] =	sst s2  }
0xb: {  	[smem:$0x3FAB] =	sst s3  }
0xc: {  	[smem:$0x3FAC] =	sst s4  }
0xd: {  	[smem:$0x3FAD] =	sst s5  }
0xe: {  	[smem:$0x3FAE] =	sst s6  }
0xf: {  	[smem:$0x3FAF] =	sst s7  }
0x10: {  	[smem:$0x3FB0] =	sst s8  }
0x11: {  	[smem:$0x3FB1] =	sst s9;
	s0 =	simm.s32 @!p0 $0x0  }
0x12: {  	s1 =	sld [smem:$0x3F97];
	s0 =	simm.s32 @p0 $0x1  }
0x13: {  	[smem:$0x3FB2] =	sst s0;
	s0 =	simm.s32 @!p1 $0x0  }
0x14: {  	s2 =	sld [smem:$0x3F96];
	s0 =	simm.s32 @p1 $0x1  }
0x15: {  	[smem:$0x3FB3] =	sst s0;
	s0 =	simm.s32 @!p2 $0x0  }
0x16: {  	s3 =	sld [smem:$0x3FDB];
	s0 =	simm.s32 @p2 $0x1  }
0x17: {  	s4 =	simm.s32 $0x1BF5;
	[smem:$0x3FB5] =	sst s0  }
0x18: {  	s0 =	sld [smem:$0x3F98];
	_ =	swait.ge [sflag:s4], $0x0  }
0x19: {  	s7 =	sld [smem:$0x3F99]  }
0x1a: {  	s8 =	sadd.s32 $0xFFFFE003, lr  }
0x1b: {  	s9 =	sadd.s32 $0xFFFFFEF7, lr;
	s5 =	simm.s32 $0xFFFFFFFF;
	p2 =	slt.u32 s8, $0xFFFFF086  }
0x1c: {  	p1 =	slt.u32 s9, $0xF7A;
	s5 =	simm.s32 @!p2 $0x0  }
0x1d: {  	s5 =	simm.s32 @p1 $0x1;
	p0 =	seq.s32 s7, s2  }
0x1e: {  	s7 =	smul.u32 @!p0 $0xF7A, s2;
	p2 =	seq.s32 @!p0 s5, $0x0  }
0x1f: {  	s9 =	smul.u32 $0xF7A, s1;
	s8 =	simm.s32 @!p0 $0x1BF5;
	p2 =	por !p2, p0  }
0x20: {  	[sflag:s8] =	ssyncset.s32 @!p0 $0xFFFFF086;
	s6 =	sadd.s32 @!p0 s3, s7;
	s7 =	simm.s32 @!p0 $0x108  }
0x21: {  	s3 =	sadd.s32 s3, s9;
	s6 =	sadd.s32 @!p0 $0x88, s6;
	s7 =	simm.s32 @p2 $0x1082  }
0x22: {  	[simem:s7], [sflag:s8] =	dma.local @!p0 [hbm:s6], $0xF7A  }
0x23: {  	s9 =	sor.u32 $0xD0000000, s2;
	s6 =	simm.s32 $0x108;
	_ =	swait.ge @!p0 [sflag:s8], $0x0  }
0x24: {  	s3 =	sadd.s32 $0x88, s3;
	s6 =	simm.s32 @!p1 $0x1082;
	[sflag:s4] =	ssyncset.s32 $0xFFFFF086  }
0x25: {  	[simem:s6], [sflag:s4] =	dma.local [hbm:s3], $0xF7A  }
0x26: {  	[smem:$0x3F99] =	sst s1;
	(tag) =	ssettag s2;
	_ =	strace s9  }
0x27: {  	s1 =	sld [smem:$0x3FA9]  }
0x28: {  	s2 =	sld [smem:$0x3FAA]  }
0x29: {  	s4 =	sld [smem:$0x3FAC]  }
0x2a: {  	p0 =	seq.s32 s5, $0x0;
	s5 =	sld [smem:$0x3FAD]  }
0x2b: {  	s6 =	sld [smem:$0x3FAE]  }
0x2c: {  	s7 =	sld [smem:$0x3FAF]  }
0x2d: {  	s3 =	simm.s32 $0x108;
	s8 =	sld [smem:$0x3FB0]  }
0x2e: {  	s3 =	simm.s32 @!p0 $0x1082;
	s9 =	sld [smem:$0x3FB1]  }
0x2f: {  	lr =	sadd.s32 s0, s3;
	s0 =	sld [smem:$0x3FA8]  }
0x30: {  	s3 =	sld [smem:$0x3FAB]  }
0x31: {  	[smem:$0x3FB4] =	sst s10  }
0x32: {  	s10 =	sld [smem:$0x3FB2];
	_ =	sdelay $0x3  }
0x33: {  	p0 =	seq.s32 s10, $0x1;
	s10 =	sld [smem:$0x3FB4];
	_ =	sdelay $0x3  }
0x34: {  	[smem:$0x3FB4] =	sst s10  }
0x35: {  	s10 =	sld [smem:$0x3FB3];
	_ =	sdelay $0x3  }
0x36: {  	p1 =	seq.s32 s10, $0x1;
	s10 =	sld [smem:$0x3FB4];
	_ =	sdelay $0x3  }
0x37: {  	[smem:$0x3FB4] =	sst s10  }
0x38: {  	s10 =	sld [smem:$0x3FB5]  }
0x39: {  	_ = 	snop;
	(pc) =	sbr.ind lr, $3  }
0x3a: {  	_ = 	snop  }
0x3b: {  	_ = 	snop  }
0x3c: {  	p2 =	seq.s32 s10, $0x1;
	s10 =	sld [smem:$0x3FB4]  }
0x3d: {  	_ =	shalt  }
0x3e: {  	_ =	shalt  }
0x3f: {  	_ =	shalt  }
0x40: {  	_ =	shalt  }
0x41: {  	_ =	shalt  }
0x42: {  	_ =	shalt  }
0x43: {  	_ =	shalt  }
0x44: {  	_ =	shalt  }
0x45: {  	_ =	shalt  }
0x46: {  	_ =	shalt  }
0x47: {  	_ =	shalt  }
0x48: {  	_ =	shalt  }
0x49: {  	_ =	shalt  }
0x4a: {  	_ =	shalt  }
0x4b: {  	_ =	shalt  }
0x4c: {  	_ =	shalt  }
0x4d: {  	_ =	shalt  }
0x4e: {  	_ =	shalt  }
0x4f: {  	_ =	shalt  }
0x50: {  	_ =	shalt  }
0x51: {  	_ =	shalt  }
0x52: {  	_ =	shalt  }
0x53: {  	_ =	shalt  }
0x54: {  	_ =	shalt  }
0x55: {  	_ =	shalt  }
0x56: {  	_ =	shalt  }
0x57: {  	_ =	shalt  }
0x58: {  	_ =	shalt  }
0x59: {  	_ =	shalt  }
0x5a: {  	_ =	shalt  }
0x5b: {  	_ =	shalt  }
0x5c: {  	_ =	shalt  }
0x5d: {  	_ =	shalt  }
0x5e: {  	_ =	shalt  }
0x5f: {  	_ =	shalt  }
0x60: {  	_ =	shalt  }
0x61: {  	_ =	shalt  }
0x62: {  	_ =	shalt  }
0x63: {  	_ =	shalt  }
0x64: {  	_ =	shalt  }
0x65: {  	_ =	shalt  }
0x66: {  	_ =	shalt  }
0x67: {  	_ =	shalt  }
0x68: {  	_ =	shalt  }
0x69: {  	_ =	shalt  }
0x6a: {  	_ =	shalt  }
0x6b: {  	_ =	shalt  }
0x6c: {  	_ =	shalt  }
0x6d: {  	_ =	shalt  }
0x6e: {  	_ =	shalt  }
0x6f: {  	_ =	shalt  }
0x70: {  	_ =	shalt  }
0x71: {  	_ =	shalt  }
0x72: {  	_ =	shalt  }
0x73: {  	_ =	shalt  }
0x74: {  	_ =	shalt  }
0x75: {  	_ =	shalt  }
0x76: {  	_ =	shalt  }
0x77: {  	_ =	shalt  }
0x78: {  	_ =	shalt  }
0x79: {  	_ =	shalt  }
0x7a: {  	_ =	shalt  }
0x7b: {  	_ =	shalt  }
0x7c: {  	_ =	shalt  }
0x7d: {  	_ =	shalt  }
0x7e: {  	_ =	shalt  }
0x7f: {  	_ =	shalt  }
0x80: {  	_ =	shalt  }
0x81: {  	_ =	shalt  }
0x82: {  	_ =	shalt  }
0x83: {  	_ =	shalt  }
0x84: {  	_ =	shalt  }
0x85: {  	_ =	shalt  }
0x86: {  	_ =	shalt  }
0x87: {  	_ =	shalt  }
.Lfunc_end0:
.L_simem_size_0:
called_computation_lowered:
.L_overlay_start_0:
0x88: {  	s2 =	sld [smem:$0x3FD9]  }
0x89: {  	s3 =	sld [smem:$0x3FFE];
	_ =	sdelay $0x1  }
0x8a: {  	s1 =	srdreg.scid  }
0x8b: {  	s0 =	sand.u32 $0x1, s1  }
0x8c: {  	s17 =	sshll.u32 s0, $0xA;
	s2 =	sadd.s32 s3, s2  }
0x8d: {  	s2 =	sadd.s32 s2, s17  }
0x8e: {  	[smem:$0x3FC0] =	sst s2  }
0x8f: {  	_ = 	snop  }
0x90: {  	s2 =	sld [smem:$0x3FD0];
	(tm) =	ssettm $0x1  }
0x91: {  	s18 =	sld [smem:$0x3FFB];
	_ =	sdelay $0x3  }
0x92: {  	_ =	strace s18  }
0x93: {  	s3 =	sld [smem:$0x3FFC];
	_ =	sdelay $0x3  }
0x94: {  	_ =	strace s3  }
0x95: {  	s3 =	sld [smem:$0x3FFD];
	_ =	sdelay $0x3  }
0x96: {  	_ =	strace s3  }
0x97: {  	_ =	strace $0x8FFFFFFF  }
0x98: {  	s19 =	sld [smem:$0x3FDB];
	_ =	sdelay $0x1  }
0x99: {  	s4 =	simm.s32 $_scs_section_size  }
0x9a: {  	s5 =	simm.s32 $_size__tile_overlayer_lowered;
	s6 =	simm.s32 $_tile_overlayer_lowered  }
0x9b: {  	s22 =	simm.s32 $0x1BFF;
	s21 =	sshll.u32 s6, $0x1;
	s3 =	sadd.s32 s4, s19  }
0x9c: {  	s7 =	simm.s32 $0x0;
	s20 =	sshll.u32 s5, $0x1;
	s5 =	sadd.s32 s21, s3  }
0x9d: {  	[timem:s7], [sflag:s22] =	dma.local [hbm:s5], s20  }
0x9e: {  	_ =	swait.ge [sflag:s22], s20  }
0x9f: {  	s4 =	ssub.s32 $0x0, s20;
	[sflag:s22] =	ssyncset.done $0x0  }
0xa0: {  	[sflag:s22] =	ssyncadd.s32 s4;
	_ =	sdelay $0x1  }
0xa1: {  	s23 =	simm.s32 $0x1B8B  }
0xa2: {  	_ =	swait.ge [sflag:s23], $0x1  }
0xa3: {  	[sflag:s23] =	ssyncset.done $0x0  }
0xa4: {  	s25 =	simm.s32 $0x1B8E;
	s24 =	sld [smem:$0x3FFE];
	[sflag:s23] =	ssyncadd.s32 $0xFFFFFFFF  }
0xa5: {  	s26 =	simm.s32 $execute0_lowered;
	[smem:$0x3FD2] =	sst s25  }
0xa6: {  	s5 =	sshll.u32 s26, $0x1;
	_ =	strace $0x80000046;
	[dreg:$0x1] =	wrdreg $0xFFFFFFFF  }
0xa7: {  	s28 =	simm.s32 $_size_execute0_lowered;
	s3 =	sadd.s32 s3, s5;
	[dreg:$0x0] =	wrdreg $0x0  }
0xa8: {  	s5 =	sshll.u32 s28, $0x1;
	[dreg:$0x2] =	wrdreg s3  }
0xa9: {  	[dreg:$0x3] =	wrdreg s5  }
0xaa: {  	[dreg:$0x4] =	wrdreg $0xC0  }
0xab: {  	_ =	task [dreg:s7], $0x5FFFF  }
0xac: {  	[dreg:$0x1] =	wrdreg $0xFFFFFFFF  }
0xad: {  	[dreg:$0x0] =	wrdreg $0x60  }
0xae: {  	[dreg:$0x2] =	wrdreg s24  }
0xaf: {  	[dreg:$0x3] =	wrdreg s2  }
0xb0: {  	[dreg:$0x4] =	wrdreg $0x28800  }
0xb1: {  	[dreg:$0x5] =	wrdreg $0x9  }
0xb2: {  	_ =	task.clear_ibuf [dreg:s7], $0x6FFFF;
	_ =	strace $0x90000046  }
0xb3: {  	s29 =	simm.s32 $0x9;
	_ =	strace $0x80000048  }
0xb4: {  	_ =	swait.ge [sflag:s29], $0x1  }
0xb5: {  	[sflag:s29] =	ssyncadd.s32 $0xFFFFFFFF  }
0xb6: {  	_ =	strace $0x90000048  }
0xb7: {  	_ =	sfence  }
0xb8: {  	s30 =	sld [smem:$0x0];
	_ =	sdelay $0x2  }
0xb9: {  	s31 =	sshll.u32 s1, $0xD;
	s1 =	sshrl.u32 s1, $0x2  }
0xba: {  	s3 =	sand.u32 $0x4000, s31;
	s1 =	sadd.s32 s1, s30  }
0xbb: {  	s0 =	sor.u32 s3, s0;
	s1 =	sshll.u32 s1, $0x11  }
0xbc: {  	s0 =	sor.u32 s1, s0  }
0xbd: {  	s0 =	sadd.s32 $0x8F2B, s0  }
0xbe: {  	[sflag:s0] =	ssyncadd.remote.s32 $0x1  }
0xbf: {  	_ =	sfence.sel $0xFFFF  }
0xc0: {  	[dreg:$0x0] =	wrdreg $0xFFFFFFFF;
	(pc) =	sbr.abs _section_cstart, $3  }
0xc1: {  	[dreg:$0x1] =	wrdreg $0xFFFFFFFF  }
0xc2: {  	_ =	task.clear_ibuf [dreg:s7], $0x2FFFF;
	_ =	strace $0x9FFFFFFF  }
0xc3: {  	(tm) =	ssettm $0x7FFFFFFF  }
tec
execute0_lowered:
.L_overlay_start_1:
0x0: {  	(tag) =	ssettag $0x1  }
0x1: {  	s6 =	rddreg [dreg:$0x0]  }
0x2: {  	s0 =	srdreg.scid;
	s2 =	rddreg [dreg:$0x1]  }
0x3: {  	s3 =	rddreg [dreg:$0x2];
	s4 =	simm.s32 $0x0;
	s13 =	simm.s32 $0x80  }
0x4: {  	s14 =	simm.s32 $0x1;
	s15 =	simm.s32 $0x20;
	s16 =	simm.s32 $0x10  }
0x5: {  	s17 =	simm.s32 $0x0;
	s7 =	sand.u32 $0x1, s0;
	s0 =	stileid.u32  }
0x6: {  	[smem:$0x7FF] =	sst s4;
	s1 =	sshll.u32 s7, $0x4;
	s8 =	smul.u32 $0x500, s0  }
0x7: {  	s9 =	sshll.u32 s7, $0x7;
	s29 =	smul.u32 $0xA00, s0;
	s7 =	ssub.s32 $0x2, s7  }
0x8: {  	s31 =	sshll.u32 s0, $0x6;
	s5 =	sor.u32 s0, s1;
	s1 =	rddreg [dreg:$0x3]  }
0x9: {  	_ =	strace $0x80000047;
	s30 =	sshrl.u32 s7, $0x1;
	s5 =	smul.u32 $0x500, s5  }
0xa: {  	s8 =	sor.u32 s9, s8;
	s9 =	sshrl.u32 s29, $0x2;
	s11 =	ssub.s32 s7, s30  }
0xb: {  	s8 =	sshrl.u32 s8, $0x3;
	s12 =	sadd.s32 s9, s3;
	s9 =	smax.u32 s11, $0x1  }
0xc: {  	s11 =	simm.s32 $0x2;
	s10 =	sadd.s32 s5, s6;
	s5 =	sadd.s32 $0x15C00, s6  }
0xd: {  	s8 =	sadd.s32 s8, s6;
	s6 =	sor.u32 $0x1C02, s31;
	s7 =	sadd.s32 $0x1C00, s10  }
0xe: {  	s8 =	sadd.s32 $0x15E00, s8;
	s10 =	sshrl.u32 s12, $0x3;
	s12 =	simm.s32 $0x2800  }
.LBB2_1:
0xf: {  	[spmem:s10], [sflag:s6] =	dma.local [hbm:s2], $0x50  }
0x10: {  	_ =	swait.ge [sflag:s11], $0x50  }
0x11: {  	[sflag:s11] =	ssyncset.done $0x0  }
0x12: {  	[sflag:s11] =	ssyncadd.s32 $0xFFFFFFB0  }
0x13: {  	[tilespmem:s12], [sflag:$0x2] =	stream.linear.gather [hbm4b:s5+s4], $0x80, $0x38;
	[tilespmem:$0x2B00] =	vst v63  }
0x14: {  	_ =	swait.ge [sflag:s11], $0x80  }
0x15: {  	[sflag:s11] =	ssyncset.done $0x0  }
0x16: {  	[sflag:s11] =	ssyncadd.s32 $0xFFFFFF80  }
0x17: {  	[tilespmem:s4], [sflag:$0x2] =	stream.linear.gather [hbm4b:s7+s4], $0x2800, $0x38;
	[tilespmem:$0x2B00] =	vst v63  }
0x18: {  	_ =	swait.ge [sflag:s11], $0x2800  }
0x19: {  	[sflag:s11] =	ssyncset.done $0x0  }
0x1a: {  	[sflag:s11] =	ssyncadd.s32 $0xFFFFD800  }
0x1b: {  	s18 =	simm.s32 $0x0;
	[bflag:$0x0] =	sbarrier.arrive $0xFFFF  }
0x1c: {  	[spmem:s3] =	stream.indirect.scatter.add.f32 [tilespmem:s12], [sflag:$0x1], $0x1, s18, s13, $0xb8;
	[tilespmem:$0x2B00] =	vst v63  }
0x1d: {  	s24 =	simm.s32 $0x80  }
0x1e: {  	[spmem:s3] =	stream.indirect.scatter.add.f32 [tilespmem:s12], [sflag:$0x1], $0x1, s24, s13, $0xb8;
	[tilespmem:$0x2B00] =	vst v63  }
0x1f: {  	s25 =	simm.s32 $0x100  }
0x20: {  	[spmem:s3] =	stream.indirect.scatter.add.f32 [tilespmem:s12], [sflag:$0x1], $0x1, s25, s13, $0xb8;
	[tilespmem:$0x2B00] =	vst v63  }
0x21: {  	s26 =	simm.s32 $0x180  }
0x22: {  	[spmem:s3] =	stream.indirect.scatter.add.f32 [tilespmem:s12], [sflag:$0x1], $0x1, s26, s13, $0xb8;
	[tilespmem:$0x2B00] =	vst v63  }
0x23: {  	s28 =	simm.s32 $0x200  }
0x24: {  	[spmem:s3] =	stream.indirect.scatter.add.f32 [tilespmem:s12], [sflag:$0x1], $0x1, s28, s13, $0xb8;
	[tilespmem:$0x2B00] =	vst v63  }
0x25: {  	s29 =	simm.s32 $0x280  }
0x26: {  	[spmem:s3] =	stream.indirect.scatter.add.f32 [tilespmem:s12], [sflag:$0x1], $0x1, s29, s13, $0xb8;
	[tilespmem:$0x2B00] =	vst v63  }
0x27: {  	s30 =	simm.s32 $0x300  }
0x28: {  	[spmem:s3] =	stream.indirect.scatter.add.f32 [tilespmem:s12], [sflag:$0x1], $0x1, s30, s13, $0xb8;
	[tilespmem:$0x2B00] =	vst v63  }
0x29: {  	s31 =	simm.s32 $0x380  }
0x2a: {  	[spmem:s3] =	stream.indirect.scatter.add.f32 [tilespmem:s12], [sflag:$0x1], $0x1, s31, s13, $0xb8;
	[tilespmem:$0x2B00] =	vst v63  }
0x2b: {  	_ =	swait.ge [sflag:s14], $0x80  }
0x2c: {  	[sflag:s14] =	ssyncset.done $0x0  }
0x2d: {  	[sflag:s14] =	ssyncadd.s32 $0xFFFFFF80  }
0x2e: {  	_ =	swait.ge [sflag:s14], $0x80  }
0x2f: {  	[sflag:s14] =	ssyncset.done $0x0  }
0x30: {  	[sflag:s14] =	ssyncadd.s32 $0xFFFFFF80  }
0x31: {  	_ =	swait.ge [sflag:s14], $0x80  }
0x32: {  	[sflag:s14] =	ssyncset.done $0x0  }
0x33: {  	[sflag:s14] =	ssyncadd.s32 $0xFFFFFF80  }
0x34: {  	_ =	swait.ge [sflag:s14], $0x80  }
0x35: {  	[sflag:s14] =	ssyncset.done $0x0  }
0x36: {  	[sflag:s14] =	ssyncadd.s32 $0xFFFFFF80  }
0x37: {  	_ =	swait.ge [sflag:s14], $0x80  }
0x38: {  	[sflag:s14] =	ssyncset.done $0x0  }
0x39: {  	[sflag:s14] =	ssyncadd.s32 $0xFFFFFF80  }
0x3a: {  	_ =	swait.ge [sflag:s14], $0x80  }
0x3b: {  	[sflag:s14] =	ssyncset.done $0x0  }
0x3c: {  	[sflag:s14] =	ssyncadd.s32 $0xFFFFFF80  }
0x3d: {  	_ =	swait.ge [sflag:s14], $0x80  }
0x3e: {  	[sflag:s14] =	ssyncset.done $0x0  }
0x3f: {  	[sflag:s14] =	ssyncadd.s32 $0xFFFFFF80  }
0x40: {  	_ =	swait.ge [sflag:s14], $0x80  }
0x41: {  	s20 =	simm.s32 $0x2000;
	s18 =	simm.s32 $0x1000;
	[sflag:s14] =	ssyncset.done $0x0  }
.LBB2_2:
0x42: {  	s21 =	sshra.s32 s18, $0x2  }
0x43: {  	[sflag:s14] =	ssyncadd.s32 $0xFFFFFF80;
	s18 =	smov.u32 s20;
	s19 =	sadd.s32 $0x1000, s20  }
0x44: {  	[spmem:s3] =	stream.indirect.scatter.add.f32 [tilespmem:s12], [sflag:$0x1], $0x1, s21, s13, $0xb8;
	[tilespmem:$0x2B00] =	vst v63  }
0x45: {  	p0 =	sne.s32 s20, $0x9000;
	s20 =	sadd.s32 $0x80, s21  }
0x46: {  	[spmem:s3] =	stream.indirect.scatter.add.f32 [tilespmem:s12], [sflag:$0x1], $0x1, s20, s13, $0xb8;
	[tilespmem:$0x2B00] =	vst v63  }
0x47: {  	s20 =	sadd.s32 $0x100, s21  }
0x48: {  	[spmem:s3] =	stream.indirect.scatter.add.f32 [tilespmem:s12], [sflag:$0x1], $0x1, s20, s13, $0xb8;
	[tilespmem:$0x2B00] =	vst v63  }
0x49: {  	s20 =	sadd.s32 $0x180, s21  }
0x4a: {  	[spmem:s3] =	stream.indirect.scatter.add.f32 [tilespmem:s12], [sflag:$0x1], $0x1, s20, s13, $0xb8;
	[tilespmem:$0x2B00] =	vst v63  }
0x4b: {  	s20 =	sadd.s32 $0x200, s21  }
0x4c: {  	[spmem:s3] =	stream.indirect.scatter.add.f32 [tilespmem:s12], [sflag:$0x1], $0x1, s20, s13, $0xb8;
	[tilespmem:$0x2B00] =	vst v63  }
0x4d: {  	s20 =	sadd.s32 $0x280, s21  }
0x4e: {  	[spmem:s3] =	stream.indirect.scatter.add.f32 [tilespmem:s12], [sflag:$0x1], $0x1, s20, s13, $0xb8;
	[tilespmem:$0x2B00] =	vst v63  }
0x4f: {  	s20 =	sadd.s32 $0x300, s21  }
0x50: {  	[spmem:s3] =	stream.indirect.scatter.add.f32 [tilespmem:s12], [sflag:$0x1], $0x1, s20, s13, $0xb8;
	[tilespmem:$0x2B00] =	vst v63  }
0x51: {  	s20 =	sadd.s32 $0x380, s21  }
0x52: {  	[spmem:s3] =	stream.indirect.scatter.add.f32 [tilespmem:s12], [sflag:$0x1], $0x1, s20, s13, $0xb8;
	[tilespmem:$0x2B00] =	vst v63  }
0x53: {  	_ =	swait.ge [sflag:s14], $0x80  }
0x54: {  	[sflag:s14] =	ssyncset.done $0x0  }
0x55: {  	[sflag:s14] =	ssyncadd.s32 $0xFFFFFF80  }
0x56: {  	_ =	swait.ge [sflag:s14], $0x80  }
0x57: {  	[sflag:s14] =	ssyncset.done $0x0  }
0x58: {  	[sflag:s14] =	ssyncadd.s32 $0xFFFFFF80  }
0x59: {  	_ =	swait.ge [sflag:s14], $0x80  }
0x5a: {  	[sflag:s14] =	ssyncset.done $0x0  }
0x5b: {  	[sflag:s14] =	ssyncadd.s32 $0xFFFFFF80  }
0x5c: {  	_ =	swait.ge [sflag:s14], $0x80  }
0x5d: {  	[sflag:s14] =	ssyncset.done $0x0  }
0x5e: {  	[sflag:s14] =	ssyncadd.s32 $0xFFFFFF80  }
0x5f: {  	_ =	swait.ge [sflag:s14], $0x80  }
0x60: {  	[sflag:s14] =	ssyncset.done $0x0  }
0x61: {  	[sflag:s14] =	ssyncadd.s32 $0xFFFFFF80  }
0x62: {  	_ =	swait.ge [sflag:s14], $0x80  }
0x63: {  	[sflag:s14] =	ssyncset.done $0x0  }
0x64: {  	[sflag:s14] =	ssyncadd.s32 $0xFFFFFF80  }
.Ltmp0:
0x65: {  	_ =	swait.ge [sflag:s14], $0x80;
	(pc) =	sbr.rel @p0 .LBB2_2-.Ltmp0, $4  }
0x66: {  	[sflag:s14] =	ssyncset.done $0x0  }
0x67: {  	[sflag:s14] =	ssyncadd.s32 $0xFFFFFF80  }
0x68: {  	_ =	swait.ge [sflag:s14], $0x80  }
0x69: {  	s20 =	smov.u32 s19;
	[sflag:s14] =	ssyncset.done $0x0  }
0x6a: {  	s18 =	sshra.s32 s18, $0x2;
	[sflag:s14] =	ssyncadd.s32 $0xFFFFFF80  }
0x6b: {  	[spmem:s3] =	stream.indirect.scatter.add.f32 [tilespmem:s12], [sflag:$0x1], $0x1, s18, s13, $0xb8;
	[tilespmem:$0x2B00] =	vst v63  }
0x6c: {  	s19 =	sadd.s32 $0x80, s18  }
0x6d: {  	[spmem:s3] =	stream.indirect.scatter.add.f32 [tilespmem:s12], [sflag:$0x1], $0x1, s19, s13, $0xb8;
	[tilespmem:$0x2B00] =	vst v63  }
0x6e: {  	s26 =	sadd.s32 $0x100, s18  }
0x6f: {  	[spmem:s3] =	stream.indirect.scatter.add.f32 [tilespmem:s12], [sflag:$0x1], $0x1, s26, s13, $0xb8;
	[tilespmem:$0x2B00] =	vst v63  }
0x70: {  	s28 =	sadd.s32 $0x180, s18  }
0x71: {  	[spmem:s3] =	stream.indirect.scatter.add.f32 [tilespmem:s12], [sflag:$0x1], $0x1, s28, s13, $0xb8;
	[tilespmem:$0x2B00] =	vst v63  }
0x72: {  	s29 =	sadd.s32 $0x200, s18  }
0x73: {  	[spmem:s3] =	stream.indirect.scatter.add.f32 [tilespmem:s12], [sflag:$0x1], $0x1, s29, s13, $0xb8;
	[tilespmem:$0x2B00] =	vst v63  }
0x74: {  	s30 =	sadd.s32 $0x280, s18  }
0x75: {  	[spmem:s3] =	stream.indirect.scatter.add.f32 [tilespmem:s12], [sflag:$0x1], $0x1, s30, s13, $0xb8;
	[tilespmem:$0x2B00] =	vst v63  }
0x76: {  	s31 =	sadd.s32 $0x300, s18  }
0x77: {  	[spmem:s3] =	stream.indirect.scatter.add.f32 [tilespmem:s12], [sflag:$0x1], $0x1, s31, s13, $0xb8;
	[tilespmem:$0x2B00] =	vst v63  }
0x78: {  	s18 =	sadd.s32 $0x380, s18  }
0x79: {  	[spmem:s3] =	stream.indirect.scatter.add.f32 [tilespmem:s12], [sflag:$0x1], $0x1, s18, s13, $0xb8;
	[tilespmem:$0x2B00] =	vst v63  }
0x7a: {  	_ =	swait.ge [sflag:s14], $0x80  }
0x7b: {  	[sflag:s14] =	ssyncset.done $0x0  }
0x7c: {  	[sflag:s14] =	ssyncadd.s32 $0xFFFFFF80  }
0x7d: {  	_ =	swait.ge [sflag:s14], $0x80  }
0x7e: {  	[sflag:s14] =	ssyncset.done $0x0  }
0x7f: {  	[sflag:s14] =	ssyncadd.s32 $0xFFFFFF80  }
0x80: {  	_ =	swait.ge [sflag:s14], $0x80  }
0x81: {  	[sflag:s14] =	ssyncset.done $0x0  }
0x82: {  	[sflag:s14] =	ssyncadd.s32 $0xFFFFFF80  }
0x83: {  	_ =	swait.ge [sflag:s14], $0x80  }
0x84: {  	[sflag:s14] =	ssyncset.done $0x0  }
0x85: {  	[sflag:s14] =	ssyncadd.s32 $0xFFFFFF80  }
0x86: {  	_ =	swait.ge [sflag:s14], $0x80  }
0x87: {  	[sflag:s14] =	ssyncset.done $0x0  }
0x88: {  	[sflag:s14] =	ssyncadd.s32 $0xFFFFFF80  }
0x89: {  	_ =	swait.ge [sflag:s14], $0x80  }
0x8a: {  	[sflag:s14] =	ssyncset.done $0x0  }
0x8b: {  	[sflag:s14] =	ssyncadd.s32 $0xFFFFFF80  }
0x8c: {  	_ =	swait.ge [sflag:s14], $0x80  }
0x8d: {  	[sflag:s14] =	ssyncset.done $0x0  }
0x8e: {  	[sflag:s14] =	ssyncadd.s32 $0xFFFFFF80  }
0x8f: {  	_ =	swait.ge [sflag:s14], $0x80  }
0x90: {  	s17 =	sadd.s32 $0x1, s17;
	[sflag:s14] =	ssyncset.done $0x0  }
0x91: {  	p0 =	sne.s32 s17, s9;
	[sflag:s14] =	ssyncadd.s32 $0xFFFFFF80  }
.Ltmp1:
0x92: {  	[bflag:$0x0] =	sbarrier.arrive $0xFFFF;
	(pc) =	sbr.rel @p0 .LBB2_1-.Ltmp1, $4  }
0x93: {  	[hbm:s8@s15], [sflag:s6] =	dma.strided [spmem:s10@s16], $0x50, s14, $0x10   }
0x94: {  	_ =	swait.ge [sflag:s11], $0x50  }
0x95: {  	[sflag:s11] =	ssyncset.done $0x0  }
0x96: {  	[sflag:s11] =	ssyncadd.s32 $0xFFFFFFB0  }
0x97: {  	_ =	sfence.sel $0x180000  }
0x98: {  	[bflag:$0x0] =	sbarrier.arrive $0xFFFF  }
0x99: {  	p0 =	sne.s32 s0, $0x0;
	_ =	strace $0x90000047  }
0x9a: {  	s0 =	sadd.s32 @!p0 $0x100000, s1;
	[bflag:$0x2] =	sbarrier.arrive $0xFFFF  }
0x9b: {  	[sflag:s0] =	ssyncadd.tile.s32 @!p0 $0x1;
	_ =	shalt  }
.Lfunc_end2:
_tile_overlayer_lowered:
.L_overlay_start_2:
0x9c: {  	(tag) =	ssettag $0x2  }
0x9d: {  	s0 =	rddreg [dreg:$0x0];
	s2 =	stileid.u32  }
0x9e: {  	s1 =	rddreg [dreg:$0x1];
	p0 =	sne.s32 s2, $0x0  }
0x9f: {  	s3 =	rddreg [dreg:$0x2];
	[bflag:$0x3] =	sbarrier.arrive $0xFFFF;
	s2 =	simm.s32 @!p0 $0x1C02  }
0xa0: {  	[timem:s3], [sflag:s2] =	dma.local @!p0 [hbm:s0], s1  }
0xa1: {  	s0 =	simm.s32 @!p0 $0x2  }
0xa2: {  	_ =	swait.ge @!p0 [sflag:s0], s1  }
0xa3: {  	s1 =	ssub.s32 @!p0 $0x0, s1;
	[sflag:s0] =	ssyncset.done @!p0 $0x0  }
0xa4: {  	[sflag:s0] =	ssyncadd.s32 @!p0 s1  }
0xa5: {  	[bflag:$0x3] =	sbarrier.arrive $0xFFFF  }
0xa6: {  	_ =	shalt  }

</sc_bundles>
